<compile_context>
chip_gen: v7x
topology: tpu7x:2x2x1
jax: 0.10.2.dev20260603
libtpu: 0.0.44.dev20260713+nightly
codegen_flags: <defaults>
</compile_context>

<pallas_src>
import functools

import jax
import jax.numpy as jnp
from jax import lax
from jax.experimental import pallas as pl
from jax.experimental.pallas import tpu as pltpu
from jax.experimental.pallas import tpu_sc as plsc

N = 10000
E = 320000
D = 128
L = 3
G = 256
C = 10

NC = 2
NS = 16
NW = NC * NS

EPW = E // NW
K = 128
NFULL = EPW // K
TAIL = EPW - NFULL * K
EPAD = 128
NP = 10240
STRIPE = NP // NS

B = 1000
NB = N // B

_HIGH = jax.lax.Precision.HIGHEST


def _sc_agg_body(hr_hbm, row_hbm, col_hbm, zer_hbm, out0_hbm, out1_hbm,
                 r0, r1, c0, c1, m0, m1, rt, ct, mt, aggsh, sem0, sem1):
    c = lax.axis_index("c")
    s = lax.axis_index("s")
    wid = c * NS + s
    ebase = wid * EPW

    pltpu.sync_copy(zer_hbm, aggsh.at[pl.ds(s * STRIPE, STRIPE)])
    plsc.subcore_barrier()

    pltpu.sync_copy(row_hbm.at[pl.ds(ebase, K)], r0)
    pltpu.sync_copy(col_hbm.at[pl.ds(ebase, K)], c0)
    pltpu.async_copy(hr_hbm.at[r0], m0, sem0)

    def body(g, carry):
        b1 = ebase + (2 * g + 1) * K
        pltpu.sync_copy(row_hbm.at[pl.ds(b1, K)], r1)
        pltpu.sync_copy(col_hbm.at[pl.ds(b1, K)], c1)
        pltpu.async_copy(hr_hbm.at[r1], m1, sem1)
        pltpu.make_async_copy(hr_hbm.at[r0], m0, sem0).wait()
        pltpu.sync_copy(m0, aggsh.at[c0], add=True)
        b2 = ebase + (2 * g + 2) * K
        pltpu.sync_copy(row_hbm.at[pl.ds(b2, K)], r0)
        pltpu.sync_copy(col_hbm.at[pl.ds(b2, K)], c0)
        pltpu.async_copy(hr_hbm.at[r0], m0, sem0)
        pltpu.make_async_copy(hr_hbm.at[r1], m1, sem1).wait()
        pltpu.sync_copy(m1, aggsh.at[c1], add=True)
        return carry

    lax.fori_loop(0, NFULL // 2, body, 0, unroll=False)
    pltpu.make_async_copy(hr_hbm.at[r0], m0, sem0).wait()

    tbase = ebase + NFULL * K
    pltpu.sync_copy(row_hbm.at[pl.ds(tbase, TAIL)], rt)
    pltpu.sync_copy(col_hbm.at[pl.ds(tbase, TAIL)], ct)
    pltpu.async_copy(hr_hbm.at[rt], mt, sem0).wait()
    pltpu.sync_copy(mt, aggsh.at[ct], add=True)

    plsc.subcore_barrier()

    @pl.when(c == 0)
    def _():
        pltpu.sync_copy(aggsh.at[pl.ds(s * STRIPE, STRIPE)],
                        out0_hbm.at[pl.ds(s * STRIPE, STRIPE)])

    @pl.when(c == 1)
    def _():
        pltpu.sync_copy(aggsh.at[pl.ds(s * STRIPE, STRIPE)],
                        out1_hbm.at[pl.ds(s * STRIPE, STRIPE)])


_sc_agg = functools.partial(
    pl.kernel,
    out_type=(jax.ShapeDtypeStruct((NP, D), jnp.float32),
              jax.ShapeDtypeStruct((NP, D), jnp.float32)),
    mesh=plsc.VectorSubcoreMesh(core_axis_name="c", subcore_axis_name="s"),
    scratch_types=[
        pltpu.VMEM((K,), jnp.int32),
        pltpu.VMEM((K,), jnp.int32),
        pltpu.VMEM((K,), jnp.int32),
        pltpu.VMEM((K,), jnp.int32),
        pltpu.VMEM((K, D), jnp.float32),
        pltpu.VMEM((K, D), jnp.float32),
        pltpu.VMEM((TAIL,), jnp.int32),
        pltpu.VMEM((TAIL,), jnp.int32),
        pltpu.VMEM((TAIL, D), jnp.float32),
        pltpu.VMEM_SHARED((NP, D), jnp.float32),
        pltpu.SemaphoreType.DMA,
        pltpu.SemaphoreType.DMA,
    ],
)(_sc_agg_body)


def _dot(a, b):
    return jnp.dot(a, b, preferred_element_type=jnp.float32)


def _hdot(a, b):
    return jnp.dot(a, b, preferred_element_type=jnp.float32, precision=_HIGH)


def _embed_body(x_ref, emb_ref, h_ref, hr_ref):
    oh = (x_ref[...] == lax.broadcasted_iota(jnp.int32, (1, 32), 1))
    h = _hdot(oh.astype(jnp.float32), emb_ref[...])
    h_ref[...] = h
    hr_ref[...] = jnp.maximum(h, 0.0)


_embed = pl.pallas_call(
    _embed_body,
    grid=(NB,),
    in_specs=[pl.BlockSpec((B, 1), lambda i: (i, 0)),
              pl.BlockSpec((32, D), lambda i: (0, 0))],
    out_specs=(pl.BlockSpec((B, D), lambda i: (i, 0)),
               pl.BlockSpec((B, D), lambda i: (i, 0))),
    out_shape=(jax.ShapeDtypeStruct((N, D), jnp.float32),
               jax.ShapeDtypeStruct((N, D), jnp.float32)),
)


def _k1_body(h_ref, a0_ref, a1_ref, eps_ref, w1_ref, b1_ref, z1_ref, st_ref):
    z = (1.0 + eps_ref[...]) * h_ref[...] + a0_ref[...] + a1_ref[...]
    z1 = _dot(z, w1_ref[...]) + b1_ref[...]
    z1_ref[...] = z1

    @pl.when(pl.program_id(0) == 0)
    def _():
        st_ref[...] = jnp.zeros_like(st_ref)

    s1 = jnp.sum(z1, axis=0, keepdims=True)
    s2 = jnp.sum(z1 * z1, axis=0, keepdims=True)
    st_ref[...] += jnp.concatenate([s1, s2], axis=0)


def _make_k1(h2d):
    return pl.pallas_call(
        _k1_body,
        grid=(NB,),
        in_specs=[pl.BlockSpec((B, D), lambda i: (i, 0)),
                  pl.BlockSpec((B, D), lambda i: (i, 0)),
                  pl.BlockSpec((B, D), lambda i: (i, 0)),
                  pl.BlockSpec((1, 1), lambda i: (0, 0)),
                  pl.BlockSpec((D, h2d), lambda i: (0, 0)),
                  pl.BlockSpec((1, h2d), lambda i: (0, 0))],
        out_specs=(pl.BlockSpec((B, h2d), lambda i: (i, 0)),
                   pl.BlockSpec((2, h2d), lambda i: (0, 0))),
        out_shape=(jax.ShapeDtypeStruct((N, h2d), jnp.float32),
                   jax.ShapeDtypeStruct((2, h2d), jnp.float32)),
    )


_k1 = _make_k1(2 * D)


def _norm(z, st_ref, gamma, beta):
    m = st_ref[0:1, :] * (1.0 / N)
    v = st_ref[1:2, :] * (1.0 / N) - m * m
    return (z - m) / jnp.sqrt(v + 1e-5) * gamma + beta


def _k2_body(z1_ref, st_ref, g1_ref, be1_ref, w2_ref, b2_ref, z2_ref, st2_ref):
    z = jnp.maximum(_norm(z1_ref[...], st_ref, g1_ref[...], be1_ref[...]), 0.0)
    z2 = _dot(z, w2_ref[...]) + b2_ref[...]
    z2_ref[...] = z2

    @pl.when(pl.program_id(0) == 0)
    def _():
        st2_ref[...] = jnp.zeros_like(st2_ref)

    s1 = jnp.sum(z2, axis=0, keepdims=True)
    s2 = jnp.sum(z2 * z2, axis=0, keepdims=True)
    st2_ref[...] += jnp.concatenate([s1, s2], axis=0)


_k2 = pl.pallas_call(
    _k2_body,
    grid=(NB,),
    in_specs=[pl.BlockSpec((B, 2 * D), lambda i: (i, 0)),
              pl.BlockSpec((2, 2 * D), lambda i: (0, 0)),
              pl.BlockSpec((1, 2 * D), lambda i: (0, 0)),
              pl.BlockSpec((1, 2 * D), lambda i: (0, 0)),
              pl.BlockSpec((2 * D, D), lambda i: (0, 0)),
              pl.BlockSpec((1, D), lambda i: (0, 0))],
    out_specs=(pl.BlockSpec((B, D), lambda i: (i, 0)),
               pl.BlockSpec((2, D), lambda i: (0, 0))),
    out_shape=(jax.ShapeDtypeStruct((N, D), jnp.float32),
               jax.ShapeDtypeStruct((2, D), jnp.float32)),
)


def _k3_body_relu(z2_ref, st_ref, gbn_ref, bbn_ref, h_ref):
    h_ref[...] = jnp.maximum(
        _norm(z2_ref[...], st_ref, gbn_ref[...], bbn_ref[...]), 0.0)


_k3 = pl.pallas_call(
    _k3_body_relu,
    grid=(NB,),
    in_specs=[pl.BlockSpec((B, D), lambda i: (i, 0)),
              pl.BlockSpec((2, D), lambda i: (0, 0)),
              pl.BlockSpec((1, D), lambda i: (0, 0)),
              pl.BlockSpec((1, D), lambda i: (0, 0))],
    out_specs=pl.BlockSpec((B, D), lambda i: (i, 0)),
    out_shape=jax.ShapeDtypeStruct((N, D), jnp.float32),
)


def _pool_body(z2_ref, st_ref, gbn_ref, bbn_ref, batch_ref,
               wc1_ref, bc1_ref, wc2_ref, bc2_ref, wc3_ref, bc3_ref,
               out_ref, sums_ref, cnt_ref):
    h = _norm(z2_ref[...], st_ref, gbn_ref[...], bbn_ref[...])
    oh = (batch_ref[...] == lax.broadcasted_iota(jnp.int32, (1, G), 1))
    ohf = oh.astype(jnp.float32)
    i = pl.program_id(0)

    @pl.when(i == 0)
    def _():
        sums_ref[...] = jnp.zeros_like(sums_ref)
        cnt_ref[...] = jnp.zeros_like(cnt_ref)

    tdot = functools.partial(lax.dot_general,
                             dimension_numbers=(((0,), (0,)), ((), ())),
                             preferred_element_type=jnp.float32,
                             precision=_HIGH)
    sums_ref[...] += tdot(ohf, h)
    cnt_ref[...] += tdot(ohf, jnp.ones((B, 1), jnp.float32))

    @pl.when(i == NB - 1)
    def _():
        pooled = sums_ref[...] / jnp.maximum(cnt_ref[...], 1.0)
        o = jnp.maximum(_dot(pooled, wc1_ref[...]) + bc1_ref[...], 0.0)
        o = jnp.maximum(_dot(o, wc2_ref[...]) + bc2_ref[...], 0.0)
        out_ref[...] = _dot(o, wc3_ref[...]) + bc3_ref[...]


_pool = pl.pallas_call(
    _pool_body,
    grid=(NB,),
    in_specs=[pl.BlockSpec((B, D), lambda i: (i, 0)),
              pl.BlockSpec((2, D), lambda i: (0, 0)),
              pl.BlockSpec((1, D), lambda i: (0, 0)),
              pl.BlockSpec((1, D), lambda i: (0, 0)),
              pl.BlockSpec((B, 1), lambda i: (i, 0)),
              pl.BlockSpec((D, D // 2), lambda i: (0, 0)),
              pl.BlockSpec((1, D // 2), lambda i: (0, 0)),
              pl.BlockSpec((D // 2, D // 4), lambda i: (0, 0)),
              pl.BlockSpec((1, D // 4), lambda i: (0, 0)),
              pl.BlockSpec((D // 4, C), lambda i: (0, 0)),
              pl.BlockSpec((1, C), lambda i: (0, 0))],
    out_specs=pl.BlockSpec((G, C), lambda i: (0, 0)),
    out_shape=jax.ShapeDtypeStruct((G, C), jnp.float32),
    scratch_shapes=[pltpu.VMEM((G, D), jnp.float32),
                    pltpu.VMEM((G, 1), jnp.float32)],
)


def kernel(x, edge_index, batch, ptr, emb, W1, b1, g1, be1, W2, b2, eps,
           gbn, bbn, Wc1, bc1, Wc2, bc2, Wc3, bc3):
    del ptr
    row = edge_index[0].astype(jnp.int32)
    col = edge_index[1].astype(jnp.int32)
    row_p = jnp.concatenate([row, jnp.zeros((EPAD,), jnp.int32)])
    col_p = jnp.concatenate([col, jnp.zeros((EPAD,), jnp.int32)])
    emb_p = jnp.zeros((32, D), jnp.float32).at[: emb.shape[0]].set(emb)
    zer = jnp.zeros((STRIPE, D), jnp.float32)
    x2 = x.astype(jnp.int32).reshape(N, 1)
    batch2 = batch.astype(jnp.int32).reshape(N, 1)

    h, hr = _embed(x2, emb_p)
    for l in range(L):
        agg0, agg1 = _sc_agg(hr, row_p, col_p, zer)
        z1, st1 = _k1(h, agg0, agg1, eps[l].reshape(1, 1), W1[l],
                      b1[l].reshape(1, 2 * D))
        z2, st2 = _k2(z1, st1, g1[l].reshape(1, 2 * D),
                      be1[l].reshape(1, 2 * D), W2[l], b2[l].reshape(1, D))
        gb = gbn[l].reshape(1, D)
        bb = bbn[l].reshape(1, D)
        if l < L - 1:
            h = _k3(z2, st2, gb, bb)
            hr = h
        else:
            out = _pool(z2, st2, gb, bb, batch2,
                        Wc1, bc1.reshape(1, D // 2),
                        Wc2, bc2.reshape(1, D // 4),
                        Wc3, bc3.reshape(1, C))
    return out

# --- scband reference (transcript-rebuilt; emitter-appended) ---
"""Pipeline reference for scband-gnn-graphpred-6090263626015 (READ-ONLY COPY).

The authoritative reference and input builder live on the scoring server;
editing this copy changes nothing except your own understanding.
"""

import jax, jax.numpy as jnp
import numpy as np

N = 10000
E = 320000
D = 128
L = 3
G = 256
C = 10
V = 21  # NUM_PROTEINS_MASK = 20 + 1


def _bn(z, gamma, beta):
    m = jnp.mean(z, axis=0, keepdims=True)
    v = jnp.var(z, axis=0, keepdims=True)
    return (z - m) / jnp.sqrt(v + 1e-5) * gamma + beta


def setup_inputs(seed: int = 0) -> dict:
    key = jax.random.key(seed)
    ks = jax.random.split(key, 12)
    x = jax.random.randint(ks[0], (N,), 0, V)
    edge_index = jax.random.randint(ks[1], (2, E), 0, N)
    batch = jnp.sort(jax.random.randint(ks[2], (N,), 0, G))
    ptr = jnp.arange(G + 1)
    emb = jax.random.normal(ks[3], (V, D), dtype=jnp.float32) * 0.02
    W1 = jax.random.normal(ks[4], (L, D, 2 * D), dtype=jnp.float32) * 0.05
    b1 = jnp.zeros((L, 2 * D), dtype=jnp.float32)
    g1 = jnp.ones((L, 2 * D), dtype=jnp.float32)
    be1 = jnp.zeros((L, 2 * D), dtype=jnp.float32)
    W2 = jax.random.normal(ks[5], (L, 2 * D, D), dtype=jnp.float32) * 0.05
    b2 = jnp.zeros((L, D), dtype=jnp.float32)
    eps = jnp.zeros((L,), dtype=jnp.float32)
    gbn = jnp.ones((L, D), dtype=jnp.float32)
    bbn = jnp.zeros((L, D), dtype=jnp.float32)
    Wc1 = jax.random.normal(ks[6], (D, D // 2), dtype=jnp.float32) * 0.05
    bc1 = jnp.zeros((D // 2,), dtype=jnp.float32)
    Wc2 = jax.random.normal(ks[7], (D // 2, D // 4), dtype=jnp.float32) * 0.05
    bc2 = jnp.zeros((D // 4,), dtype=jnp.float32)
    Wc3 = jax.random.normal(ks[8], (D // 4, C), dtype=jnp.float32) * 0.05
    bc3 = jnp.zeros((C,), dtype=jnp.float32)
    return {"x": x, "edge_index": edge_index, "batch": batch, "ptr": ptr,
            "emb": emb, "W1": W1, "b1": b1, "g1": g1, "be1": be1,
            "W2": W2, "b2": b2, "eps": eps, "gbn": gbn, "bbn": bbn,
            "Wc1": Wc1, "bc1": bc1, "Wc2": Wc2, "bc2": bc2, "Wc3": Wc3, "bc3": bc3}


def reference(x, edge_index, batch, ptr, emb, W1, b1, g1, be1, W2, b2, eps, gbn, bbn, Wc1, bc1, Wc2, bc2, Wc3, bc3):
    # GNN encoder: token embedding lookup (SparseCore gather)
    h = jnp.take(emb, x, axis=0)
    row = edge_index[0]
    col = edge_index[1]
    for l in range(L):
        # GINConv: message = relu(x_j) gathered from source, scatter-add to dst
        msg = jax.nn.relu(jnp.take(h, row, axis=0))
        agg = jnp.zeros_like(h).at[col].add(msg)
        z = (1.0 + eps[l]) * h + agg
        # MLP: Linear(D, 2D) -> BN -> ReLU -> Linear(2D, D)
        z = z @ W1[l] + b1[l]
        z = _bn(z, g1[l], be1[l])
        z = jax.nn.relu(z)
        z = z @ W2[l] + b2[l]
        # outer per-layer BatchNorm
        h = _bn(z, gbn[l], bbn[l])
        if l < L - 1:
            h = jax.nn.relu(h)
        # dropout p=0.0 -> identity
    # global mean pool by graph id (segment reduce)
    sums = jax.ops.segment_sum(h, batch, num_segments=G)
    cnt = jax.ops.segment_sum(jnp.ones((h.shape[0],), h.dtype), batch, num_segments=G)
    pooled = sums / jnp.clip(cnt, 1.0, None)[:, None]
    # MLP classifier head
    o = jax.nn.relu(pooled @ Wc1 + bc1)
    o = jax.nn.relu(o @ Wc2 + bc2)
    return o @ Wc3 + bc3

if __name__ == "__main__":
    import jax
    _d = setup_inputs()
    print(jax.jit(kernel)(*tuple(_d.values())))

</pallas_src>

<mosaic_0001>
#map = affine_map<(d0, d1) -> (0, 0)>
#map1 = affine_map<(d0, d1) -> (0)>
module attributes {stable_mosaic.version = 14 : i64} {
  func.func @_sc_agg_body(%arg0: i32, %arg1: i32, %arg2: memref<10000x128xf32, #tpu.memory_space<hbm>>, %arg3: memref<320128xi32, #tpu.memory_space<hbm>>, %arg4: memref<320128xi32, #tpu.memory_space<hbm>>, %arg5: memref<640x128xf32, #tpu.memory_space<hbm>>, %arg6: memref<10240x128xf32, #tpu.memory_space<hbm>>, %arg7: memref<10240x128xf32, #tpu.memory_space<hbm>>, %arg8: memref<128xi32, #tpu.memory_space<vmem>>, %arg9: memref<128xi32, #tpu.memory_space<vmem>>, %arg10: memref<128xi32, #tpu.memory_space<vmem>>, %arg11: memref<128xi32, #tpu.memory_space<vmem>>, %arg12: memref<128x128xf32, #tpu.memory_space<vmem>>, %arg13: memref<128x128xf32, #tpu.memory_space<vmem>>, %arg14: memref<16xi32, #tpu.memory_space<vmem>>, %arg15: memref<16xi32, #tpu.memory_space<vmem>>, %arg16: memref<16x128xf32, #tpu.memory_space<vmem>>, %arg17: memref<10240x128xf32, #tpu.memory_space<vmem_shared>>, %arg18: memref<!tpu.dma_semaphore, #tpu.memory_space<semaphore_mem>>, %arg19: memref<!tpu.dma_semaphore, #tpu.memory_space<semaphore_mem>>) attributes {dimension_semantics = [#tpu.dimension_semantics<core_parallel>, #tpu.dimension_semantics<subcore_parallel>], iteration_bounds = array<i64: 2, 16>, scalar_prefetch = 0 : i64, scratch_operands = 12 : i64, tpu.core_type = #tpu.core_type<sc_vector_subcore>, window_params = [{transform_indices = #map}, {transform_indices = #map1}, {transform_indices = #map1}, {transform_indices = #map}, {transform_indices = #map}, {transform_indices = #map}]} {
    %mul3A = arith.constant 16 : i32
    %mul3A_0 = arith.muli %arg0, %mul3A : i32
    %add3A = arith.addi %mul3A_0, %arg1 : i32
    %mul3A_1 = arith.constant 10000 : i32
    %mul3A_2 = arith.muli %add3A, %mul3A_1 : i32
    %mul3A_3 = arith.constant 640 : i32
    %mul3A_4 = arith.muli %arg1, %mul3A_3 : i32
    "tpu.region"() ({
      %run_scoped3A = tpu.sem_alloc : memref<!tpu.dma_semaphore, #tpu.memory_space<semaphore_mem>>
      %dma_start3A_30 = arith.constant 0 : i32
      %dma_start3A_31 = tpu.memref_slice %arg17[%mul3A_4, %dma_start3A_30] : memref<10240x128xf32, #tpu.memory_space<vmem_shared>> -> memref<640x128xf32, #tpu.memory_space<vmem_shared>>
      tpu.enqueue_dma source(%arg5 : memref<640x128xf32, #tpu.memory_space<hbm>>) target(%dma_start3A_31 : memref<640x128xf32, #tpu.memory_space<vmem_shared>>) target_semaphore(%run_scoped3A : memref<!tpu.dma_semaphore, #tpu.memory_space<semaphore_mem>>)
      %dma_wait3A_32 = arith.constant 0 : i32
      %dma_wait3A_33 = tpu.memref_slice %arg17[%mul3A_4, %dma_wait3A_32] : memref<10240x128xf32, #tpu.memory_space<vmem_shared>> -> memref<640x128xf32, #tpu.memory_space<vmem_shared>>
      tpu.wait_dma2 semaphore(%run_scoped3A : memref<!tpu.dma_semaphore, #tpu.memory_space<semaphore_mem>>) src(%arg5 : memref<640x128xf32, #tpu.memory_space<hbm>>) dst(%dma_wait3A_33 : memref<640x128xf32, #tpu.memory_space<vmem_shared>>)
      tpu.yield
    }) : () -> ()
    %barrier3A = arith.constant 0 : index
    tpu.barrier barrier_id(%barrier3A)
    "tpu.region"() ({
      %run_scoped3A = tpu.sem_alloc : memref<!tpu.dma_semaphore, #tpu.memory_space<semaphore_mem>>
      %dma_start3A_30 = tpu.memref_slice %arg3[%mul3A_2] : memref<320128xi32, #tpu.memory_space<hbm>> -> memref<128xi32, #tpu.memory_space<hbm>>
      %dma_start3A_31 = tpu.memref_slice %arg3[%mul3A_2] : memref<320128xi32, #tpu.memory_space<hbm>> -> memref<128xi32, #tpu.memory_space<hbm>>
      tpu.enqueue_dma source(%dma_start3A_31 : memref<128xi32, #tpu.memory_space<hbm>>) target(%arg8 : memref<128xi32, #tpu.memory_space<vmem>>) target_semaphore(%run_scoped3A : memref<!tpu.dma_semaphore, #tpu.memory_space<semaphore_mem>>)
      %dma_wait3A_32 = tpu.memref_slice %arg3[%mul3A_2] : memref<320128xi32, #tpu.memory_space<hbm>> -> memref<128xi32, #tpu.memory_space<hbm>>
      %dma_wait3A_33 = tpu.memref_slice %arg3[%mul3A_2] : memref<320128xi32, #tpu.memory_space<hbm>> -> memref<128xi32, #tpu.memory_space<hbm>>
      tpu.wait_dma2 semaphore(%run_scoped3A : memref<!tpu.dma_semaphore, #tpu.memory_space<semaphore_mem>>) src(%dma_wait3A_33 : memref<128xi32, #tpu.memory_space<hbm>>) dst(%arg8 : memref<128xi32, #tpu.memory_space<vmem>>)
      tpu.yield
    }) : () -> ()
    "tpu.region"() ({
      %run_scoped3A = tpu.sem_alloc : memref<!tpu.dma_semaphore, #tpu.memory_space<semaphore_mem>>
      %dma_start3A_30 = tpu.memref_slice %arg4[%mul3A_2] : memref<320128xi32, #tpu.memory_space<hbm>> -> memref<128xi32, #tpu.memory_space<hbm>>
      %dma_start3A_31 = tpu.memref_slice %arg4[%mul3A_2] : memref<320128xi32, #tpu.memory_space<hbm>> -> memref<128xi32, #tpu.memory_space<hbm>>
      tpu.enqueue_dma source(%dma_start3A_31 : memref<128xi32, #tpu.memory_space<hbm>>) target(%arg10 : memref<128xi32, #tpu.memory_space<vmem>>) target_semaphore(%run_scoped3A : memref<!tpu.dma_semaphore, #tpu.memory_space<semaphore_mem>>)
      %dma_wait3A_32 = tpu.memref_slice %arg4[%mul3A_2] : memref<320128xi32, #tpu.memory_space<hbm>> -> memref<128xi32, #tpu.memory_space<hbm>>
      %dma_wait3A_33 = tpu.memref_slice %arg4[%mul3A_2] : memref<320128xi32, #tpu.memory_space<hbm>> -> memref<128xi32, #tpu.memory_space<hbm>>
      tpu.wait_dma2 semaphore(%run_scoped3A : memref<!tpu.dma_semaphore, #tpu.memory_space<semaphore_mem>>) src(%dma_wait3A_33 : memref<128xi32, #tpu.memory_space<hbm>>) dst(%arg10 : memref<128xi32, #tpu.memory_space<vmem>>)
      tpu.yield
    }) : () -> ()
    %dma_start3A = arith.constant 0 : i32
    %dma_start3A_5 = arith.constant 0 : i32
    %dma_start3A_6 = tpu.memref_slice %arg2[%dma_start3A, %dma_start3A_5] : memref<10000x128xf32, #tpu.memory_space<hbm>> -> memref<10000x128xf32, #tpu.memory_space<hbm>>
    tpu.enqueue_indirect_dma source(%dma_start3A_6 : memref<10000x128xf32, #tpu.memory_space<hbm>>) target(%arg12 : memref<128x128xf32, #tpu.memory_space<vmem>>) offsets(%arg8 : memref<128xi32, #tpu.memory_space<vmem>>) semaphore(%arg18 : memref<!tpu.dma_semaphore, #tpu.memory_space<semaphore_mem>>)
    %scan3A = arith.constant 0 : i32
    %scan3A_7 = arith.constant 0 : i32
    %scan3A_8 = arith.constant 39 : i32
    %scan3A_9 = arith.addi %scan3A_7, %scan3A_8 : i32
    %scan3A_10 = arith.constant 1 : i32
    scf.for %scan3A_30 = %scan3A_7 to %scan3A_9 step %scan3A_10  : i32 {
      %mul3A_31 = arith.constant 2 : i32
      %mul3A_32 = arith.muli %mul3A_31, %scan3A_30 : i32
      %add3A_33 = arith.constant 1 : i32
      %add3A_34 = arith.addi %mul3A_32, %add3A_33 : i32
      %mul3A_35 = arith.constant 128 : i32
      %mul3A_36 = arith.muli %add3A_34, %mul3A_35 : i32
      %add3A_37 = arith.addi %mul3A_2, %mul3A_36 : i32
      "tpu.region"() ({
        %run_scoped3A = tpu.sem_alloc : memref<!tpu.dma_semaphore, #tpu.memory_space<semaphore_mem>>
        %dma_start3A_57 = tpu.memref_slice %arg3[%add3A_37] : memref<320128xi32, #tpu.memory_space<hbm>> -> memref<128xi32, #tpu.memory_space<hbm>>
        %dma_start3A_58 = tpu.memref_slice %arg3[%add3A_37] : memref<320128xi32, #tpu.memory_space<hbm>> -> memref<128xi32, #tpu.memory_space<hbm>>
        tpu.enqueue_dma source(%dma_start3A_58 : memref<128xi32, #tpu.memory_space<hbm>>) target(%arg9 : memref<128xi32, #tpu.memory_space<vmem>>) target_semaphore(%run_scoped3A : memref<!tpu.dma_semaphore, #tpu.memory_space<semaphore_mem>>)
        %dma_wait3A_59 = tpu.memref_slice %arg3[%add3A_37] : memref<320128xi32, #tpu.memory_space<hbm>> -> memref<128xi32, #tpu.memory_space<hbm>>
        %dma_wait3A_60 = tpu.memref_slice %arg3[%add3A_37] : memref<320128xi32, #tpu.memory_space<hbm>> -> memref<128xi32, #tpu.memory_space<hbm>>
        tpu.wait_dma2 semaphore(%run_scoped3A : memref<!tpu.dma_semaphore, #tpu.memory_space<semaphore_mem>>) src(%dma_wait3A_60 : memref<128xi32, #tpu.memory_space<hbm>>) dst(%arg9 : memref<128xi32, #tpu.memory_space<vmem>>)
        tpu.yield
      }) : () -> ()
      "tpu.region"() ({
        %run_scoped3A = tpu.sem_alloc : memref<!tpu.dma_semaphore, #tpu.memory_space<semaphore_mem>>
        %dma_start3A_57 = tpu.memref_slice %arg4[%add3A_37] : memref<320128xi32, #tpu.memory_space<hbm>> -> memref<128xi32, #tpu.memory_space<hbm>>
        %dma_start3A_58 = tpu.memref_slice %arg4[%add3A_37] : memref<320128xi32, #tpu.memory_space<hbm>> -> memref<128xi32, #tpu.memory_space<hbm>>
        tpu.enqueue_dma source(%dma_start3A_58 : memref<128xi32, #tpu.memory_space<hbm>>) target(%arg11 : memref<128xi32, #tpu.memory_space<vmem>>) target_semaphore(%run_scoped3A : memref<!tpu.dma_semaphore, #tpu.memory_space<semaphore_mem>>)
        %dma_wait3A_59 = tpu.memref_slice %arg4[%add3A_37] : memref<320128xi32, #tpu.memory_space<hbm>> -> memref<128xi32, #tpu.memory_space<hbm>>
        %dma_wait3A_60 = tpu.memref_slice %arg4[%add3A_37] : memref<320128xi32, #tpu.memory_space<hbm>> -> memref<128xi32, #tpu.memory_space<hbm>>
        tpu.wait_dma2 semaphore(%run_scoped3A : memref<!tpu.dma_semaphore, #tpu.memory_space<semaphore_mem>>) src(%dma_wait3A_60 : memref<128xi32, #tpu.memory_space<hbm>>) dst(%arg11 : memref<128xi32, #tpu.memory_space<vmem>>)
        tpu.yield
      }) : () -> ()
      %dma_start3A_38 = arith.constant 0 : i32
      %dma_start3A_39 = arith.constant 0 : i32
      %dma_start3A_40 = tpu.memref_slice %arg2[%dma_start3A_38, %dma_start3A_39] : memref<10000x128xf32, #tpu.memory_space<hbm>> -> memref<10000x128xf32, #tpu.memory_space<hbm>>
      tpu.enqueue_indirect_dma source(%dma_start3A_40 : memref<10000x128xf32, #tpu.memory_space<hbm>>) target(%arg13 : memref<128x128xf32, #tpu.memory_space<vmem>>) offsets(%arg9 : memref<128xi32, #tpu.memory_space<vmem>>) semaphore(%arg19 : memref<!tpu.dma_semaphore, #tpu.memory_space<semaphore_mem>>)
      %dma_wait3A_41 = arith.constant 0 : i32
      %dma_wait3A_42 = arith.constant 0 : i32
      %dma_wait3A_43 = tpu.memref_slice %arg2[%dma_wait3A_41, %dma_wait3A_42] : memref<10000x128xf32, #tpu.memory_space<hbm>> -> memref<10000x128xf32, #tpu.memory_space<hbm>>
      tpu.wait_indirect_dma semaphore(%arg18 : memref<!tpu.dma_semaphore, #tpu.memory_space<semaphore_mem>>) src(%dma_wait3A_43 : memref<10000x128xf32, #tpu.memory_space<hbm>>) dst(%arg12 : memref<128x128xf32, #tpu.memory_space<vmem>>)
      "tpu.region"() ({
        %run_scoped3A = tpu.sem_alloc : memref<!tpu.dma_semaphore, #tpu.memory_space<semaphore_mem>>
        %dma_start3A_57 = arith.constant 0 : i32
        %dma_start3A_58 = arith.constant 0 : i32
        %dma_start3A_59 = tpu.memref_slice %arg17[%dma_start3A_57, %dma_start3A_58] : memref<10240x128xf32, #tpu.memory_space<vmem_shared>> -> memref<10240x128xf32, #tpu.memory_space<vmem_shared>>
        tpu.enqueue_indirect_dma source(%arg12 : memref<128x128xf32, #tpu.memory_space<vmem>>) target(%dma_start3A_59 : memref<10240x128xf32, #tpu.memory_space<vmem_shared>>) offsets(%arg10 : memref<128xi32, #tpu.memory_space<vmem>>) semaphore(%run_scoped3A : memref<!tpu.dma_semaphore, #tpu.memory_space<semaphore_mem>>) {add = true}
        %dma_wait3A_60 = arith.constant 0 : i32
        %dma_wait3A_61 = arith.constant 0 : i32
        %dma_wait3A_62 = tpu.memref_slice %arg17[%dma_wait3A_60, %dma_wait3A_61] : memref<10240x128xf32, #tpu.memory_space<vmem_shared>> -> memref<10240x128xf32, #tpu.memory_space<vmem_shared>>
        tpu.wait_indirect_dma semaphore(%run_scoped3A : memref<!tpu.dma_semaphore, #tpu.memory_space<semaphore_mem>>) src(%arg12 : memref<128x128xf32, #tpu.memory_space<vmem>>) dst(%dma_wait3A_62 : memref<10240x128xf32, #tpu.memory_space<vmem_shared>>)
        tpu.yield
      }) : () -> ()
      %mul3A_44 = arith.constant 2 : i32
      %mul3A_45 = arith.muli %mul3A_44, %scan3A_30 : i32
      %add3A_46 = arith.constant 2 : i32
      %add3A_47 = arith.addi %mul3A_45, %add3A_46 : i32
      %mul3A_48 = arith.constant 128 : i32
      %mul3A_49 = arith.muli %add3A_47, %mul3A_48 : i32
      %add3A_50 = arith.addi %mul3A_2, %mul3A_49 : i32
      "tpu.region"() ({
        %run_scoped3A = tpu.sem_alloc : memref<!tpu.dma_semaphore, #tpu.memory_space<semaphore_mem>>
        %dma_start3A_57 = tpu.memref_slice %arg3[%add3A_50] : memref<320128xi32, #tpu.memory_space<hbm>> -> memref<128xi32, #tpu.memory_space<hbm>>
        %dma_start3A_58 = tpu.memref_slice %arg3[%add3A_50] : memref<320128xi32, #tpu.memory_space<hbm>> -> memref<128xi32, #tpu.memory_space<hbm>>
        tpu.enqueue_dma source(%dma_start3A_58 : memref<128xi32, #tpu.memory_space<hbm>>) target(%arg8 : memref<128xi32, #tpu.memory_space<vmem>>) target_semaphore(%run_scoped3A : memref<!tpu.dma_semaphore, #tpu.memory_space<semaphore_mem>>)
        %dma_wait3A_59 = tpu.memref_slice %arg3[%add3A_50] : memref<320128xi32, #tpu.memory_space<hbm>> -> memref<128xi32, #tpu.memory_space<hbm>>
        %dma_wait3A_60 = tpu.memref_slice %arg3[%add3A_50] : memref<320128xi32, #tpu.memory_space<hbm>> -> memref<128xi32, #tpu.memory_space<hbm>>
        tpu.wait_dma2 semaphore(%run_scoped3A : memref<!tpu.dma_semaphore, #tpu.memory_space<semaphore_mem>>) src(%dma_wait3A_60 : memref<128xi32, #tpu.memory_space<hbm>>) dst(%arg8 : memref<128xi32, #tpu.memory_space<vmem>>)
        tpu.yield
      }) : () -> ()
      "tpu.region"() ({
        %run_scoped3A = tpu.sem_alloc : memref<!tpu.dma_semaphore, #tpu.memory_space<semaphore_mem>>
        %dma_start3A_57 = tpu.memref_slice %arg4[%add3A_50] : memref<320128xi32, #tpu.memory_space<hbm>> -> memref<128xi32, #tpu.memory_space<hbm>>
        %dma_start3A_58 = tpu.memref_slice %arg4[%add3A_50] : memref<320128xi32, #tpu.memory_space<hbm>> -> memref<128xi32, #tpu.memory_space<hbm>>
        tpu.enqueue_dma source(%dma_start3A_58 : memref<128xi32, #tpu.memory_space<hbm>>) target(%arg10 : memref<128xi32, #tpu.memory_space<vmem>>) target_semaphore(%run_scoped3A : memref<!tpu.dma_semaphore, #tpu.memory_space<semaphore_mem>>)
        %dma_wait3A_59 = tpu.memref_slice %arg4[%add3A_50] : memref<320128xi32, #tpu.memory_space<hbm>> -> memref<128xi32, #tpu.memory_space<hbm>>
        %dma_wait3A_60 = tpu.memref_slice %arg4[%add3A_50] : memref<320128xi32, #tpu.memory_space<hbm>> -> memref<128xi32, #tpu.memory_space<hbm>>
        tpu.wait_dma2 semaphore(%run_scoped3A : memref<!tpu.dma_semaphore, #tpu.memory_space<semaphore_mem>>) src(%dma_wait3A_60 : memref<128xi32, #tpu.memory_space<hbm>>) dst(%arg10 : memref<128xi32, #tpu.memory_space<vmem>>)
        tpu.yield
      }) : () -> ()
      %dma_start3A_51 = arith.constant 0 : i32
      %dma_start3A_52 = arith.constant 0 : i32
      %dma_start3A_53 = tpu.memref_slice %arg2[%dma_start3A_51, %dma_start3A_52] : memref<10000x128xf32, #tpu.memory_space<hbm>> -> memref<10000x128xf32, #tpu.memory_space<hbm>>
      tpu.enqueue_indirect_dma source(%dma_start3A_53 : memref<10000x128xf32, #tpu.memory_space<hbm>>) target(%arg12 : memref<128x128xf32, #tpu.memory_space<vmem>>) offsets(%arg8 : memref<128xi32, #tpu.memory_space<vmem>>) semaphore(%arg18 : memref<!tpu.dma_semaphore, #tpu.memory_space<semaphore_mem>>)
      %dma_wait3A_54 = arith.constant 0 : i32
      %dma_wait3A_55 = arith.constant 0 : i32
      %dma_wait3A_56 = tpu.memref_slice %arg2[%dma_wait3A_54, %dma_wait3A_55] : memref<10000x128xf32, #tpu.memory_space<hbm>> -> memref<10000x128xf32, #tpu.memory_space<hbm>>
      tpu.wait_indirect_dma semaphore(%arg19 : memref<!tpu.dma_semaphore, #tpu.memory_space<semaphore_mem>>) src(%dma_wait3A_56 : memref<10000x128xf32, #tpu.memory_space<hbm>>) dst(%arg13 : memref<128x128xf32, #tpu.memory_space<vmem>>)
      "tpu.region"() ({
        %run_scoped3A = tpu.sem_alloc : memref<!tpu.dma_semaphore, #tpu.memory_space<semaphore_mem>>
        %dma_start3A_57 = arith.constant 0 : i32
        %dma_start3A_58 = arith.constant 0 : i32
        %dma_start3A_59 = tpu.memref_slice %arg17[%dma_start3A_57, %dma_start3A_58] : memref<10240x128xf32, #tpu.memory_space<vmem_shared>> -> memref<10240x128xf32, #tpu.memory_space<vmem_shared>>
        tpu.enqueue_indirect_dma source(%arg13 : memref<128x128xf32, #tpu.memory_space<vmem>>) target(%dma_start3A_59 : memref<10240x128xf32, #tpu.memory_space<vmem_shared>>) offsets(%arg11 : memref<128xi32, #tpu.memory_space<vmem>>) semaphore(%run_scoped3A : memref<!tpu.dma_semaphore, #tpu.memory_space<semaphore_mem>>) {add = true}
        %dma_wait3A_60 = arith.constant 0 : i32
        %dma_wait3A_61 = arith.constant 0 : i32
        %dma_wait3A_62 = tpu.memref_slice %arg17[%dma_wait3A_60, %dma_wait3A_61] : memref<10240x128xf32, #tpu.memory_space<vmem_shared>> -> memref<10240x128xf32, #tpu.memory_space<vmem_shared>>
        tpu.wait_indirect_dma semaphore(%run_scoped3A : memref<!tpu.dma_semaphore, #tpu.memory_space<semaphore_mem>>) src(%arg13 : memref<128x128xf32, #tpu.memory_space<vmem>>) dst(%dma_wait3A_62 : memref<10240x128xf32, #tpu.memory_space<vmem_shared>>)
        tpu.yield
      }) : () -> ()
    }
    %scan3A_11 = arith.constant 39 : i32
    %dma_wait3A = arith.constant 0 : i32
    %dma_wait3A_12 = arith.constant 0 : i32
    %dma_wait3A_13 = tpu.memref_slice %arg2[%dma_wait3A, %dma_wait3A_12] : memref<10000x128xf32, #tpu.memory_space<hbm>> -> memref<10000x128xf32, #tpu.memory_space<hbm>>
    tpu.wait_indirect_dma semaphore(%arg18 : memref<!tpu.dma_semaphore, #tpu.memory_space<semaphore_mem>>) src(%dma_wait3A_13 : memref<10000x128xf32, #tpu.memory_space<hbm>>) dst(%arg12 : memref<128x128xf32, #tpu.memory_space<vmem>>)
    %add3A_14 = arith.constant 9984 : i32
    %add3A_15 = arith.addi %mul3A_2, %add3A_14 : i32
    "tpu.region"() ({
      %run_scoped3A = tpu.sem_alloc : memref<!tpu.dma_semaphore, #tpu.memory_space<semaphore_mem>>
      %dma_start3A_30 = tpu.memref_slice %arg3[%add3A_15] : memref<320128xi32, #tpu.memory_space<hbm>> -> memref<16xi32, #tpu.memory_space<hbm>>
      %dma_start3A_31 = tpu.memref_slice %arg3[%add3A_15] : memref<320128xi32, #tpu.memory_space<hbm>> -> memref<16xi32, #tpu.memory_space<hbm>>
      tpu.enqueue_dma source(%dma_start3A_31 : memref<16xi32, #tpu.memory_space<hbm>>) target(%arg14 : memref<16xi32, #tpu.memory_space<vmem>>) target_semaphore(%run_scoped3A : memref<!tpu.dma_semaphore, #tpu.memory_space<semaphore_mem>>)
      %dma_wait3A_32 = tpu.memref_slice %arg3[%add3A_15] : memref<320128xi32, #tpu.memory_space<hbm>> -> memref<16xi32, #tpu.memory_space<hbm>>
      %dma_wait3A_33 = tpu.memref_slice %arg3[%add3A_15] : memref<320128xi32, #tpu.memory_space<hbm>> -> memref<16xi32, #tpu.memory_space<hbm>>
      tpu.wait_dma2 semaphore(%run_scoped3A : memref<!tpu.dma_semaphore, #tpu.memory_space<semaphore_mem>>) src(%dma_wait3A_33 : memref<16xi32, #tpu.memory_space<hbm>>) dst(%arg14 : memref<16xi32, #tpu.memory_space<vmem>>)
      tpu.yield
    }) : () -> ()
    "tpu.region"() ({
      %run_scoped3A = tpu.sem_alloc : memref<!tpu.dma_semaphore, #tpu.memory_space<semaphore_mem>>
      %dma_start3A_30 = tpu.memref_slice %arg4[%add3A_15] : memref<320128xi32, #tpu.memory_space<hbm>> -> memref<16xi32, #tpu.memory_space<hbm>>
      %dma_start3A_31 = tpu.memref_slice %arg4[%add3A_15] : memref<320128xi32, #tpu.memory_space<hbm>> -> memref<16xi32, #tpu.memory_space<hbm>>
      tpu.enqueue_dma source(%dma_start3A_31 : memref<16xi32, #tpu.memory_space<hbm>>) target(%arg15 : memref<16xi32, #tpu.memory_space<vmem>>) target_semaphore(%run_scoped3A : memref<!tpu.dma_semaphore, #tpu.memory_space<semaphore_mem>>)
      %dma_wait3A_32 = tpu.memref_slice %arg4[%add3A_15] : memref<320128xi32, #tpu.memory_space<hbm>> -> memref<16xi32, #tpu.memory_space<hbm>>
      %dma_wait3A_33 = tpu.memref_slice %arg4[%add3A_15] : memref<320128xi32, #tpu.memory_space<hbm>> -> memref<16xi32, #tpu.memory_space<hbm>>
      tpu.wait_dma2 semaphore(%run_scoped3A : memref<!tpu.dma_semaphore, #tpu.memory_space<semaphore_mem>>) src(%dma_wait3A_33 : memref<16xi32, #tpu.memory_space<hbm>>) dst(%arg15 : memref<16xi32, #tpu.memory_space<vmem>>)
      tpu.yield
    }) : () -> ()
    %dma_start3A_16 = arith.constant 0 : i32
    %dma_start3A_17 = arith.constant 0 : i32
    %dma_start3A_18 = tpu.memref_slice %arg2[%dma_start3A_16, %dma_start3A_17] : memref<10000x128xf32, #tpu.memory_space<hbm>> -> memref<10000x128xf32, #tpu.memory_space<hbm>>
    tpu.enqueue_indirect_dma source(%dma_start3A_18 : memref<10000x128xf32, #tpu.memory_space<hbm>>) target(%arg16 : memref<16x128xf32, #tpu.memory_space<vmem>>) offsets(%arg14 : memref<16xi32, #tpu.memory_space<vmem>>) semaphore(%arg18 : memref<!tpu.dma_semaphore, #tpu.memory_space<semaphore_mem>>)
    %dma_wait3A_19 = arith.constant 0 : i32
    %dma_wait3A_20 = arith.constant 0 : i32
    %dma_wait3A_21 = tpu.memref_slice %arg2[%dma_wait3A_19, %dma_wait3A_20] : memref<10000x128xf32, #tpu.memory_space<hbm>> -> memref<10000x128xf32, #tpu.memory_space<hbm>>
    tpu.wait_indirect_dma semaphore(%arg18 : memref<!tpu.dma_semaphore, #tpu.memory_space<semaphore_mem>>) src(%dma_wait3A_21 : memref<10000x128xf32, #tpu.memory_space<hbm>>) dst(%arg16 : memref<16x128xf32, #tpu.memory_space<vmem>>)
    "tpu.region"() ({
      %run_scoped3A = tpu.sem_alloc : memref<!tpu.dma_semaphore, #tpu.memory_space<semaphore_mem>>
      %dma_start3A_30 = arith.constant 0 : i32
      %dma_start3A_31 = arith.constant 0 : i32
      %dma_start3A_32 = tpu.memref_slice %arg17[%dma_start3A_30, %dma_start3A_31] : memref<10240x128xf32, #tpu.memory_space<vmem_shared>> -> memref<10240x128xf32, #tpu.memory_space<vmem_shared>>
      tpu.enqueue_indirect_dma source(%arg16 : memref<16x128xf32, #tpu.memory_space<vmem>>) target(%dma_start3A_32 : memref<10240x128xf32, #tpu.memory_space<vmem_shared>>) offsets(%arg15 : memref<16xi32, #tpu.memory_space<vmem>>) semaphore(%run_scoped3A : memref<!tpu.dma_semaphore, #tpu.memory_space<semaphore_mem>>) {add = true}
      %dma_wait3A_33 = arith.constant 0 : i32
      %dma_wait3A_34 = arith.constant 0 : i32
      %dma_wait3A_35 = tpu.memref_slice %arg17[%dma_wait3A_33, %dma_wait3A_34] : memref<10240x128xf32, #tpu.memory_space<vmem_shared>> -> memref<10240x128xf32, #tpu.memory_space<vmem_shared>>
      tpu.wait_indirect_dma semaphore(%run_scoped3A : memref<!tpu.dma_semaphore, #tpu.memory_space<semaphore_mem>>) src(%arg16 : memref<16x128xf32, #tpu.memory_space<vmem>>) dst(%dma_wait3A_35 : memref<10240x128xf32, #tpu.memory_space<vmem_shared>>)
      tpu.yield
    }) : () -> ()
    %barrier3A_22 = arith.constant 0 : index
    tpu.barrier barrier_id(%barrier3A_22)
    %eq3A = arith.constant 0 : i32
    %eq3A_23 = arith.cmpi eq, %arg0, %eq3A : i32
    %convert_element_type3A = arith.extui %eq3A_23 : i1 to i32
    %cond3A = arith.constant 0 : i32
    %cond3A_24 = arith.cmpi ne, %convert_element_type3A, %cond3A : i32
    scf.if %cond3A_24 {
      %mul3A_30 = arith.constant 640 : i32
      %mul3A_31 = arith.muli %arg1, %mul3A_30 : i32
      %mul3A_32 = arith.constant 640 : i32
      %mul3A_33 = arith.muli %arg1, %mul3A_32 : i32
      "tpu.region"() ({
        %run_scoped3A = tpu.sem_alloc : memref<!tpu.dma_semaphore, #tpu.memory_space<semaphore_mem>>
        %dma_start3A_34 = arith.constant 0 : i32
        %dma_start3A_35 = tpu.memref_slice %arg6[%mul3A_33, %dma_start3A_34] : memref<10240x128xf32, #tpu.memory_space<hbm>> -> memref<640x128xf32, #tpu.memory_space<hbm>>
        %dma_start3A_36 = arith.constant 0 : i32
        %dma_start3A_37 = tpu.memref_slice %arg17[%mul3A_31, %dma_start3A_36] : memref<10240x128xf32, #tpu.memory_space<vmem_shared>> -> memref<640x128xf32, #tpu.memory_space<vmem_shared>>
        tpu.enqueue_dma source(%dma_start3A_37 : memref<640x128xf32, #tpu.memory_space<vmem_shared>>) target(%dma_start3A_35 : memref<640x128xf32, #tpu.memory_space<hbm>>) target_semaphore(%run_scoped3A : memref<!tpu.dma_semaphore, #tpu.memory_space<semaphore_mem>>)
        %dma_wait3A_38 = arith.constant 0 : i32
        %dma_wait3A_39 = tpu.memref_slice %arg6[%mul3A_33, %dma_wait3A_38] : memref<10240x128xf32, #tpu.memory_space<hbm>> -> memref<640x128xf32, #tpu.memory_space<hbm>>
        %dma_wait3A_40 = arith.constant 0 : i32
        %dma_wait3A_41 = tpu.memref_slice %arg17[%mul3A_31, %dma_wait3A_40] : memref<10240x128xf32, #tpu.memory_space<vmem_shared>> -> memref<640x128xf32, #tpu.memory_space<vmem_shared>>
        tpu.wait_dma2 semaphore(%run_scoped3A : memref<!tpu.dma_semaphore, #tpu.memory_space<semaphore_mem>>) src(%dma_wait3A_41 : memref<640x128xf32, #tpu.memory_space<vmem_shared>>) dst(%dma_wait3A_39 : memref<640x128xf32, #tpu.memory_space<hbm>>)
        tpu.yield
      }) : () -> ()
    } else {
    }
    %eq3A_25 = arith.constant 1 : i32
    %eq3A_26 = arith.cmpi eq, %arg0, %eq3A_25 : i32
    %convert_element_type3A_27 = arith.extui %eq3A_26 : i1 to i32
    %cond3A_28 = arith.constant 0 : i32
    %cond3A_29 = arith.cmpi ne, %convert_element_type3A_27, %cond3A_28 : i32
    scf.if %cond3A_29 {
      %mul3A_30 = arith.constant 640 : i32
      %mul3A_31 = arith.muli %arg1, %mul3A_30 : i32
      %mul3A_32 = arith.constant 640 : i32
      %mul3A_33 = arith.muli %arg1, %mul3A_32 : i32
      "tpu.region"() ({
        %run_scoped3A = tpu.sem_alloc : memref<!tpu.dma_semaphore, #tpu.memory_space<semaphore_mem>>
        %dma_start3A_34 = arith.constant 0 : i32
        %dma_start3A_35 = tpu.memref_slice %arg7[%mul3A_33, %dma_start3A_34] : memref<10240x128xf32, #tpu.memory_space<hbm>> -> memref<640x128xf32, #tpu.memory_space<hbm>>
        %dma_start3A_36 = arith.constant 0 : i32
        %dma_start3A_37 = tpu.memref_slice %arg17[%mul3A_31, %dma_start3A_36] : memref<10240x128xf32, #tpu.memory_space<vmem_shared>> -> memref<640x128xf32, #tpu.memory_space<vmem_shared>>
        tpu.enqueue_dma source(%dma_start3A_37 : memref<640x128xf32, #tpu.memory_space<vmem_shared>>) target(%dma_start3A_35 : memref<640x128xf32, #tpu.memory_space<hbm>>) target_semaphore(%run_scoped3A : memref<!tpu.dma_semaphore, #tpu.memory_space<semaphore_mem>>)
        %dma_wait3A_38 = arith.constant 0 : i32
        %dma_wait3A_39 = tpu.memref_slice %arg7[%mul3A_33, %dma_wait3A_38] : memref<10240x128xf32, #tpu.memory_space<hbm>> -> memref<640x128xf32, #tpu.memory_space<hbm>>
        %dma_wait3A_40 = arith.constant 0 : i32
        %dma_wait3A_41 = tpu.memref_slice %arg17[%mul3A_31, %dma_wait3A_40] : memref<10240x128xf32, #tpu.memory_space<vmem_shared>> -> memref<640x128xf32, #tpu.memory_space<vmem_shared>>
        tpu.wait_dma2 semaphore(%run_scoped3A : memref<!tpu.dma_semaphore, #tpu.memory_space<semaphore_mem>>) src(%dma_wait3A_41 : memref<640x128xf32, #tpu.memory_space<vmem_shared>>) dst(%dma_wait3A_39 : memref<640x128xf32, #tpu.memory_space<hbm>>)
        tpu.yield
      }) : () -> ()
    } else {
    }
    return
  }
}

#map = affine_map<(d0, d1) -> (0, 0)>
#map1 = affine_map<(d0, d1) -> (0)>
module attributes {stable_mosaic.version = 14 : i64} {
  func.func @_sc_agg_body(%arg0: i32, %arg1: i32, %arg2: memref<10000x128xf32, #tpu.memory_space<hbm>>, %arg3: memref<320128xi32, #tpu.memory_space<hbm>>, %arg4: memref<320128xi32, #tpu.memory_space<hbm>>, %arg5: memref<640x128xf32, #tpu.memory_space<hbm>>, %arg6: memref<10240x128xf32, #tpu.memory_space<hbm>>, %arg7: memref<10240x128xf32, #tpu.memory_space<hbm>>, %arg8: memref<128xi32, #tpu.memory_space<vmem>>, %arg9: memref<128xi32, #tpu.memory_space<vmem>>, %arg10: memref<128xi32, #tpu.memory_space<vmem>>, %arg11: memref<128xi32, #tpu.memory_space<vmem>>, %arg12: memref<128x128xf32, #tpu.memory_space<vmem>>, %arg13: memref<128x128xf32, #tpu.memory_space<vmem>>, %arg14: memref<16xi32, #tpu.memory_space<vmem>>, %arg15: memref<16xi32, #tpu.memory_space<vmem>>, %arg16: memref<16x128xf32, #tpu.memory_space<vmem>>, %arg17: memref<10240x128xf32, #tpu.memory_space<vmem_shared>>, %arg18: memref<!tpu.dma_semaphore, #tpu.memory_space<semaphore_mem>>, %arg19: memref<!tpu.dma_semaphore, #tpu.memory_space<semaphore_mem>>) attributes {dimension_semantics = [#tpu.dimension_semantics<core_parallel>, #tpu.dimension_semantics<subcore_parallel>], iteration_bounds = array<i64: 2, 16>, scalar_prefetch = 0 : i64, scratch_operands = 12 : i64, tpu.core_type = #tpu.core_type<sc_vector_subcore>, window_params = [{transform_indices = #map}, {transform_indices = #map1}, {transform_indices = #map1}, {transform_indices = #map}, {transform_indices = #map}, {transform_indices = #map}]} {
    %mul3A = arith.constant 16 : i32
    %mul3A_0 = arith.muli %arg0, %mul3A : i32
    %add3A = arith.addi %mul3A_0, %arg1 : i32
    %mul3A_1 = arith.constant 10000 : i32
    %mul3A_2 = arith.muli %add3A, %mul3A_1 : i32
    %mul3A_3 = arith.constant 640 : i32
    %mul3A_4 = arith.muli %arg1, %mul3A_3 : i32
    "tpu.region"() ({
      %run_scoped3A = tpu.sem_alloc : memref<!tpu.dma_semaphore, #tpu.memory_space<semaphore_mem>>
      %dma_start3A_30 = arith.constant 0 : i32
      %dma_start3A_31 = tpu.memref_slice %arg17[%mul3A_4, %dma_start3A_30] : memref<10240x128xf32, #tpu.memory_space<vmem_shared>> -> memref<640x128xf32, #tpu.memory_space<vmem_shared>>
      tpu.enqueue_dma source(%arg5 : memref<640x128xf32, #tpu.memory_space<hbm>>) target(%dma_start3A_31 : memref<640x128xf32, #tpu.memory_space<vmem_shared>>) target_semaphore(%run_scoped3A : memref<!tpu.dma_semaphore, #tpu.memory_space<semaphore_mem>>)
      %dma_wait3A_32 = arith.constant 0 : i32
      %dma_wait3A_33 = tpu.memref_slice %arg17[%mul3A_4, %dma_wait3A_32] : memref<10240x128xf32, #tpu.memory_space<vmem_shared>> -> memref<640x128xf32, #tpu.memory_space<vmem_shared>>
      tpu.wait_dma2 semaphore(%run_scoped3A : memref<!tpu.dma_semaphore, #tpu.memory_space<semaphore_mem>>) src(%arg5 : memref<640x128xf32, #tpu.memory_space<hbm>>) dst(%dma_wait3A_33 : memref<640x128xf32, #tpu.memory_space<vmem_shared>>)
      tpu.yield
    }) : () -> ()
    %barrier3A = arith.constant 0 : index
    tpu.barrier barrier_id(%barrier3A)
    "tpu.region"() ({
      %run_scoped3A = tpu.sem_alloc : memref<!tpu.dma_semaphore, #tpu.memory_space<semaphore_mem>>
      %dma_start3A_30 = tpu.memref_slice %arg3[%mul3A_2] : memref<320128xi32, #tpu.memory_space<hbm>> -> memref<128xi32, #tpu.memory_space<hbm>>
      %dma_start3A_31 = tpu.memref_slice %arg3[%mul3A_2] : memref<320128xi32, #tpu.memory_space<hbm>> -> memref<128xi32, #tpu.memory_space<hbm>>
      tpu.enqueue_dma source(%dma_start3A_31 : memref<128xi32, #tpu.memory_space<hbm>>) target(%arg8 : memref<128xi32, #tpu.memory_space<vmem>>) target_semaphore(%run_scoped3A : memref<!tpu.dma_semaphore, #tpu.memory_space<semaphore_mem>>)
      %dma_wait3A_32 = tpu.memref_slice %arg3[%mul3A_2] : memref<320128xi32, #tpu.memory_space<hbm>> -> memref<128xi32, #tpu.memory_space<hbm>>
      %dma_wait3A_33 = tpu.memref_slice %arg3[%mul3A_2] : memref<320128xi32, #tpu.memory_space<hbm>> -> memref<128xi32, #tpu.memory_space<hbm>>
      tpu.wait_dma2 semaphore(%run_scoped3A : memref<!tpu.dma_semaphore, #tpu.memory_space<semaphore_mem>>) src(%dma_wait3A_33 : memref<128xi32, #tpu.memory_space<hbm>>) dst(%arg8 : memref<128xi32, #tpu.memory_space<vmem>>)
      tpu.yield
    }) : () -> ()
    "tpu.region"() ({
      %run_scoped3A = tpu.sem_alloc : memref<!tpu.dma_semaphore, #tpu.memory_space<semaphore_mem>>
      %dma_start3A_30 = tpu.memref_slice %arg4[%mul3A_2] : memref<320128xi32, #tpu.memory_space<hbm>> -> memref<128xi32, #tpu.memory_space<hbm>>
      %dma_start3A_31 = tpu.memref_slice %arg4[%mul3A_2] : memref<320128xi32, #tpu.memory_space<hbm>> -> memref<128xi32, #tpu.memory_space<hbm>>
      tpu.enqueue_dma source(%dma_start3A_31 : memref<128xi32, #tpu.memory_space<hbm>>) target(%arg10 : memref<128xi32, #tpu.memory_space<vmem>>) target_semaphore(%run_scoped3A : memref<!tpu.dma_semaphore, #tpu.memory_space<semaphore_mem>>)
      %dma_wait3A_32 = tpu.memref_slice %arg4[%mul3A_2] : memref<320128xi32, #tpu.memory_space<hbm>> -> memref<128xi32, #tpu.memory_space<hbm>>
      %dma_wait3A_33 = tpu.memref_slice %arg4[%mul3A_2] : memref<320128xi32, #tpu.memory_space<hbm>> -> memref<128xi32, #tpu.memory_space<hbm>>
      tpu.wait_dma2 semaphore(%run_scoped3A : memref<!tpu.dma_semaphore, #tpu.memory_space<semaphore_mem>>) src(%dma_wait3A_33 : memref<128xi32, #tpu.memory_space<hbm>>) dst(%arg10 : memref<128xi32, #tpu.memory_space<vmem>>)
      tpu.yield
    }) : () -> ()
    %dma_start3A = arith.constant 0 : i32
    %dma_start3A_5 = arith.constant 0 : i32
    %dma_start3A_6 = tpu.memref_slice %arg2[%dma_start3A, %dma_start3A_5] : memref<10000x128xf32, #tpu.memory_space<hbm>> -> memref<10000x128xf32, #tpu.memory_space<hbm>>
    tpu.enqueue_indirect_dma source(%dma_start3A_6 : memref<10000x128xf32, #tpu.memory_space<hbm>>) target(%arg12 : memref<128x128xf32, #tpu.memory_space<vmem>>) offsets(%arg8 : memref<128xi32, #tpu.memory_space<vmem>>) semaphore(%arg18 : memref<!tpu.dma_semaphore, #tpu.memory_space<semaphore_mem>>)
    %scan3A = arith.constant 0 : i32
    %scan3A_7 = arith.constant 0 : i32
    %scan3A_8 = arith.constant 39 : i32
    %scan3A_9 = arith.addi %scan3A_7, %scan3A_8 : i32
    %scan3A_10 = arith.constant 1 : i32
    scf.for %scan3A_30 = %scan3A_7 to %scan3A_9 step %scan3A_10  : i32 {
      %mul3A_31 = arith.constant 2 : i32
      %mul3A_32 = arith.muli %mul3A_31, %scan3A_30 : i32
      %add3A_33 = arith.constant 1 : i32
      %add3A_34 = arith.addi %mul3A_32, %add3A_33 : i32
      %mul3A_35 = arith.constant 128 : i32
      %mul3A_36 = arith.muli %add3A_34, %mul3A_35 : i32
      %add3A_37 = arith.addi %mul3A_2, %mul3A_36 : i32
      "tpu.region"() ({
        %run_scoped3A = tpu.sem_alloc : memref<!tpu.dma_semaphore, #tpu.memory_space<semaphore_mem>>
        %dma_start3A_57 = tpu.memref_slice %arg3[%add3A_37] : memref<320128xi32, #tpu.memory_space<hbm>> -> memref<128xi32, #tpu.memory_space<hbm>>
        %dma_start3A_58 = tpu.memref_slice %arg3[%add3A_37] : memref<320128xi32, #tpu.memory_space<hbm>> -> memref<128xi32, #tpu.memory_space<hbm>>
        tpu.enqueue_dma source(%dma_start3A_58 : memref<128xi32, #tpu.memory_space<hbm>>) target(%arg9 : memref<128xi32, #tpu.memory_space<vmem>>) target_semaphore(%run_scoped3A : memref<!tpu.dma_semaphore, #tpu.memory_space<semaphore_mem>>)
        %dma_wait3A_59 = tpu.memref_slice %arg3[%add3A_37] : memref<320128xi32, #tpu.memory_space<hbm>> -> memref<128xi32, #tpu.memory_space<hbm>>
        %dma_wait3A_60 = tpu.memref_slice %arg3[%add3A_37] : memref<320128xi32, #tpu.memory_space<hbm>> -> memref<128xi32, #tpu.memory_space<hbm>>
        tpu.wait_dma2 semaphore(%run_scoped3A : memref<!tpu.dma_semaphore, #tpu.memory_space<semaphore_mem>>) src(%dma_wait3A_60 : memref<128xi32, #tpu.memory_space<hbm>>) dst(%arg9 : memref<128xi32, #tpu.memory_space<vmem>>)
        tpu.yield
      }) : () -> ()
      "tpu.region"() ({
        %run_scoped3A = tpu.sem_alloc : memref<!tpu.dma_semaphore, #tpu.memory_space<semaphore_mem>>
        %dma_start3A_57 = tpu.memref_slice %arg4[%add3A_37] : memref<320128xi32, #tpu.memory_space<hbm>> -> memref<128xi32, #tpu.memory_space<hbm>>
        %dma_start3A_58 = tpu.memref_slice %arg4[%add3A_37] : memref<320128xi32, #tpu.memory_space<hbm>> -> memref<128xi32, #tpu.memory_space<hbm>>
        tpu.enqueue_dma source(%dma_start3A_58 : memref<128xi32, #tpu.memory_space<hbm>>) target(%arg11 : memref<128xi32, #tpu.memory_space<vmem>>) target_semaphore(%run_scoped3A : memref<!tpu.dma_semaphore, #tpu.memory_space<semaphore_mem>>)
        %dma_wait3A_59 = tpu.memref_slice %arg4[%add3A_37] : memref<320128xi32, #tpu.memory_space<hbm>> -> memref<128xi32, #tpu.memory_space<hbm>>
        %dma_wait3A_60 = tpu.memref_slice %arg4[%add3A_37] : memref<320128xi32, #tpu.memory_space<hbm>> -> memref<128xi32, #tpu.memory_space<hbm>>
        tpu.wait_dma2 semaphore(%run_scoped3A : memref<!tpu.dma_semaphore, #tpu.memory_space<semaphore_mem>>) src(%dma_wait3A_60 : memref<128xi32, #tpu.memory_space<hbm>>) dst(%arg11 : memref<128xi32, #tpu.memory_space<vmem>>)
        tpu.yield
      }) : () -> ()
      %dma_start3A_38 = arith.constant 0 : i32
      %dma_start3A_39 = arith.constant 0 : i32
      %dma_start3A_40 = tpu.memref_slice %arg2[%dma_start3A_38, %dma_start3A_39] : memref<10000x128xf32, #tpu.memory_space<hbm>> -> memref<10000x128xf32, #tpu.memory_space<hbm>>
      tpu.enqueue_indirect_dma source(%dma_start3A_40 : memref<10000x128xf32, #tpu.memory_space<hbm>>) target(%arg13 : memref<128x128xf32, #tpu.memory_space<vmem>>) offsets(%arg9 : memref<128xi32, #tpu.memory_space<vmem>>) semaphore(%arg19 : memref<!tpu.dma_semaphore, #tpu.memory_space<semaphore_mem>>)
      %dma_wait3A_41 = arith.constant 0 : i32
      %dma_wait3A_42 = arith.constant 0 : i32
      %dma_wait3A_43 = tpu.memref_slice %arg2[%dma_wait3A_41, %dma_wait3A_42] : memref<10000x128xf32, #tpu.memory_space<hbm>> -> memref<10000x128xf32, #tpu.memory_space<hbm>>
      tpu.wait_indirect_dma semaphore(%arg18 : memref<!tpu.dma_semaphore, #tpu.memory_space<semaphore_mem>>) src(%dma_wait3A_43 : memref<10000x128xf32, #tpu.memory_space<hbm>>) dst(%arg12 : memref<128x128xf32, #tpu.memory_space<vmem>>)
      "tpu.region"() ({
        %run_scoped3A = tpu.sem_alloc : memref<!tpu.dma_semaphore, #tpu.memory_space<semaphore_mem>>
        %dma_start3A_57 = arith.constant 0 : i32
        %dma_start3A_58 = arith.constant 0 : i32
        %dma_start3A_59 = tpu.memref_slice %arg17[%dma_start3A_57, %dma_start3A_58] : memref<10240x128xf32, #tpu.memory_space<vmem_shared>> -> memref<10240x128xf32, #tpu.memory_space<vmem_shared>>
        tpu.enqueue_indirect_dma source(%arg12 : memref<128x128xf32, #tpu.memory_space<vmem>>) target(%dma_start3A_59 : memref<10240x128xf32, #tpu.memory_space<vmem_shared>>) offsets(%arg10 : memref<128xi32, #tpu.memory_space<vmem>>) semaphore(%run_scoped3A : memref<!tpu.dma_semaphore, #tpu.memory_space<semaphore_mem>>) {add = true}
        %dma_wait3A_60 = arith.constant 0 : i32
        %dma_wait3A_61 = arith.constant 0 : i32
        %dma_wait3A_62 = tpu.memref_slice %arg17[%dma_wait3A_60, %dma_wait3A_61] : memref<10240x128xf32, #tpu.memory_space<vmem_shared>> -> memref<10240x128xf32, #tpu.memory_space<vmem_shared>>
        tpu.wait_indirect_dma semaphore(%run_scoped3A : memref<!tpu.dma_semaphore, #tpu.memory_space<semaphore_mem>>) src(%arg12 : memref<128x128xf32, #tpu.memory_space<vmem>>) dst(%dma_wait3A_62 : memref<10240x128xf32, #tpu.memory_space<vmem_shared>>)
        tpu.yield
      }) : () -> ()
      %mul3A_44 = arith.constant 2 : i32
      %mul3A_45 = arith.muli %mul3A_44, %scan3A_30 : i32
      %add3A_46 = arith.constant 2 : i32
      %add3A_47 = arith.addi %mul3A_45, %add3A_46 : i32
      %mul3A_48 = arith.constant 128 : i32
      %mul3A_49 = arith.muli %add3A_47, %mul3A_48 : i32
      %add3A_50 = arith.addi %mul3A_2, %mul3A_49 : i32
      "tpu.region"() ({
        %run_scoped3A = tpu.sem_alloc : memref<!tpu.dma_semaphore, #tpu.memory_space<semaphore_mem>>
        %dma_start3A_57 = tpu.memref_slice %arg3[%add3A_50] : memref<320128xi32, #tpu.memory_space<hbm>> -> memref<128xi32, #tpu.memory_space<hbm>>
        %dma_start3A_58 = tpu.memref_slice %arg3[%add3A_50] : memref<320128xi32, #tpu.memory_space<hbm>> -> memref<128xi32, #tpu.memory_space<hbm>>
        tpu.enqueue_dma source(%dma_start3A_58 : memref<128xi32, #tpu.memory_space<hbm>>) target(%arg8 : memref<128xi32, #tpu.memory_space<vmem>>) target_semaphore(%run_scoped3A : memref<!tpu.dma_semaphore, #tpu.memory_space<semaphore_mem>>)
        %dma_wait3A_59 = tpu.memref_slice %arg3[%add3A_50] : memref<320128xi32, #tpu.memory_space<hbm>> -> memref<128xi32, #tpu.memory_space<hbm>>
        %dma_wait3A_60 = tpu.memref_slice %arg3[%add3A_50] : memref<320128xi32, #tpu.memory_space<hbm>> -> memref<128xi32, #tpu.memory_space<hbm>>
        tpu.wait_dma2 semaphore(%run_scoped3A : memref<!tpu.dma_semaphore, #tpu.memory_space<semaphore_mem>>) src(%dma_wait3A_60 : memref<128xi32, #tpu.memory_space<hbm>>) dst(%arg8 : memref<128xi32, #tpu.memory_space<vmem>>)
        tpu.yield
      }) : () -> ()
      "tpu.region"() ({
        %run_scoped3A = tpu.sem_alloc : memref<!tpu.dma_semaphore, #tpu.memory_space<semaphore_mem>>
        %dma_start3A_57 = tpu.memref_slice %arg4[%add3A_50] : memref<320128xi32, #tpu.memory_space<hbm>> -> memref<128xi32, #tpu.memory_space<hbm>>
        %dma_start3A_58 = tpu.memref_slice %arg4[%add3A_50] : memref<320128xi32, #tpu.memory_space<hbm>> -> memref<128xi32, #tpu.memory_space<hbm>>
        tpu.enqueue_dma source(%dma_start3A_58 : memref<128xi32, #tpu.memory_space<hbm>>) target(%arg10 : memref<128xi32, #tpu.memory_space<vmem>>) target_semaphore(%run_scoped3A : memref<!tpu.dma_semaphore, #tpu.memory_space<semaphore_mem>>)
        %dma_wait3A_59 = tpu.memref_slice %arg4[%add3A_50] : memref<320128xi32, #tpu.memory_space<hbm>> -> memref<128xi32, #tpu.memory_space<hbm>>
        %dma_wait3A_60 = tpu.memref_slice %arg4[%add3A_50] : memref<320128xi32, #tpu.memory_space<hbm>> -> memref<128xi32, #tpu.memory_space<hbm>>
        tpu.wait_dma2 semaphore(%run_scoped3A : memref<!tpu.dma_semaphore, #tpu.memory_space<semaphore_mem>>) src(%dma_wait3A_60 : memref<128xi32, #tpu.memory_space<hbm>>) dst(%arg10 : memref<128xi32, #tpu.memory_space<vmem>>)
        tpu.yield
      }) : () -> ()
      %dma_start3A_51 = arith.constant 0 : i32
      %dma_start3A_52 = arith.constant 0 : i32
      %dma_start3A_53 = tpu.memref_slice %arg2[%dma_start3A_51, %dma_start3A_52] : memref<10000x128xf32, #tpu.memory_space<hbm>> -> memref<10000x128xf32, #tpu.memory_space<hbm>>
      tpu.enqueue_indirect_dma source(%dma_start3A_53 : memref<10000x128xf32, #tpu.memory_space<hbm>>) target(%arg12 : memref<128x128xf32, #tpu.memory_space<vmem>>) offsets(%arg8 : memref<128xi32, #tpu.memory_space<vmem>>) semaphore(%arg18 : memref<!tpu.dma_semaphore, #tpu.memory_space<semaphore_mem>>)
      %dma_wait3A_54 = arith.constant 0 : i32
      %dma_wait3A_55 = arith.constant 0 : i32
      %dma_wait3A_56 = tpu.memref_slice %arg2[%dma_wait3A_54, %dma_wait3A_55] : memref<10000x128xf32, #tpu.memory_space<hbm>> -> memref<10000x128xf32, #tpu.memory_space<hbm>>
      tpu.wait_indirect_dma semaphore(%arg19 : memref<!tpu.dma_semaphore, #tpu.memory_space<semaphore_mem>>) src(%dma_wait3A_56 : memref<10000x128xf32, #tpu.memory_space<hbm>>) dst(%arg13 : memref<128x128xf32, #tpu.memory_space<vmem>>)
      "tpu.region"() ({
        %run_scoped3A = tpu.sem_alloc : memref<!tpu.dma_semaphore, #tpu.memory_space<semaphore_mem>>
        %dma_start3A_57 = arith.constant 0 : i32
        %dma_start3A_58 = arith.constant 0 : i32
        %dma_start3A_59 = tpu.memref_slice %arg17[%dma_start3A_57, %dma_start3A_58] : memref<10240x128xf32, #tpu.memory_space<vmem_shared>> -> memref<10240x128xf32, #tpu.memory_space<vmem_shared>>
        tpu.enqueue_indirect_dma source(%arg13 : memref<128x128xf32, #tpu.memory_space<vmem>>) target(%dma_start3A_59 : memref<10240x128xf32, #tpu.memory_space<vmem_shared>>) offsets(%arg11 : memref<128xi32, #tpu.memory_space<vmem>>) semaphore(%run_scoped3A : memref<!tpu.dma_semaphore, #tpu.memory_space<semaphore_mem>>) {add = true}
        %dma_wait3A_60 = arith.constant 0 : i32
        %dma_wait3A_61 = arith.constant 0 : i32
        %dma_wait3A_62 = tpu.memref_slice %arg17[%dma_wait3A_60, %dma_wait3A_61] : memref<10240x128xf32, #tpu.memory_space<vmem_shared>> -> memref<10240x128xf32, #tpu.memory_space<vmem_shared>>
        tpu.wait_indirect_dma semaphore(%run_scoped3A : memref<!tpu.dma_semaphore, #tpu.memory_space<semaphore_mem>>) src(%arg13 : memref<128x128xf32, #tpu.memory_space<vmem>>) dst(%dma_wait3A_62 : memref<10240x128xf32, #tpu.memory_space<vmem_shared>>)
        tpu.yield
      }) : () -> ()
    }
    %scan3A_11 = arith.constant 39 : i32
    %dma_wait3A = arith.constant 0 : i32
    %dma_wait3A_12 = arith.constant 0 : i32
    %dma_wait3A_13 = tpu.memref_slice %arg2[%dma_wait3A, %dma_wait3A_12] : memref<10000x128xf32, #tpu.memory_space<hbm>> -> memref<10000x128xf32, #tpu.memory_space<hbm>>
    tpu.wait_indirect_dma semaphore(%arg18 : memref<!tpu.dma_semaphore, #tpu.memory_space<semaphore_mem>>) src(%dma_wait3A_13 : memref<10000x128xf32, #tpu.memory_space<hbm>>) dst(%arg12 : memref<128x128xf32, #tpu.memory_space<vmem>>)
    %add3A_14 = arith.constant 9984 : i32
    %add3A_15 = arith.addi %mul3A_2, %add3A_14 : i32
    "tpu.region"() ({
      %run_scoped3A = tpu.sem_alloc : memref<!tpu.dma_semaphore, #tpu.memory_space<semaphore_mem>>
      %dma_start3A_30 = tpu.memref_slice %arg3[%add3A_15] : memref<320128xi32, #tpu.memory_space<hbm>> -> memref<16xi32, #tpu.memory_space<hbm>>
      %dma_start3A_31 = tpu.memref_slice %arg3[%add3A_15] : memref<320128xi32, #tpu.memory_space<hbm>> -> memref<16xi32, #tpu.memory_space<hbm>>
      tpu.enqueue_dma source(%dma_start3A_31 : memref<16xi32, #tpu.memory_space<hbm>>) target(%arg14 : memref<16xi32, #tpu.memory_space<vmem>>) target_semaphore(%run_scoped3A : memref<!tpu.dma_semaphore, #tpu.memory_space<semaphore_mem>>)
      %dma_wait3A_32 = tpu.memref_slice %arg3[%add3A_15] : memref<320128xi32, #tpu.memory_space<hbm>> -> memref<16xi32, #tpu.memory_space<hbm>>
      %dma_wait3A_33 = tpu.memref_slice %arg3[%add3A_15] : memref<320128xi32, #tpu.memory_space<hbm>> -> memref<16xi32, #tpu.memory_space<hbm>>
      tpu.wait_dma2 semaphore(%run_scoped3A : memref<!tpu.dma_semaphore, #tpu.memory_space<semaphore_mem>>) src(%dma_wait3A_33 : memref<16xi32, #tpu.memory_space<hbm>>) dst(%arg14 : memref<16xi32, #tpu.memory_space<vmem>>)
      tpu.yield
    }) : () -> ()
    "tpu.region"() ({
      %run_scoped3A = tpu.sem_alloc : memref<!tpu.dma_semaphore, #tpu.memory_space<semaphore_mem>>
      %dma_start3A_30 = tpu.memref_slice %arg4[%add3A_15] : memref<320128xi32, #tpu.memory_space<hbm>> -> memref<16xi32, #tpu.memory_space<hbm>>
      %dma_start3A_31 = tpu.memref_slice %arg4[%add3A_15] : memref<320128xi32, #tpu.memory_space<hbm>> -> memref<16xi32, #tpu.memory_space<hbm>>
      tpu.enqueue_dma source(%dma_start3A_31 : memref<16xi32, #tpu.memory_space<hbm>>) target(%arg15 : memref<16xi32, #tpu.memory_space<vmem>>) target_semaphore(%run_scoped3A : memref<!tpu.dma_semaphore, #tpu.memory_space<semaphore_mem>>)
      %dma_wait3A_32 = tpu.memref_slice %arg4[%add3A_15] : memref<320128xi32, #tpu.memory_space<hbm>> -> memref<16xi32, #tpu.memory_space<hbm>>
      %dma_wait3A_33 = tpu.memref_slice %arg4[%add3A_15] : memref<320128xi32, #tpu.memory_space<hbm>> -> memref<16xi32, #tpu.memory_space<hbm>>
      tpu.wait_dma2 semaphore(%run_scoped3A : memref<!tpu.dma_semaphore, #tpu.memory_space<semaphore_mem>>) src(%dma_wait3A_33 : memref<16xi32, #tpu.memory_space<hbm>>) dst(%arg15 : memref<16xi32, #tpu.memory_space<vmem>>)
      tpu.yield
    }) : () -> ()
    %dma_start3A_16 = arith.constant 0 : i32
    %dma_start3A_17 = arith.constant 0 : i32
    %dma_start3A_18 = tpu.memref_slice %arg2[%dma_start3A_16, %dma_start3A_17] : memref<10000x128xf32, #tpu.memory_space<hbm>> -> memref<10000x128xf32, #tpu.memory_space<hbm>>
    tpu.enqueue_indirect_dma source(%dma_start3A_18 : memref<10000x128xf32, #tpu.memory_space<hbm>>) target(%arg16 : memref<16x128xf32, #tpu.memory_space<vmem>>) offsets(%arg14 : memref<16xi32, #tpu.memory_space<vmem>>) semaphore(%arg18 : memref<!tpu.dma_semaphore, #tpu.memory_space<semaphore_mem>>)
    %dma_wait3A_19 = arith.constant 0 : i32
    %dma_wait3A_20 = arith.constant 0 : i32
    %dma_wait3A_21 = tpu.memref_slice %arg2[%dma_wait3A_19, %dma_wait3A_20] : memref<10000x128xf32, #tpu.memory_space<hbm>> -> memref<10000x128xf32, #tpu.memory_space<hbm>>
    tpu.wait_indirect_dma semaphore(%arg18 : memref<!tpu.dma_semaphore, #tpu.memory_space<semaphore_mem>>) src(%dma_wait3A_21 : memref<10000x128xf32, #tpu.memory_space<hbm>>) dst(%arg16 : memref<16x128xf32, #tpu.memory_space<vmem>>)
    "tpu.region"() ({
      %run_scoped3A = tpu.sem_alloc : memref<!tpu.dma_semaphore, #tpu.memory_space<semaphore_mem>>
      %dma_start3A_30 = arith.constant 0 : i32
      %dma_start3A_31 = arith.constant 0 : i32
      %dma_start3A_32 = tpu.memref_slice %arg17[%dma_start3A_30, %dma_start3A_31] : memref<10240x128xf32, #tpu.memory_space<vmem_shared>> -> memref<10240x128xf32, #tpu.memory_space<vmem_shared>>
      tpu.enqueue_indirect_dma source(%arg16 : memref<16x128xf32, #tpu.memory_space<vmem>>) target(%dma_start3A_32 : memref<10240x128xf32, #tpu.memory_space<vmem_shared>>) offsets(%arg15 : memref<16xi32, #tpu.memory_space<vmem>>) semaphore(%run_scoped3A : memref<!tpu.dma_semaphore, #tpu.memory_space<semaphore_mem>>) {add = true}
      %dma_wait3A_33 = arith.constant 0 : i32
      %dma_wait3A_34 = arith.constant 0 : i32
      %dma_wait3A_35 = tpu.memref_slice %arg17[%dma_wait3A_33, %dma_wait3A_34] : memref<10240x128xf32, #tpu.memory_space<vmem_shared>> -> memref<10240x128xf32, #tpu.memory_space<vmem_shared>>
      tpu.wait_indirect_dma semaphore(%run_scoped3A : memref<!tpu.dma_semaphore, #tpu.memory_space<semaphore_mem>>) src(%arg16 : memref<16x128xf32, #tpu.memory_space<vmem>>) dst(%dma_wait3A_35 : memref<10240x128xf32, #tpu.memory_space<vmem_shared>>)
      tpu.yield
    }) : () -> ()
    %barrier3A_22 = arith.constant 0 : index
    tpu.barrier barrier_id(%barrier3A_22)
    %eq3A = arith.constant 0 : i32
    %eq3A_23 = arith.cmpi eq, %arg0, %eq3A : i32
    %convert_element_type3A = arith.extui %eq3A_23 : i1 to i32
    %cond3A = arith.constant 0 : i32
    %cond3A_24 = arith.cmpi ne, %convert_element_type3A, %cond3A : i32
    scf.if %cond3A_24 {
      %mul3A_30 = arith.constant 640 : i32
      %mul3A_31 = arith.muli %arg1, %mul3A_30 : i32
      %mul3A_32 = arith.constant 640 : i32
      %mul3A_33 = arith.muli %arg1, %mul3A_32 : i32
      "tpu.region"() ({
        %run_scoped3A = tpu.sem_alloc : memref<!tpu.dma_semaphore, #tpu.memory_space<semaphore_mem>>
        %dma_start3A_34 = arith.constant 0 : i32
        %dma_start3A_35 = tpu.memref_slice %arg6[%mul3A_33, %dma_start3A_34] : memref<10240x128xf32, #tpu.memory_space<hbm>> -> memref<640x128xf32, #tpu.memory_space<hbm>>
        %dma_start3A_36 = arith.constant 0 : i32
        %dma_start3A_37 = tpu.memref_slice %arg17[%mul3A_31, %dma_start3A_36] : memref<10240x128xf32, #tpu.memory_space<vmem_shared>> -> memref<640x128xf32, #tpu.memory_space<vmem_shared>>
        tpu.enqueue_dma source(%dma_start3A_37 : memref<640x128xf32, #tpu.memory_space<vmem_shared>>) target(%dma_start3A_35 : memref<640x128xf32, #tpu.memory_space<hbm>>) target_semaphore(%run_scoped3A : memref<!tpu.dma_semaphore, #tpu.memory_space<semaphore_mem>>)
        %dma_wait3A_38 = arith.constant 0 : i32
        %dma_wait3A_39 = tpu.memref_slice %arg6[%mul3A_33, %dma_wait3A_38] : memref<10240x128xf32, #tpu.memory_space<hbm>> -> memref<640x128xf32, #tpu.memory_space<hbm>>
        %dma_wait3A_40 = arith.constant 0 : i32
        %dma_wait3A_41 = tpu.memref_slice %arg17[%mul3A_31, %dma_wait3A_40] : memref<10240x128xf32, #tpu.memory_space<vmem_shared>> -> memref<640x128xf32, #tpu.memory_space<vmem_shared>>
        tpu.wait_dma2 semaphore(%run_scoped3A : memref<!tpu.dma_semaphore, #tpu.memory_space<semaphore_mem>>) src(%dma_wait3A_41 : memref<640x128xf32, #tpu.memory_space<vmem_shared>>) dst(%dma_wait3A_39 : memref<640x128xf32, #tpu.memory_space<hbm>>)
        tpu.yield
      }) : () -> ()
    } else {
    }
    %eq3A_25 = arith.constant 1 : i32
    %eq3A_26 = arith.cmpi eq, %arg0, %eq3A_25 : i32
    %convert_element_type3A_27 = arith.extui %eq3A_26 : i1 to i32
    %cond3A_28 = arith.constant 0 : i32
    %cond3A_29 = arith.cmpi ne, %convert_element_type3A_27, %cond3A_28 : i32
    scf.if %cond3A_29 {
      %mul3A_30 = arith.constant 640 : i32
      %mul3A_31 = arith.muli %arg1, %mul3A_30 : i32
      %mul3A_32 = arith.constant 640 : i32
      %mul3A_33 = arith.muli %arg1, %mul3A_32 : i32
      "tpu.region"() ({
        %run_scoped3A = tpu.sem_alloc : memref<!tpu.dma_semaphore, #tpu.memory_space<semaphore_mem>>
        %dma_start3A_34 = arith.constant 0 : i32
        %dma_start3A_35 = tpu.memref_slice %arg7[%mul3A_33, %dma_start3A_34] : memref<10240x128xf32, #tpu.memory_space<hbm>> -> memref<640x128xf32, #tpu.memory_space<hbm>>
        %dma_start3A_36 = arith.constant 0 : i32
        %dma_start3A_37 = tpu.memref_slice %arg17[%mul3A_31, %dma_start3A_36] : memref<10240x128xf32, #tpu.memory_space<vmem_shared>> -> memref<640x128xf32, #tpu.memory_space<vmem_shared>>
        tpu.enqueue_dma source(%dma_start3A_37 : memref<640x128xf32, #tpu.memory_space<vmem_shared>>) target(%dma_start3A_35 : memref<640x128xf32, #tpu.memory_space<hbm>>) target_semaphore(%run_scoped3A : memref<!tpu.dma_semaphore, #tpu.memory_space<semaphore_mem>>)
        %dma_wait3A_38 = arith.constant 0 : i32
        %dma_wait3A_39 = tpu.memref_slice %arg7[%mul3A_33, %dma_wait3A_38] : memref<10240x128xf32, #tpu.memory_space<hbm>> -> memref<640x128xf32, #tpu.memory_space<hbm>>
        %dma_wait3A_40 = arith.constant 0 : i32
        %dma_wait3A_41 = tpu.memref_slice %arg17[%mul3A_31, %dma_wait3A_40] : memref<10240x128xf32, #tpu.memory_space<vmem_shared>> -> memref<640x128xf32, #tpu.memory_space<vmem_shared>>
        tpu.wait_dma2 semaphore(%run_scoped3A : memref<!tpu.dma_semaphore, #tpu.memory_space<semaphore_mem>>) src(%dma_wait3A_41 : memref<640x128xf32, #tpu.memory_space<vmem_shared>>) dst(%dma_wait3A_39 : memref<640x128xf32, #tpu.memory_space<hbm>>)
        tpu.yield
      }) : () -> ()
    } else {
    }
    return
  }
}

#map = affine_map<(d0, d1) -> (0, 0)>
#map1 = affine_map<(d0, d1) -> (0)>
module attributes {stable_mosaic.version = 14 : i64} {
  func.func @_sc_agg_body(%arg0: i32, %arg1: i32, %arg2: memref<10000x128xf32, #tpu.memory_space<hbm>>, %arg3: memref<320128xi32, #tpu.memory_space<hbm>>, %arg4: memref<320128xi32, #tpu.memory_space<hbm>>, %arg5: memref<640x128xf32, #tpu.memory_space<hbm>>, %arg6: memref<10240x128xf32, #tpu.memory_space<hbm>>, %arg7: memref<10240x128xf32, #tpu.memory_space<hbm>>, %arg8: memref<128xi32, #tpu.memory_space<vmem>>, %arg9: memref<128xi32, #tpu.memory_space<vmem>>, %arg10: memref<128xi32, #tpu.memory_space<vmem>>, %arg11: memref<128xi32, #tpu.memory_space<vmem>>, %arg12: memref<128x128xf32, #tpu.memory_space<vmem>>, %arg13: memref<128x128xf32, #tpu.memory_space<vmem>>, %arg14: memref<16xi32, #tpu.memory_space<vmem>>, %arg15: memref<16xi32, #tpu.memory_space<vmem>>, %arg16: memref<16x128xf32, #tpu.memory_space<vmem>>, %arg17: memref<10240x128xf32, #tpu.memory_space<vmem_shared>>, %arg18: memref<!tpu.dma_semaphore, #tpu.memory_space<semaphore_mem>>, %arg19: memref<!tpu.dma_semaphore, #tpu.memory_space<semaphore_mem>>) attributes {dimension_semantics = [#tpu.dimension_semantics<core_parallel>, #tpu.dimension_semantics<subcore_parallel>], iteration_bounds = array<i64: 2, 16>, scalar_prefetch = 0 : i64, scratch_operands = 12 : i64, tpu.core_type = #tpu.core_type<sc_vector_subcore>, window_params = [{transform_indices = #map}, {transform_indices = #map1}, {transform_indices = #map1}, {transform_indices = #map}, {transform_indices = #map}, {transform_indices = #map}]} {
    %mul3A = arith.constant 16 : i32
    %mul3A_0 = arith.muli %arg0, %mul3A : i32
    %add3A = arith.addi %mul3A_0, %arg1 : i32
    %mul3A_1 = arith.constant 10000 : i32
    %mul3A_2 = arith.muli %add3A, %mul3A_1 : i32
    %mul3A_3 = arith.constant 640 : i32
    %mul3A_4 = arith.muli %arg1, %mul3A_3 : i32
    "tpu.region"() ({
      %run_scoped3A = tpu.sem_alloc : memref<!tpu.dma_semaphore, #tpu.memory_space<semaphore_mem>>
      %dma_start3A_30 = arith.constant 0 : i32
      %dma_start3A_31 = tpu.memref_slice %arg17[%mul3A_4, %dma_start3A_30] : memref<10240x128xf32, #tpu.memory_space<vmem_shared>> -> memref<640x128xf32, #tpu.memory_space<vmem_shared>>
      tpu.enqueue_dma source(%arg5 : memref<640x128xf32, #tpu.memory_space<hbm>>) target(%dma_start3A_31 : memref<640x128xf32, #tpu.memory_space<vmem_shared>>) target_semaphore(%run_scoped3A : memref<!tpu.dma_semaphore, #tpu.memory_space<semaphore_mem>>)
      %dma_wait3A_32 = arith.constant 0 : i32
      %dma_wait3A_33 = tpu.memref_slice %arg17[%mul3A_4, %dma_wait3A_32] : memref<10240x128xf32, #tpu.memory_space<vmem_shared>> -> memref<640x128xf32, #tpu.memory_space<vmem_shared>>
      tpu.wait_dma2 semaphore(%run_scoped3A : memref<!tpu.dma_semaphore, #tpu.memory_space<semaphore_mem>>) src(%arg5 : memref<640x128xf32, #tpu.memory_space<hbm>>) dst(%dma_wait3A_33 : memref<640x128xf32, #tpu.memory_space<vmem_shared>>)
      tpu.yield
    }) : () -> ()
    %barrier3A = arith.constant 0 : index
    tpu.barrier barrier_id(%barrier3A)
    "tpu.region"() ({
      %run_scoped3A = tpu.sem_alloc : memref<!tpu.dma_semaphore, #tpu.memory_space<semaphore_mem>>
      %dma_start3A_30 = tpu.memref_slice %arg3[%mul3A_2] : memref<320128xi32, #tpu.memory_space<hbm>> -> memref<128xi32, #tpu.memory_space<hbm>>
      %dma_start3A_31 = tpu.memref_slice %arg3[%mul3A_2] : memref<320128xi32, #tpu.memory_space<hbm>> -> memref<128xi32, #tpu.memory_space<hbm>>
      tpu.enqueue_dma source(%dma_start3A_31 : memref<128xi32, #tpu.memory_space<hbm>>) target(%arg8 : memref<128xi32, #tpu.memory_space<vmem>>) target_semaphore(%run_scoped3A : memref<!tpu.dma_semaphore, #tpu.memory_space<semaphore_mem>>)
      %dma_wait3A_32 = tpu.memref_slice %arg3[%mul3A_2] : memref<320128xi32, #tpu.memory_space<hbm>> -> memref<128xi32, #tpu.memory_space<hbm>>
      %dma_wait3A_33 = tpu.memref_slice %arg3[%mul3A_2] : memref<320128xi32, #tpu.memory_space<hbm>> -> memref<128xi32, #tpu.memory_space<hbm>>
      tpu.wait_dma2 semaphore(%run_scoped3A : memref<!tpu.dma_semaphore, #tpu.memory_space<semaphore_mem>>) src(%dma_wait3A_33 : memref<128xi32, #tpu.memory_space<hbm>>) dst(%arg8 : memref<128xi32, #tpu.memory_space<vmem>>)
      tpu.yield
    }) : () -> ()
    "tpu.region"() ({
      %run_scoped3A = tpu.sem_alloc : memref<!tpu.dma_semaphore, #tpu.memory_space<semaphore_mem>>
      %dma_start3A_30 = tpu.memref_slice %arg4[%mul3A_2] : memref<320128xi32, #tpu.memory_space<hbm>> -> memref<128xi32, #tpu.memory_space<hbm>>
      %dma_start3A_31 = tpu.memref_slice %arg4[%mul3A_2] : memref<320128xi32, #tpu.memory_space<hbm>> -> memref<128xi32, #tpu.memory_space<hbm>>
      tpu.enqueue_dma source(%dma_start3A_31 : memref<128xi32, #tpu.memory_space<hbm>>) target(%arg10 : memref<128xi32, #tpu.memory_space<vmem>>) target_semaphore(%run_scoped3A : memref<!tpu.dma_semaphore, #tpu.memory_space<semaphore_mem>>)
      %dma_wait3A_32 = tpu.memref_slice %arg4[%mul3A_2] : memref<320128xi32, #tpu.memory_space<hbm>> -> memref<128xi32, #tpu.memory_space<hbm>>
      %dma_wait3A_33 = tpu.memref_slice %arg4[%mul3A_2] : memref<320128xi32, #tpu.memory_space<hbm>> -> memref<128xi32, #tpu.memory_space<hbm>>
      tpu.wait_dma2 semaphore(%run_scoped3A : memref<!tpu.dma_semaphore, #tpu.memory_space<semaphore_mem>>) src(%dma_wait3A_33 : memref<128xi32, #tpu.memory_space<hbm>>) dst(%arg10 : memref<128xi32, #tpu.memory_space<vmem>>)
      tpu.yield
    }) : () -> ()
    %dma_start3A = arith.constant 0 : i32
    %dma_start3A_5 = arith.constant 0 : i32
    %dma_start3A_6 = tpu.memref_slice %arg2[%dma_start3A, %dma_start3A_5] : memref<10000x128xf32, #tpu.memory_space<hbm>> -> memref<10000x128xf32, #tpu.memory_space<hbm>>
    tpu.enqueue_indirect_dma source(%dma_start3A_6 : memref<10000x128xf32, #tpu.memory_space<hbm>>) target(%arg12 : memref<128x128xf32, #tpu.memory_space<vmem>>) offsets(%arg8 : memref<128xi32, #tpu.memory_space<vmem>>) semaphore(%arg18 : memref<!tpu.dma_semaphore, #tpu.memory_space<semaphore_mem>>)
    %scan3A = arith.constant 0 : i32
    %scan3A_7 = arith.constant 0 : i32
    %scan3A_8 = arith.constant 39 : i32
    %scan3A_9 = arith.addi %scan3A_7, %scan3A_8 : i32
    %scan3A_10 = arith.constant 1 : i32
    scf.for %scan3A_30 = %scan3A_7 to %scan3A_9 step %scan3A_10  : i32 {
      %mul3A_31 = arith.constant 2 : i32
      %mul3A_32 = arith.muli %mul3A_31, %scan3A_30 : i32
      %add3A_33 = arith.constant 1 : i32
      %add3A_34 = arith.addi %mul3A_32, %add3A_33 : i32
      %mul3A_35 = arith.constant 128 : i32
      %mul3A_36 = arith.muli %add3A_34, %mul3A_35 : i32
      %add3A_37 = arith.addi %mul3A_2, %mul3A_36 : i32
      "tpu.region"() ({
        %run_scoped3A = tpu.sem_alloc : memref<!tpu.dma_semaphore, #tpu.memory_space<semaphore_mem>>
        %dma_start3A_57 = tpu.memref_slice %arg3[%add3A_37] : memref<320128xi32, #tpu.memory_space<hbm>> -> memref<128xi32, #tpu.memory_space<hbm>>
        %dma_start3A_58 = tpu.memref_slice %arg3[%add3A_37] : memref<320128xi32, #tpu.memory_space<hbm>> -> memref<128xi32, #tpu.memory_space<hbm>>
        tpu.enqueue_dma source(%dma_start3A_58 : memref<128xi32, #tpu.memory_space<hbm>>) target(%arg9 : memref<128xi32, #tpu.memory_space<vmem>>) target_semaphore(%run_scoped3A : memref<!tpu.dma_semaphore, #tpu.memory_space<semaphore_mem>>)
        %dma_wait3A_59 = tpu.memref_slice %arg3[%add3A_37] : memref<320128xi32, #tpu.memory_space<hbm>> -> memref<128xi32, #tpu.memory_space<hbm>>
        %dma_wait3A_60 = tpu.memref_slice %arg3[%add3A_37] : memref<320128xi32, #tpu.memory_space<hbm>> -> memref<128xi32, #tpu.memory_space<hbm>>
        tpu.wait_dma2 semaphore(%run_scoped3A : memref<!tpu.dma_semaphore, #tpu.memory_space<semaphore_mem>>) src(%dma_wait3A_60 : memref<128xi32, #tpu.memory_space<hbm>>) dst(%arg9 : memref<128xi32, #tpu.memory_space<vmem>>)
        tpu.yield
      }) : () -> ()
      "tpu.region"() ({
        %run_scoped3A = tpu.sem_alloc : memref<!tpu.dma_semaphore, #tpu.memory_space<semaphore_mem>>
        %dma_start3A_57 = tpu.memref_slice %arg4[%add3A_37] : memref<320128xi32, #tpu.memory_space<hbm>> -> memref<128xi32, #tpu.memory_space<hbm>>
        %dma_start3A_58 = tpu.memref_slice %arg4[%add3A_37] : memref<320128xi32, #tpu.memory_space<hbm>> -> memref<128xi32, #tpu.memory_space<hbm>>
        tpu.enqueue_dma source(%dma_start3A_58 : memref<128xi32, #tpu.memory_space<hbm>>) target(%arg11 : memref<128xi32, #tpu.memory_space<vmem>>) target_semaphore(%run_scoped3A : memref<!tpu.dma_semaphore, #tpu.memory_space<semaphore_mem>>)
        %dma_wait3A_59 = tpu.memref_slice %arg4[%add3A_37] : memref<320128xi32, #tpu.memory_space<hbm>> -> memref<128xi32, #tpu.memory_space<hbm>>
        %dma_wait3A_60 = tpu.memref_slice %arg4[%add3A_37] : memref<320128xi32, #tpu.memory_space<hbm>> -> memref<128xi32, #tpu.memory_space<hbm>>
        tpu.wait_dma2 semaphore(%run_scoped3A : memref<!tpu.dma_semaphore, #tpu.memory_space<semaphore_mem>>) src(%dma_wait3A_60 : memref<128xi32, #tpu.memory_space<hbm>>) dst(%arg11 : memref<128xi32, #tpu.memory_space<vmem>>)
        tpu.yield
      }) : () -> ()
      %dma_start3A_38 = arith.constant 0 : i32
      %dma_start3A_39 = arith.constant 0 : i32
      %dma_start3A_40 = tpu.memref_slice %arg2[%dma_start3A_38, %dma_start3A_39] : memref<10000x128xf32, #tpu.memory_space<hbm>> -> memref<10000x128xf32, #tpu.memory_space<hbm>>
      tpu.enqueue_indirect_dma source(%dma_start3A_40 : memref<10000x128xf32, #tpu.memory_space<hbm>>) target(%arg13 : memref<128x128xf32, #tpu.memory_space<vmem>>) offsets(%arg9 : memref<128xi32, #tpu.memory_space<vmem>>) semaphore(%arg19 : memref<!tpu.dma_semaphore, #tpu.memory_space<semaphore_mem>>)
      %dma_wait3A_41 = arith.constant 0 : i32
      %dma_wait3A_42 = arith.constant 0 : i32
      %dma_wait3A_43 = tpu.memref_slice %arg2[%dma_wait3A_41, %dma_wait3A_42] : memref<10000x128xf32, #tpu.memory_space<hbm>> -> memref<10000x128xf32, #tpu.memory_space<hbm>>
      tpu.wait_indirect_dma semaphore(%arg18 : memref<!tpu.dma_semaphore, #tpu.memory_space<semaphore_mem>>) src(%dma_wait3A_43 : memref<10000x128xf32, #tpu.memory_space<hbm>>) dst(%arg12 : memref<128x128xf32, #tpu.memory_space<vmem>>)
      "tpu.region"() ({
        %run_scoped3A = tpu.sem_alloc : memref<!tpu.dma_semaphore, #tpu.memory_space<semaphore_mem>>
        %dma_start3A_57 = arith.constant 0 : i32
        %dma_start3A_58 = arith.constant 0 : i32
        %dma_start3A_59 = tpu.memref_slice %arg17[%dma_start3A_57, %dma_start3A_58] : memref<10240x128xf32, #tpu.memory_space<vmem_shared>> -> memref<10240x128xf32, #tpu.memory_space<vmem_shared>>
        tpu.enqueue_indirect_dma source(%arg12 : memref<128x128xf32, #tpu.memory_space<vmem>>) target(%dma_start3A_59 : memref<10240x128xf32, #tpu.memory_space<vmem_shared>>) offsets(%arg10 : memref<128xi32, #tpu.memory_space<vmem>>) semaphore(%run_scoped3A : memref<!tpu.dma_semaphore, #tpu.memory_space<semaphore_mem>>) {add = true}
        %dma_wait3A_60 = arith.constant 0 : i32
        %dma_wait3A_61 = arith.constant 0 : i32
        %dma_wait3A_62 = tpu.memref_slice %arg17[%dma_wait3A_60, %dma_wait3A_61] : memref<10240x128xf32, #tpu.memory_space<vmem_shared>> -> memref<10240x128xf32, #tpu.memory_space<vmem_shared>>
        tpu.wait_indirect_dma semaphore(%run_scoped3A : memref<!tpu.dma_semaphore, #tpu.memory_space<semaphore_mem>>) src(%arg12 : memref<128x128xf32, #tpu.memory_space<vmem>>) dst(%dma_wait3A_62 : memref<10240x128xf32, #tpu.memory_space<vmem_shared>>)
        tpu.yield
      }) : () -> ()
      %mul3A_44 = arith.constant 2 : i32
      %mul3A_45 = arith.muli %mul3A_44, %scan3A_30 : i32
      %add3A_46 = arith.constant 2 : i32
      %add3A_47 = arith.addi %mul3A_45, %add3A_46 : i32
      %mul3A_48 = arith.constant 128 : i32
      %mul3A_49 = arith.muli %add3A_47, %mul3A_48 : i32
      %add3A_50 = arith.addi %mul3A_2, %mul3A_49 : i32
      "tpu.region"() ({
        %run_scoped3A = tpu.sem_alloc : memref<!tpu.dma_semaphore, #tpu.memory_space<semaphore_mem>>
        %dma_start3A_57 = tpu.memref_slice %arg3[%add3A_50] : memref<320128xi32, #tpu.memory_space<hbm>> -> memref<128xi32, #tpu.memory_space<hbm>>
        %dma_start3A_58 = tpu.memref_slice %arg3[%add3A_50] : memref<320128xi32, #tpu.memory_space<hbm>> -> memref<128xi32, #tpu.memory_space<hbm>>
        tpu.enqueue_dma source(%dma_start3A_58 : memref<128xi32, #tpu.memory_space<hbm>>) target(%arg8 : memref<128xi32, #tpu.memory_space<vmem>>) target_semaphore(%run_scoped3A : memref<!tpu.dma_semaphore, #tpu.memory_space<semaphore_mem>>)
        %dma_wait3A_59 = tpu.memref_slice %arg3[%add3A_50] : memref<320128xi32, #tpu.memory_space<hbm>> -> memref<128xi32, #tpu.memory_space<hbm>>
        %dma_wait3A_60 = tpu.memref_slice %arg3[%add3A_50] : memref<320128xi32, #tpu.memory_space<hbm>> -> memref<128xi32, #tpu.memory_space<hbm>>
        tpu.wait_dma2 semaphore(%run_scoped3A : memref<!tpu.dma_semaphore, #tpu.memory_space<semaphore_mem>>) src(%dma_wait3A_60 : memref<128xi32, #tpu.memory_space<hbm>>) dst(%arg8 : memref<128xi32, #tpu.memory_space<vmem>>)
        tpu.yield
      }) : () -> ()
      "tpu.region"() ({
        %run_scoped3A = tpu.sem_alloc : memref<!tpu.dma_semaphore, #tpu.memory_space<semaphore_mem>>
        %dma_start3A_57 = tpu.memref_slice %arg4[%add3A_50] : memref<320128xi32, #tpu.memory_space<hbm>> -> memref<128xi32, #tpu.memory_space<hbm>>
        %dma_start3A_58 = tpu.memref_slice %arg4[%add3A_50] : memref<320128xi32, #tpu.memory_space<hbm>> -> memref<128xi32, #tpu.memory_space<hbm>>
        tpu.enqueue_dma source(%dma_start3A_58 : memref<128xi32, #tpu.memory_space<hbm>>) target(%arg10 : memref<128xi32, #tpu.memory_space<vmem>>) target_semaphore(%run_scoped3A : memref<!tpu.dma_semaphore, #tpu.memory_space<semaphore_mem>>)
        %dma_wait3A_59 = tpu.memref_slice %arg4[%add3A_50] : memref<320128xi32, #tpu.memory_space<hbm>> -> memref<128xi32, #tpu.memory_space<hbm>>
        %dma_wait3A_60 = tpu.memref_slice %arg4[%add3A_50] : memref<320128xi32, #tpu.memory_space<hbm>> -> memref<128xi32, #tpu.memory_space<hbm>>
        tpu.wait_dma2 semaphore(%run_scoped3A : memref<!tpu.dma_semaphore, #tpu.memory_space<semaphore_mem>>) src(%dma_wait3A_60 : memref<128xi32, #tpu.memory_space<hbm>>) dst(%arg10 : memref<128xi32, #tpu.memory_space<vmem>>)
        tpu.yield
      }) : () -> ()
      %dma_start3A_51 = arith.constant 0 : i32
      %dma_start3A_52 = arith.constant 0 : i32
      %dma_start3A_53 = tpu.memref_slice %arg2[%dma_start3A_51, %dma_start3A_52] : memref<10000x128xf32, #tpu.memory_space<hbm>> -> memref<10000x128xf32, #tpu.memory_space<hbm>>
      tpu.enqueue_indirect_dma source(%dma_start3A_53 : memref<10000x128xf32, #tpu.memory_space<hbm>>) target(%arg12 : memref<128x128xf32, #tpu.memory_space<vmem>>) offsets(%arg8 : memref<128xi32, #tpu.memory_space<vmem>>) semaphore(%arg18 : memref<!tpu.dma_semaphore, #tpu.memory_space<semaphore_mem>>)
      %dma_wait3A_54 = arith.constant 0 : i32
      %dma_wait3A_55 = arith.constant 0 : i32
      %dma_wait3A_56 = tpu.memref_slice %arg2[%dma_wait3A_54, %dma_wait3A_55] : memref<10000x128xf32, #tpu.memory_space<hbm>> -> memref<10000x128xf32, #tpu.memory_space<hbm>>
      tpu.wait_indirect_dma semaphore(%arg19 : memref<!tpu.dma_semaphore, #tpu.memory_space<semaphore_mem>>) src(%dma_wait3A_56 : memref<10000x128xf32, #tpu.memory_space<hbm>>) dst(%arg13 : memref<128x128xf32, #tpu.memory_space<vmem>>)
      "tpu.region"() ({
        %run_scoped3A = tpu.sem_alloc : memref<!tpu.dma_semaphore, #tpu.memory_space<semaphore_mem>>
        %dma_start3A_57 = arith.constant 0 : i32
        %dma_start3A_58 = arith.constant 0 : i32
        %dma_start3A_59 = tpu.memref_slice %arg17[%dma_start3A_57, %dma_start3A_58] : memref<10240x128xf32, #tpu.memory_space<vmem_shared>> -> memref<10240x128xf32, #tpu.memory_space<vmem_shared>>
        tpu.enqueue_indirect_dma source(%arg13 : memref<128x128xf32, #tpu.memory_space<vmem>>) target(%dma_start3A_59 : memref<10240x128xf32, #tpu.memory_space<vmem_shared>>) offsets(%arg11 : memref<128xi32, #tpu.memory_space<vmem>>) semaphore(%run_scoped3A : memref<!tpu.dma_semaphore, #tpu.memory_space<semaphore_mem>>) {add = true}
        %dma_wait3A_60 = arith.constant 0 : i32
        %dma_wait3A_61 = arith.constant 0 : i32
        %dma_wait3A_62 = tpu.memref_slice %arg17[%dma_wait3A_60, %dma_wait3A_61] : memref<10240x128xf32, #tpu.memory_space<vmem_shared>> -> memref<10240x128xf32, #tpu.memory_space<vmem_shared>>
        tpu.wait_indirect_dma semaphore(%run_scoped3A : memref<!tpu.dma_semaphore, #tpu.memory_space<semaphore_mem>>) src(%arg13 : memref<128x128xf32, #tpu.memory_space<vmem>>) dst(%dma_wait3A_62 : memref<10240x128xf32, #tpu.memory_space<vmem_shared>>)
        tpu.yield
      }) : () -> ()
    }
    %scan3A_11 = arith.constant 39 : i32
    %dma_wait3A = arith.constant 0 : i32
    %dma_wait3A_12 = arith.constant 0 : i32
    %dma_wait3A_13 = tpu.memref_slice %arg2[%dma_wait3A, %dma_wait3A_12] : memref<10000x128xf32, #tpu.memory_space<hbm>> -> memref<10000x128xf32, #tpu.memory_space<hbm>>
    tpu.wait_indirect_dma semaphore(%arg18 : memref<!tpu.dma_semaphore, #tpu.memory_space<semaphore_mem>>) src(%dma_wait3A_13 : memref<10000x128xf32, #tpu.memory_space<hbm>>) dst(%arg12 : memref<128x128xf32, #tpu.memory_space<vmem>>)
    %add3A_14 = arith.constant 9984 : i32
    %add3A_15 = arith.addi %mul3A_2, %add3A_14 : i32
    "tpu.region"() ({
      %run_scoped3A = tpu.sem_alloc : memref<!tpu.dma_semaphore, #tpu.memory_space<semaphore_mem>>
      %dma_start3A_30 = tpu.memref_slice %arg3[%add3A_15] : memref<320128xi32, #tpu.memory_space<hbm>> -> memref<16xi32, #tpu.memory_space<hbm>>
      %dma_start3A_31 = tpu.memref_slice %arg3[%add3A_15] : memref<320128xi32, #tpu.memory_space<hbm>> -> memref<16xi32, #tpu.memory_space<hbm>>
      tpu.enqueue_dma source(%dma_start3A_31 : memref<16xi32, #tpu.memory_space<hbm>>) target(%arg14 : memref<16xi32, #tpu.memory_space<vmem>>) target_semaphore(%run_scoped3A : memref<!tpu.dma_semaphore, #tpu.memory_space<semaphore_mem>>)
      %dma_wait3A_32 = tpu.memref_slice %arg3[%add3A_15] : memref<320128xi32, #tpu.memory_space<hbm>> -> memref<16xi32, #tpu.memory_space<hbm>>
      %dma_wait3A_33 = tpu.memref_slice %arg3[%add3A_15] : memref<320128xi32, #tpu.memory_space<hbm>> -> memref<16xi32, #tpu.memory_space<hbm>>
      tpu.wait_dma2 semaphore(%run_scoped3A : memref<!tpu.dma_semaphore, #tpu.memory_space<semaphore_mem>>) src(%dma_wait3A_33 : memref<16xi32, #tpu.memory_space<hbm>>) dst(%arg14 : memref<16xi32, #tpu.memory_space<vmem>>)
      tpu.yield
    }) : () -> ()
    "tpu.region"() ({
      %run_scoped3A = tpu.sem_alloc : memref<!tpu.dma_semaphore, #tpu.memory_space<semaphore_mem>>
      %dma_start3A_30 = tpu.memref_slice %arg4[%add3A_15] : memref<320128xi32, #tpu.memory_space<hbm>> -> memref<16xi32, #tpu.memory_space<hbm>>
      %dma_start3A_31 = tpu.memref_slice %arg4[%add3A_15] : memref<320128xi32, #tpu.memory_space<hbm>> -> memref<16xi32, #tpu.memory_space<hbm>>
      tpu.enqueue_dma source(%dma_start3A_31 : memref<16xi32, #tpu.memory_space<hbm>>) target(%arg15 : memref<16xi32, #tpu.memory_space<vmem>>) target_semaphore(%run_scoped3A : memref<!tpu.dma_semaphore, #tpu.memory_space<semaphore_mem>>)
      %dma_wait3A_32 = tpu.memref_slice %arg4[%add3A_15] : memref<320128xi32, #tpu.memory_space<hbm>> -> memref<16xi32, #tpu.memory_space<hbm>>
      %dma_wait3A_33 = tpu.memref_slice %arg4[%add3A_15] : memref<320128xi32, #tpu.memory_space<hbm>> -> memref<16xi32, #tpu.memory_space<hbm>>
      tpu.wait_dma2 semaphore(%run_scoped3A : memref<!tpu.dma_semaphore, #tpu.memory_space<semaphore_mem>>) src(%dma_wait3A_33 : memref<16xi32, #tpu.memory_space<hbm>>) dst(%arg15 : memref<16xi32, #tpu.memory_space<vmem>>)
      tpu.yield
    }) : () -> ()
    %dma_start3A_16 = arith.constant 0 : i32
    %dma_start3A_17 = arith.constant 0 : i32
    %dma_start3A_18 = tpu.memref_slice %arg2[%dma_start3A_16, %dma_start3A_17] : memref<10000x128xf32, #tpu.memory_space<hbm>> -> memref<10000x128xf32, #tpu.memory_space<hbm>>
    tpu.enqueue_indirect_dma source(%dma_start3A_18 : memref<10000x128xf32, #tpu.memory_space<hbm>>) target(%arg16 : memref<16x128xf32, #tpu.memory_space<vmem>>) offsets(%arg14 : memref<16xi32, #tpu.memory_space<vmem>>) semaphore(%arg18 : memref<!tpu.dma_semaphore, #tpu.memory_space<semaphore_mem>>)
    %dma_wait3A_19 = arith.constant 0 : i32
    %dma_wait3A_20 = arith.constant 0 : i32
    %dma_wait3A_21 = tpu.memref_slice %arg2[%dma_wait3A_19, %dma_wait3A_20] : memref<10000x128xf32, #tpu.memory_space<hbm>> -> memref<10000x128xf32, #tpu.memory_space<hbm>>
    tpu.wait_indirect_dma semaphore(%arg18 : memref<!tpu.dma_semaphore, #tpu.memory_space<semaphore_mem>>) src(%dma_wait3A_21 : memref<10000x128xf32, #tpu.memory_space<hbm>>) dst(%arg16 : memref<16x128xf32, #tpu.memory_space<vmem>>)
    "tpu.region"() ({
      %run_scoped3A = tpu.sem_alloc : memref<!tpu.dma_semaphore, #tpu.memory_space<semaphore_mem>>
      %dma_start3A_30 = arith.constant 0 : i32
      %dma_start3A_31 = arith.constant 0 : i32
      %dma_start3A_32 = tpu.memref_slice %arg17[%dma_start3A_30, %dma_start3A_31] : memref<10240x128xf32, #tpu.memory_space<vmem_shared>> -> memref<10240x128xf32, #tpu.memory_space<vmem_shared>>
      tpu.enqueue_indirect_dma source(%arg16 : memref<16x128xf32, #tpu.memory_space<vmem>>) target(%dma_start3A_32 : memref<10240x128xf32, #tpu.memory_space<vmem_shared>>) offsets(%arg15 : memref<16xi32, #tpu.memory_space<vmem>>) semaphore(%run_scoped3A : memref<!tpu.dma_semaphore, #tpu.memory_space<semaphore_mem>>) {add = true}
      %dma_wait3A_33 = arith.constant 0 : i32
      %dma_wait3A_34 = arith.constant 0 : i32
      %dma_wait3A_35 = tpu.memref_slice %arg17[%dma_wait3A_33, %dma_wait3A_34] : memref<10240x128xf32, #tpu.memory_space<vmem_shared>> -> memref<10240x128xf32, #tpu.memory_space<vmem_shared>>
      tpu.wait_indirect_dma semaphore(%run_scoped3A : memref<!tpu.dma_semaphore, #tpu.memory_space<semaphore_mem>>) src(%arg16 : memref<16x128xf32, #tpu.memory_space<vmem>>) dst(%dma_wait3A_35 : memref<10240x128xf32, #tpu.memory_space<vmem_shared>>)
      tpu.yield
    }) : () -> ()
    %barrier3A_22 = arith.constant 0 : index
    tpu.barrier barrier_id(%barrier3A_22)
    %eq3A = arith.constant 0 : i32
    %eq3A_23 = arith.cmpi eq, %arg0, %eq3A : i32
    %convert_element_type3A = arith.extui %eq3A_23 : i1 to i32
    %cond3A = arith.constant 0 : i32
    %cond3A_24 = arith.cmpi ne, %convert_element_type3A, %cond3A : i32
    scf.if %cond3A_24 {
      %mul3A_30 = arith.constant 640 : i32
      %mul3A_31 = arith.muli %arg1, %mul3A_30 : i32
      %mul3A_32 = arith.constant 640 : i32
      %mul3A_33 = arith.muli %arg1, %mul3A_32 : i32
      "tpu.region"() ({
        %run_scoped3A = tpu.sem_alloc : memref<!tpu.dma_semaphore, #tpu.memory_space<semaphore_mem>>
        %dma_start3A_34 = arith.constant 0 : i32
        %dma_start3A_35 = tpu.memref_slice %arg6[%mul3A_33, %dma_start3A_34] : memref<10240x128xf32, #tpu.memory_space<hbm>> -> memref<640x128xf32, #tpu.memory_space<hbm>>
        %dma_start3A_36 = arith.constant 0 : i32
        %dma_start3A_37 = tpu.memref_slice %arg17[%mul3A_31, %dma_start3A_36] : memref<10240x128xf32, #tpu.memory_space<vmem_shared>> -> memref<640x128xf32, #tpu.memory_space<vmem_shared>>
        tpu.enqueue_dma source(%dma_start3A_37 : memref<640x128xf32, #tpu.memory_space<vmem_shared>>) target(%dma_start3A_35 : memref<640x128xf32, #tpu.memory_space<hbm>>) target_semaphore(%run_scoped3A : memref<!tpu.dma_semaphore, #tpu.memory_space<semaphore_mem>>)
        %dma_wait3A_38 = arith.constant 0 : i32
        %dma_wait3A_39 = tpu.memref_slice %arg6[%mul3A_33, %dma_wait3A_38] : memref<10240x128xf32, #tpu.memory_space<hbm>> -> memref<640x128xf32, #tpu.memory_space<hbm>>
        %dma_wait3A_40 = arith.constant 0 : i32
        %dma_wait3A_41 = tpu.memref_slice %arg17[%mul3A_31, %dma_wait3A_40] : memref<10240x128xf32, #tpu.memory_space<vmem_shared>> -> memref<640x128xf32, #tpu.memory_space<vmem_shared>>
        tpu.wait_dma2 semaphore(%run_scoped3A : memref<!tpu.dma_semaphore, #tpu.memory_space<semaphore_mem>>) src(%dma_wait3A_41 : memref<640x128xf32, #tpu.memory_space<vmem_shared>>) dst(%dma_wait3A_39 : memref<640x128xf32, #tpu.memory_space<hbm>>)
        tpu.yield
      }) : () -> ()
    } else {
    }
    %eq3A_25 = arith.constant 1 : i32
    %eq3A_26 = arith.cmpi eq, %arg0, %eq3A_25 : i32
    %convert_element_type3A_27 = arith.extui %eq3A_26 : i1 to i32
    %cond3A_28 = arith.constant 0 : i32
    %cond3A_29 = arith.cmpi ne, %convert_element_type3A_27, %cond3A_28 : i32
    scf.if %cond3A_29 {
      %mul3A_30 = arith.constant 640 : i32
      %mul3A_31 = arith.muli %arg1, %mul3A_30 : i32
      %mul3A_32 = arith.constant 640 : i32
      %mul3A_33 = arith.muli %arg1, %mul3A_32 : i32
      "tpu.region"() ({
        %run_scoped3A = tpu.sem_alloc : memref<!tpu.dma_semaphore, #tpu.memory_space<semaphore_mem>>
        %dma_start3A_34 = arith.constant 0 : i32
        %dma_start3A_35 = tpu.memref_slice %arg7[%mul3A_33, %dma_start3A_34] : memref<10240x128xf32, #tpu.memory_space<hbm>> -> memref<640x128xf32, #tpu.memory_space<hbm>>
        %dma_start3A_36 = arith.constant 0 : i32
        %dma_start3A_37 = tpu.memref_slice %arg17[%mul3A_31, %dma_start3A_36] : memref<10240x128xf32, #tpu.memory_space<vmem_shared>> -> memref<640x128xf32, #tpu.memory_space<vmem_shared>>
        tpu.enqueue_dma source(%dma_start3A_37 : memref<640x128xf32, #tpu.memory_space<vmem_shared>>) target(%dma_start3A_35 : memref<640x128xf32, #tpu.memory_space<hbm>>) target_semaphore(%run_scoped3A : memref<!tpu.dma_semaphore, #tpu.memory_space<semaphore_mem>>)
        %dma_wait3A_38 = arith.constant 0 : i32
        %dma_wait3A_39 = tpu.memref_slice %arg7[%mul3A_33, %dma_wait3A_38] : memref<10240x128xf32, #tpu.memory_space<hbm>> -> memref<640x128xf32, #tpu.memory_space<hbm>>
        %dma_wait3A_40 = arith.constant 0 : i32
        %dma_wait3A_41 = tpu.memref_slice %arg17[%mul3A_31, %dma_wait3A_40] : memref<10240x128xf32, #tpu.memory_space<vmem_shared>> -> memref<640x128xf32, #tpu.memory_space<vmem_shared>>
        tpu.wait_dma2 semaphore(%run_scoped3A : memref<!tpu.dma_semaphore, #tpu.memory_space<semaphore_mem>>) src(%dma_wait3A_41 : memref<640x128xf32, #tpu.memory_space<vmem_shared>>) dst(%dma_wait3A_39 : memref<640x128xf32, #tpu.memory_space<hbm>>)
        tpu.yield
      }) : () -> ()
    } else {
    }
    return
  }
}

module attributes {stable_mosaic.version = 14 : i64} {
  func.func @_embed_body(%arg0: i32, %arg1: memref<1000x1xi32, #tpu.memory_space<vmem>>, %arg2: memref<32x128xf32, #tpu.memory_space<vmem>>, %arg3: memref<1000x128xf32, #tpu.memory_space<vmem>>, %arg4: memref<1000x128xf32, #tpu.memory_space<vmem>>) attributes {dimension_semantics = [#tpu.dimension_semantics<arbitrary>], iteration_bounds = array<i64: 10>, scalar_prefetch = 0 : i64, scratch_operands = 0 : i64, tpu.core_type = #tpu.core_type<tc>, window_params = [{transform_indices = @transform_0, window_bounds = array<i64: 1000, 1>}, {pipeline_mode = #tpu.pipeline_mode<synchronous>, transform_indices = @transform_1, window_bounds = array<i64: 32, 128>}, {transform_indices = @transform_2, window_bounds = array<i64: 1000, 128>}, {transform_indices = @transform_3, window_bounds = array<i64: 1000, 128>}]} {
    %get3A = arith.constant 0 : index
    %get3A_0 = arith.constant 0 : index
    %get3A_1 = vector.load %arg1[%get3A, %get3A_0] : memref<1000x1xi32, #tpu.memory_space<vmem>>, vector<1000x1xi32>
    %iota3A = tpu.iota {dimensions = array<i32: 1>} : vector<1x32xi32>
    %eq3A = vector.broadcast %get3A_1 : vector<1000x1xi32> to vector<1000x32xi32>
    %eq3A_2 = vector.broadcast %iota3A : vector<1x32xi32> to vector<1000x32xi32>
    %eq3A_3 = arith.cmpi eq, %eq3A, %eq3A_2 : vector<1000x32xi32>
    %convert_element_type3A = arith.extui %eq3A_3 : vector<1000x32xi1> to vector<1000x32xi32>
    %convert_element_type3A_4 = arith.sitofp %convert_element_type3A : vector<1000x32xi32> to vector<1000x32xf32>
    %get3A_5 = arith.constant 0 : index
    %get3A_6 = arith.constant 0 : index
    %get3A_7 = vector.load %arg2[%get3A_5, %get3A_6] : memref<32x128xf32, #tpu.memory_space<vmem>>, vector<32x128xf32>
    %dot_general3A = arith.constant dense<0.000000e+00> : vector<1000x128xf32>
    %dot_general3A_8 = tpu.matmul %convert_element_type3A_4, %get3A_7, %dot_general3A {dimension_numbers = #tpu.dot_dimension_numbers<[1], [0], [0], [1], [0, 0, 1, 1], [], []>, precision = #tpu.contract_precision<fp32>, transpose_lhs_hint = false} : vector<1000x32xf32>, vector<32x128xf32>, vector<1000x128xf32> -> vector<1000x128xf32>
    %swap3A = arith.constant 0 : index
    %swap3A_9 = arith.constant 0 : index
    %swap3A_10 = vector.load %arg3[%swap3A, %swap3A_9] : memref<1000x128xf32, #tpu.memory_space<vmem>>, vector<1000x128xf32>
    tpu.vector_store %arg3[%swap3A, %swap3A_9], %dot_general3A_8 {strides = array<i32>} : memref<1000x128xf32, #tpu.memory_space<vmem>>, vector<1000x128xf32>,
    %max3A = arith.constant 0.000000e+00 : f32
    %max3A_11 = vector.broadcast %max3A : f32 to vector<1000x128xf32>
    %max3A_12 = arith.maximumf %dot_general3A_8, %max3A_11 : vector<1000x128xf32>
    %swap3A_13 = arith.constant 0 : index
    %swap3A_14 = arith.constant 0 : index
    %swap3A_15 = vector.load %arg4[%swap3A_13, %swap3A_14] : memref<1000x128xf32, #tpu.memory_space<vmem>>, vector<1000x128xf32>
    tpu.vector_store %arg4[%swap3A_13, %swap3A_14], %max3A_12 {strides = array<i32>} : memref<1000x128xf32, #tpu.memory_space<vmem>>, vector<1000x128xf32>,
    return
  }
  func.func @transform_0(%arg0: i32) -> (i32, i32) {
    %c0_i32 = arith.constant 0 : i32
    %c0_i32_0 = arith.constant 0 : i32
    return %arg0, %c0_i32 : i32, i32
  }
  func.func @transform_1(%arg0: i32) -> (i32, i32) {
    %c0_i32 = arith.constant 0 : i32
    %c0_i32_0 = arith.constant 0 : i32
    %c0_i32_1 = arith.constant 0 : i32
    return %c0_i32, %c0_i32_0 : i32, i32
  }
  func.func @transform_2(%arg0: i32) -> (i32, i32) {
    %c0_i32 = arith.constant 0 : i32
    %c0_i32_0 = arith.constant 0 : i32
    return %arg0, %c0_i32 : i32, i32
  }
  func.func @transform_3(%arg0: i32) -> (i32, i32) {
    %c0_i32 = arith.constant 0 : i32
    %c0_i32_0 = arith.constant 0 : i32
    return %arg0, %c0_i32 : i32, i32
  }
}

module attributes {stable_mosaic.version = 14 : i64} {
  func.func @_k1_body(%arg0: i32, %arg1: memref<1000x128xf32, #tpu.memory_space<vmem>>, %arg2: memref<1000x128xf32, #tpu.memory_space<vmem>>, %arg3: memref<1000x128xf32, #tpu.memory_space<vmem>>, %arg4: memref<1x1xf32, #tpu.memory_space<vmem>>, %arg5: memref<128x256xf32, #tpu.memory_space<vmem>>, %arg6: memref<1x256xf32, #tpu.memory_space<vmem>>, %arg7: memref<1000x256xf32, #tpu.memory_space<vmem>>, %arg8: memref<2x256xf32, #tpu.memory_space<vmem>>) attributes {dimension_semantics = [#tpu.dimension_semantics<arbitrary>], iteration_bounds = array<i64: 10>, scalar_prefetch = 0 : i64, scratch_operands = 0 : i64, tpu.core_type = #tpu.core_type<tc>, window_params = [{transform_indices = @transform_0, window_bounds = array<i64: 1000, 128>}, {transform_indices = @transform_1, window_bounds = array<i64: 1000, 128>}, {transform_indices = @transform_2, window_bounds = array<i64: 1000, 128>}, {pipeline_mode = #tpu.pipeline_mode<synchronous>, transform_indices = @transform_3, window_bounds = array<i64: 1, 1>}, {pipeline_mode = #tpu.pipeline_mode<synchronous>, transform_indices = @transform_4, window_bounds = array<i64: 128, 256>}, {pipeline_mode = #tpu.pipeline_mode<synchronous>, transform_indices = @transform_5, window_bounds = array<i64: 1, 256>}, {transform_indices = @transform_6, window_bounds = array<i64: 1000, 256>}, {pipeline_mode = #tpu.pipeline_mode<synchronous>, transform_indices = @transform_7, window_bounds = array<i64: 2, 256>}]} {
    %get3A = arith.constant 0 : index
    %get3A_0 = arith.constant 0 : index
    %get3A_1 = vector.load %arg4[%get3A, %get3A_0] : memref<1x1xf32, #tpu.memory_space<vmem>>, vector<1x1xf32>
    %add3A = arith.constant 1.000000e+00 : f32
    %add3A_2 = vector.broadcast %add3A : f32 to vector<1x1xf32>
    %add3A_3 = arith.addf %add3A_2, %get3A_1 : vector<1x1xf32>
    %get3A_4 = arith.constant 0 : index
    %get3A_5 = arith.constant 0 : index
    %get3A_6 = vector.load %arg1[%get3A_4, %get3A_5] : memref<1000x128xf32, #tpu.memory_space<vmem>>, vector<1000x128xf32>
    %mul3A = vector.broadcast %add3A_3 : vector<1x1xf32> to vector<1000x128xf32>
    %mul3A_7 = arith.mulf %mul3A, %get3A_6 : vector<1000x128xf32>
    %get3A_8 = arith.constant 0 : index
    %get3A_9 = arith.constant 0 : index
    %get3A_10 = vector.load %arg2[%get3A_8, %get3A_9] : memref<1000x128xf32, #tpu.memory_space<vmem>>, vector<1000x128xf32>
    %add3A_11 = arith.addf %mul3A_7, %get3A_10 : vector<1000x128xf32>
    %get3A_12 = arith.constant 0 : index
    %get3A_13 = arith.constant 0 : index
    %get3A_14 = vector.load %arg3[%get3A_12, %get3A_13] : memref<1000x128xf32, #tpu.memory_space<vmem>>, vector<1000x128xf32>
    %add3A_15 = arith.addf %add3A_11, %get3A_14 : vector<1000x128xf32>
    %get3A_16 = arith.constant 0 : index
    %get3A_17 = arith.constant 0 : index
    %get3A_18 = vector.load %arg5[%get3A_16, %get3A_17] : memref<128x256xf32, #tpu.memory_space<vmem>>, vector<128x256xf32>
    %dot_general3A = arith.constant dense<0.000000e+00> : vector<1000x256xf32>
    %dot_general3A_19 = tpu.matmul %add3A_15, %get3A_18, %dot_general3A {dimension_numbers = #tpu.dot_dimension_numbers<[1], [0], [0], [1], [0, 0, 1, 1], [], []>, transpose_lhs_hint = false} : vector<1000x128xf32>, vector<128x256xf32>, vector<1000x256xf32> -> vector<1000x256xf32>
    %get3A_20 = arith.constant 0 : index
    %get3A_21 = arith.constant 0 : index
    %get3A_22 = vector.load %arg6[%get3A_20, %get3A_21] : memref<1x256xf32, #tpu.memory_space<vmem>>, vector<1x256xf32>
    %add3A_23 = vector.broadcast %get3A_22 : vector<1x256xf32> to vector<1000x256xf32>
    %add3A_24 = arith.addf %dot_general3A_19, %add3A_23 : vector<1000x256xf32>
    %swap3A = arith.constant 0 : index
    %swap3A_25 = arith.constant 0 : index
    %swap3A_26 = vector.load %arg7[%swap3A, %swap3A_25] : memref<1000x256xf32, #tpu.memory_space<vmem>>, vector<1000x256xf32>
    tpu.vector_store %arg7[%swap3A, %swap3A_25], %add3A_24 {strides = array<i32>} : memref<1000x256xf32, #tpu.memory_space<vmem>>, vector<1000x256xf32>,
    %eq3A = arith.constant 0 : i32
    %eq3A_27 = arith.cmpi eq, %arg0, %eq3A : i32
    %convert_element_type3A = arith.extui %eq3A_27 : i1 to i32
    %cond3A = arith.constant 0 : i32
    %cond3A_28 = arith.cmpi ne, %convert_element_type3A, %cond3A : i32
    scf.if %cond3A_28 {
      %broadcast_in_dim3A_41 = arith.constant 0.000000e+00 : f32
      %broadcast_in_dim3A_42 = vector.broadcast %broadcast_in_dim3A_41 : f32 to vector<2x256xf32>
      %swap3A_43 = arith.constant 0 : index
      %swap3A_44 = arith.constant 0 : index
      %swap3A_45 = vector.load %arg8[%swap3A_43, %swap3A_44] : memref<2x256xf32, #tpu.memory_space<vmem>>, vector<2x256xf32>
      tpu.vector_store %arg8[%swap3A_43, %swap3A_44], %broadcast_in_dim3A_42 {strides = array<i32>} : memref<2x256xf32, #tpu.memory_space<vmem>>, vector<2x256xf32>,
    } else {
    }
    %reduce_sum3A = arith.constant dense<0.000000e+00> : vector<256xf32>
    %reduce_sum3A_29 = vector.multi_reduction <add>, %add3A_24, %reduce_sum3A [0] : vector<1000x256xf32> to vector<256xf32>
    %broadcast_in_dim3A = vector.shape_cast %reduce_sum3A_29 : vector<256xf32> to vector<1x256xf32>
    %mul3A_30 = arith.mulf %add3A_24, %add3A_24 : vector<1000x256xf32>
    %reduce_sum3A_31 = arith.constant dense<0.000000e+00> : vector<256xf32>
    %reduce_sum3A_32 = vector.multi_reduction <add>, %mul3A_30, %reduce_sum3A_31 [0] : vector<1000x256xf32> to vector<256xf32>
    %broadcast_in_dim3A_33 = vector.shape_cast %reduce_sum3A_32 : vector<256xf32> to vector<1x256xf32>
    %get3A_34 = arith.constant 0 : index
    %get3A_35 = arith.constant 0 : index
    %get3A_36 = vector.load %arg8[%get3A_34, %get3A_35] : memref<2x256xf32, #tpu.memory_space<vmem>>, vector<2x256xf32>
    %concatenate3A = tpu.concatenate %broadcast_in_dim3A, %broadcast_in_dim3A_33 in 0 : vector<1x256xf32>, vector<1x256xf32> -> vector<2x256xf32>
    %add3A_37 = arith.addf %get3A_36, %concatenate3A : vector<2x256xf32>
    %swap3A_38 = arith.constant 0 : index
    %swap3A_39 = arith.constant 0 : index
    %swap3A_40 = vector.load %arg8[%swap3A_38, %swap3A_39] : memref<2x256xf32, #tpu.memory_space<vmem>>, vector<2x256xf32>
    tpu.vector_store %arg8[%swap3A_38, %swap3A_39], %add3A_37 {strides = array<i32>} : memref<2x256xf32, #tpu.memory_space<vmem>>, vector<2x256xf32>,
    return
  }
  func.func @transform_0(%arg0: i32) -> (i32, i32) {
    %c0_i32 = arith.constant 0 : i32
    %c0_i32_0 = arith.constant 0 : i32
    return %arg0, %c0_i32 : i32, i32
  }
  func.func @transform_1(%arg0: i32) -> (i32, i32) {
    %c0_i32 = arith.constant 0 : i32
    %c0_i32_0 = arith.constant 0 : i32
    return %arg0, %c0_i32 : i32, i32
  }
  func.func @transform_2(%arg0: i32) -> (i32, i32) {
    %c0_i32 = arith.constant 0 : i32
    %c0_i32_0 = arith.constant 0 : i32
    return %arg0, %c0_i32 : i32, i32
  }
  func.func @transform_3(%arg0: i32) -> (i32, i32) {
    %c0_i32 = arith.constant 0 : i32
    %c0_i32_0 = arith.constant 0 : i32
    %c0_i32_1 = arith.constant 0 : i32
    return %c0_i32, %c0_i32_0 : i32, i32
  }
  func.func @transform_4(%arg0: i32) -> (i32, i32) {
    %c0_i32 = arith.constant 0 : i32
    %c0_i32_0 = arith.constant 0 : i32
    %c0_i32_1 = arith.constant 0 : i32
    return %c0_i32, %c0_i32_0 : i32, i32
  }
  func.func @transform_5(%arg0: i32) -> (i32, i32) {
    %c0_i32 = arith.constant 0 : i32
    %c0_i32_0 = arith.constant 0 : i32
    %c0_i32_1 = arith.constant 0 : i32
    return %c0_i32, %c0_i32_0 : i32, i32
  }
  func.func @transform_6(%arg0: i32) -> (i32, i32) {
    %c0_i32 = arith.constant 0 : i32
    %c0_i32_0 = arith.constant 0 : i32
    return %arg0, %c0_i32 : i32, i32
  }
  func.func @transform_7(%arg0: i32) -> (i32, i32) {
    %c0_i32 = arith.constant 0 : i32
    %c0_i32_0 = arith.constant 0 : i32
    %c0_i32_1 = arith.constant 0 : i32
    return %c0_i32, %c0_i32_0 : i32, i32
  }
}

module attributes {stable_mosaic.version = 14 : i64} {
  func.func @_k2_body(%arg0: i32, %arg1: memref<1000x256xf32, #tpu.memory_space<vmem>>, %arg2: memref<2x256xf32, #tpu.memory_space<vmem>>, %arg3: memref<1x256xf32, #tpu.memory_space<vmem>>, %arg4: memref<1x256xf32, #tpu.memory_space<vmem>>, %arg5: memref<256x128xf32, #tpu.memory_space<vmem>>, %arg6: memref<1x128xf32, #tpu.memory_space<vmem>>, %arg7: memref<1000x128xf32, #tpu.memory_space<vmem>>, %arg8: memref<2x128xf32, #tpu.memory_space<vmem>>) attributes {dimension_semantics = [#tpu.dimension_semantics<arbitrary>], iteration_bounds = array<i64: 10>, scalar_prefetch = 0 : i64, scratch_operands = 0 : i64, tpu.core_type = #tpu.core_type<tc>, window_params = [{transform_indices = @transform_0, window_bounds = array<i64: 1000, 256>}, {pipeline_mode = #tpu.pipeline_mode<synchronous>, transform_indices = @transform_1, window_bounds = array<i64: 2, 256>}, {pipeline_mode = #tpu.pipeline_mode<synchronous>, transform_indices = @transform_2, window_bounds = array<i64: 1, 256>}, {pipeline_mode = #tpu.pipeline_mode<synchronous>, transform_indices = @transform_3, window_bounds = array<i64: 1, 256>}, {pipeline_mode = #tpu.pipeline_mode<synchronous>, transform_indices = @transform_4, window_bounds = array<i64: 256, 128>}, {pipeline_mode = #tpu.pipeline_mode<synchronous>, transform_indices = @transform_5, window_bounds = array<i64: 1, 128>}, {transform_indices = @transform_6, window_bounds = array<i64: 1000, 128>}, {pipeline_mode = #tpu.pipeline_mode<synchronous>, transform_indices = @transform_7, window_bounds = array<i64: 2, 128>}]} {
    %get3A = arith.constant 0 : index
    %get3A_0 = arith.constant 0 : index
    %get3A_1 = vector.load %arg1[%get3A, %get3A_0] : memref<1000x256xf32, #tpu.memory_space<vmem>>, vector<1000x256xf32>
    %get3A_2 = arith.constant 0 : index
    %get3A_3 = arith.constant 0 : index
    %get3A_4 = vector.load %arg3[%get3A_2, %get3A_3] : memref<1x256xf32, #tpu.memory_space<vmem>>, vector<1x256xf32>
    %get3A_5 = arith.constant 0 : index
    %get3A_6 = arith.constant 0 : index
    %get3A_7 = vector.load %arg4[%get3A_5, %get3A_6] : memref<1x256xf32, #tpu.memory_space<vmem>>, vector<1x256xf32>
    %get3A_8 = arith.constant 0 : index
    %get3A_9 = arith.constant 0 : index
    %get3A_10 = vector.load %arg2[%get3A_8, %get3A_9] : memref<2x256xf32, #tpu.memory_space<vmem>>, vector<1x256xf32>
    %mul3A = arith.constant 9.99999974E-5 : f32
    %mul3A_11 = vector.broadcast %mul3A : f32 to vector<1x256xf32>
    %mul3A_12 = arith.mulf %get3A_10, %mul3A_11 : vector<1x256xf32>
    %get3A_13 = arith.constant 1 : index
    %get3A_14 = arith.constant 0 : index
    %get3A_15 = vector.load %arg2[%get3A_13, %get3A_14] : memref<2x256xf32, #tpu.memory_space<vmem>>, vector<1x256xf32>
    %mul3A_16 = arith.constant 9.99999974E-5 : f32
    %mul3A_17 = vector.broadcast %mul3A_16 : f32 to vector<1x256xf32>
    %mul3A_18 = arith.mulf %get3A_15, %mul3A_17 : vector<1x256xf32>
    %mul3A_19 = arith.mulf %mul3A_12, %mul3A_12 : vector<1x256xf32>
    %sub3A = arith.subf %mul3A_18, %mul3A_19 : vector<1x256xf32>
    %sub3A_20 = vector.broadcast %mul3A_12 : vector<1x256xf32> to vector<1000x256xf32>
    %sub3A_21 = arith.subf %get3A_1, %sub3A_20 : vector<1000x256xf32>
    %add3A = arith.constant 9.99999974E-6 : f32
    %add3A_22 = vector.broadcast %add3A : f32 to vector<1x256xf32>
    %add3A_23 = arith.addf %sub3A, %add3A_22 : vector<1x256xf32>
    %sqrt3A = math.sqrt %add3A_23 : vector<1x256xf32>
    %div3A = vector.broadcast %sqrt3A : vector<1x256xf32> to vector<1000x256xf32>
    %div3A_24 = arith.divf %sub3A_21, %div3A : vector<1000x256xf32>
    %mul3A_25 = vector.broadcast %get3A_4 : vector<1x256xf32> to vector<1000x256xf32>
    %mul3A_26 = arith.mulf %div3A_24, %mul3A_25 : vector<1000x256xf32>
    %add3A_27 = vector.broadcast %get3A_7 : vector<1x256xf32> to vector<1000x256xf32>
    %add3A_28 = arith.addf %mul3A_26, %add3A_27 : vector<1000x256xf32>
    %max3A = arith.constant 0.000000e+00 : f32
    %max3A_29 = vector.broadcast %max3A : f32 to vector<1000x256xf32>
    %max3A_30 = arith.maximumf %add3A_28, %max3A_29 : vector<1000x256xf32>
    %get3A_31 = arith.constant 0 : index
    %get3A_32 = arith.constant 0 : index
    %get3A_33 = vector.load %arg5[%get3A_31, %get3A_32] : memref<256x128xf32, #tpu.memory_space<vmem>>, vector<256x128xf32>
    %dot_general3A = arith.constant dense<0.000000e+00> : vector<1000x128xf32>
    %dot_general3A_34 = tpu.matmul %max3A_30, %get3A_33, %dot_general3A {dimension_numbers = #tpu.dot_dimension_numbers<[1], [0], [0], [1], [0, 0, 1, 1], [], []>, transpose_lhs_hint = false} : vector<1000x256xf32>, vector<256x128xf32>, vector<1000x128xf32> -> vector<1000x128xf32>
    %get3A_35 = arith.constant 0 : index
    %get3A_36 = arith.constant 0 : index
    %get3A_37 = vector.load %arg6[%get3A_35, %get3A_36] : memref<1x128xf32, #tpu.memory_space<vmem>>, vector<1x128xf32>
    %add3A_38 = vector.broadcast %get3A_37 : vector<1x128xf32> to vector<1000x128xf32>
    %add3A_39 = arith.addf %dot_general3A_34, %add3A_38 : vector<1000x128xf32>
    %swap3A = arith.constant 0 : index
    %swap3A_40 = arith.constant 0 : index
    %swap3A_41 = vector.load %arg7[%swap3A, %swap3A_40] : memref<1000x128xf32, #tpu.memory_space<vmem>>, vector<1000x128xf32>
    tpu.vector_store %arg7[%swap3A, %swap3A_40], %add3A_39 {strides = array<i32>} : memref<1000x128xf32, #tpu.memory_space<vmem>>, vector<1000x128xf32>,
    %eq3A = arith.constant 0 : i32
    %eq3A_42 = arith.cmpi eq, %arg0, %eq3A : i32
    %convert_element_type3A = arith.extui %eq3A_42 : i1 to i32
    %cond3A = arith.constant 0 : i32
    %cond3A_43 = arith.cmpi ne, %convert_element_type3A, %cond3A : i32
    scf.if %cond3A_43 {
      %broadcast_in_dim3A_56 = arith.constant 0.000000e+00 : f32
      %broadcast_in_dim3A_57 = vector.broadcast %broadcast_in_dim3A_56 : f32 to vector<2x128xf32>
      %swap3A_58 = arith.constant 0 : index
      %swap3A_59 = arith.constant 0 : index
      %swap3A_60 = vector.load %arg8[%swap3A_58, %swap3A_59] : memref<2x128xf32, #tpu.memory_space<vmem>>, vector<2x128xf32>
      tpu.vector_store %arg8[%swap3A_58, %swap3A_59], %broadcast_in_dim3A_57 {strides = array<i32>} : memref<2x128xf32, #tpu.memory_space<vmem>>, vector<2x128xf32>,
    } else {
    }
    %reduce_sum3A = arith.constant dense<0.000000e+00> : vector<128xf32>
    %reduce_sum3A_44 = vector.multi_reduction <add>, %add3A_39, %reduce_sum3A [0] : vector<1000x128xf32> to vector<128xf32>
    %broadcast_in_dim3A = vector.shape_cast %reduce_sum3A_44 : vector<128xf32> to vector<1x128xf32>
    %mul3A_45 = arith.mulf %add3A_39, %add3A_39 : vector<1000x128xf32>
    %reduce_sum3A_46 = arith.constant dense<0.000000e+00> : vector<128xf32>
    %reduce_sum3A_47 = vector.multi_reduction <add>, %mul3A_45, %reduce_sum3A_46 [0] : vector<1000x128xf32> to vector<128xf32>
    %broadcast_in_dim3A_48 = vector.shape_cast %reduce_sum3A_47 : vector<128xf32> to vector<1x128xf32>
    %get3A_49 = arith.constant 0 : index
    %get3A_50 = arith.constant 0 : index
    %get3A_51 = vector.load %arg8[%get3A_49, %get3A_50] : memref<2x128xf32, #tpu.memory_space<vmem>>, vector<2x128xf32>
    %concatenate3A = tpu.concatenate %broadcast_in_dim3A, %broadcast_in_dim3A_48 in 0 : vector<1x128xf32>, vector<1x128xf32> -> vector<2x128xf32>
    %add3A_52 = arith.addf %get3A_51, %concatenate3A : vector<2x128xf32>
    %swap3A_53 = arith.constant 0 : index
    %swap3A_54 = arith.constant 0 : index
    %swap3A_55 = vector.load %arg8[%swap3A_53, %swap3A_54] : memref<2x128xf32, #tpu.memory_space<vmem>>, vector<2x128xf32>
    tpu.vector_store %arg8[%swap3A_53, %swap3A_54], %add3A_52 {strides = array<i32>} : memref<2x128xf32, #tpu.memory_space<vmem>>, vector<2x128xf32>,
    return
  }
  func.func @transform_0(%arg0: i32) -> (i32, i32) {
    %c0_i32 = arith.constant 0 : i32
    %c0_i32_0 = arith.constant 0 : i32
    return %arg0, %c0_i32 : i32, i32
  }
  func.func @transform_1(%arg0: i32) -> (i32, i32) {
    %c0_i32 = arith.constant 0 : i32
    %c0_i32_0 = arith.constant 0 : i32
    %c0_i32_1 = arith.constant 0 : i32
    return %c0_i32, %c0_i32_0 : i32, i32
  }
  func.func @transform_2(%arg0: i32) -> (i32, i32) {
    %c0_i32 = arith.constant 0 : i32
    %c0_i32_0 = arith.constant 0 : i32
    %c0_i32_1 = arith.constant 0 : i32
    return %c0_i32, %c0_i32_0 : i32, i32
  }
  func.func @transform_3(%arg0: i32) -> (i32, i32) {
    %c0_i32 = arith.constant 0 : i32
    %c0_i32_0 = arith.constant 0 : i32
    %c0_i32_1 = arith.constant 0 : i32
    return %c0_i32, %c0_i32_0 : i32, i32
  }
  func.func @transform_4(%arg0: i32) -> (i32, i32) {
    %c0_i32 = arith.constant 0 : i32
    %c0_i32_0 = arith.constant 0 : i32
    %c0_i32_1 = arith.constant 0 : i32
    return %c0_i32, %c0_i32_0 : i32, i32
  }
  func.func @transform_5(%arg0: i32) -> (i32, i32) {
    %c0_i32 = arith.constant 0 : i32
    %c0_i32_0 = arith.constant 0 : i32
    %c0_i32_1 = arith.constant 0 : i32
    return %c0_i32, %c0_i32_0 : i32, i32
  }
  func.func @transform_6(%arg0: i32) -> (i32, i32) {
    %c0_i32 = arith.constant 0 : i32
    %c0_i32_0 = arith.constant 0 : i32
    return %arg0, %c0_i32 : i32, i32
  }
  func.func @transform_7(%arg0: i32) -> (i32, i32) {
    %c0_i32 = arith.constant 0 : i32
    %c0_i32_0 = arith.constant 0 : i32
    %c0_i32_1 = arith.constant 0 : i32
    return %c0_i32, %c0_i32_0 : i32, i32
  }
}

module attributes {stable_mosaic.version = 14 : i64} {
  func.func @_k3_body_relu(%arg0: i32, %arg1: memref<1000x128xf32, #tpu.memory_space<vmem>>, %arg2: memref<2x128xf32, #tpu.memory_space<vmem>>, %arg3: memref<1x128xf32, #tpu.memory_space<vmem>>, %arg4: memref<1x128xf32, #tpu.memory_space<vmem>>, %arg5: memref<1000x128xf32, #tpu.memory_space<vmem>>) attributes {dimension_semantics = [#tpu.dimension_semantics<arbitrary>], iteration_bounds = array<i64: 10>, scalar_prefetch = 0 : i64, scratch_operands = 0 : i64, tpu.core_type = #tpu.core_type<tc>, window_params = [{transform_indices = @transform_0, window_bounds = array<i64: 1000, 128>}, {pipeline_mode = #tpu.pipeline_mode<synchronous>, transform_indices = @transform_1, window_bounds = array<i64: 2, 128>}, {pipeline_mode = #tpu.pipeline_mode<synchronous>, transform_indices = @transform_2, window_bounds = array<i64: 1, 128>}, {pipeline_mode = #tpu.pipeline_mode<synchronous>, transform_indices = @transform_3, window_bounds = array<i64: 1, 128>}, {transform_indices = @transform_4, window_bounds = array<i64: 1000, 128>}]} {
    %get3A = arith.constant 0 : index
    %get3A_0 = arith.constant 0 : index
    %get3A_1 = vector.load %arg1[%get3A, %get3A_0] : memref<1000x128xf32, #tpu.memory_space<vmem>>, vector<1000x128xf32>
    %get3A_2 = arith.constant 0 : index
    %get3A_3 = arith.constant 0 : index
    %get3A_4 = vector.load %arg3[%get3A_2, %get3A_3] : memref<1x128xf32, #tpu.memory_space<vmem>>, vector<1x128xf32>
    %get3A_5 = arith.constant 0 : index
    %get3A_6 = arith.constant 0 : index
    %get3A_7 = vector.load %arg4[%get3A_5, %get3A_6] : memref<1x128xf32, #tpu.memory_space<vmem>>, vector<1x128xf32>
    %get3A_8 = arith.constant 0 : index
    %get3A_9 = arith.constant 0 : index
    %get3A_10 = vector.load %arg2[%get3A_8, %get3A_9] : memref<2x128xf32, #tpu.memory_space<vmem>>, vector<1x128xf32>
    %mul3A = arith.constant 9.99999974E-5 : f32
    %mul3A_11 = vector.broadcast %mul3A : f32 to vector<1x128xf32>
    %mul3A_12 = arith.mulf %get3A_10, %mul3A_11 : vector<1x128xf32>
    %get3A_13 = arith.constant 1 : index
    %get3A_14 = arith.constant 0 : index
    %get3A_15 = vector.load %arg2[%get3A_13, %get3A_14] : memref<2x128xf32, #tpu.memory_space<vmem>>, vector<1x128xf32>
    %mul3A_16 = arith.constant 9.99999974E-5 : f32
    %mul3A_17 = vector.broadcast %mul3A_16 : f32 to vector<1x128xf32>
    %mul3A_18 = arith.mulf %get3A_15, %mul3A_17 : vector<1x128xf32>
    %mul3A_19 = arith.mulf %mul3A_12, %mul3A_12 : vector<1x128xf32>
    %sub3A = arith.subf %mul3A_18, %mul3A_19 : vector<1x128xf32>
    %sub3A_20 = vector.broadcast %mul3A_12 : vector<1x128xf32> to vector<1000x128xf32>
    %sub3A_21 = arith.subf %get3A_1, %sub3A_20 : vector<1000x128xf32>
    %add3A = arith.constant 9.99999974E-6 : f32
    %add3A_22 = vector.broadcast %add3A : f32 to vector<1x128xf32>
    %add3A_23 = arith.addf %sub3A, %add3A_22 : vector<1x128xf32>
    %sqrt3A = math.sqrt %add3A_23 : vector<1x128xf32>
    %div3A = vector.broadcast %sqrt3A : vector<1x128xf32> to vector<1000x128xf32>
    %div3A_24 = arith.divf %sub3A_21, %div3A : vector<1000x128xf32>
    %mul3A_25 = vector.broadcast %get3A_4 : vector<1x128xf32> to vector<1000x128xf32>
    %mul3A_26 = arith.mulf %div3A_24, %mul3A_25 : vector<1000x128xf32>
    %add3A_27 = vector.broadcast %get3A_7 : vector<1x128xf32> to vector<1000x128xf32>
    %add3A_28 = arith.addf %mul3A_26, %add3A_27 : vector<1000x128xf32>
    %max3A = arith.constant 0.000000e+00 : f32
    %max3A_29 = vector.broadcast %max3A : f32 to vector<1000x128xf32>
    %max3A_30 = arith.maximumf %add3A_28, %max3A_29 : vector<1000x128xf32>
    %swap3A = arith.constant 0 : index
    %swap3A_31 = arith.constant 0 : index
    %swap3A_32 = vector.load %arg5[%swap3A, %swap3A_31] : memref<1000x128xf32, #tpu.memory_space<vmem>>, vector<1000x128xf32>
    tpu.vector_store %arg5[%swap3A, %swap3A_31], %max3A_30 {strides = array<i32>} : memref<1000x128xf32, #tpu.memory_space<vmem>>, vector<1000x128xf32>,
    return
  }
  func.func @transform_0(%arg0: i32) -> (i32, i32) {
    %c0_i32 = arith.constant 0 : i32
    %c0_i32_0 = arith.constant 0 : i32
    return %arg0, %c0_i32 : i32, i32
  }
  func.func @transform_1(%arg0: i32) -> (i32, i32) {
    %c0_i32 = arith.constant 0 : i32
    %c0_i32_0 = arith.constant 0 : i32
    %c0_i32_1 = arith.constant 0 : i32
    return %c0_i32, %c0_i32_0 : i32, i32
  }
  func.func @transform_2(%arg0: i32) -> (i32, i32) {
    %c0_i32 = arith.constant 0 : i32
    %c0_i32_0 = arith.constant 0 : i32
    %c0_i32_1 = arith.constant 0 : i32
    return %c0_i32, %c0_i32_0 : i32, i32
  }
  func.func @transform_3(%arg0: i32) -> (i32, i32) {
    %c0_i32 = arith.constant 0 : i32
    %c0_i32_0 = arith.constant 0 : i32
    %c0_i32_1 = arith.constant 0 : i32
    return %c0_i32, %c0_i32_0 : i32, i32
  }
  func.func @transform_4(%arg0: i32) -> (i32, i32) {
    %c0_i32 = arith.constant 0 : i32
    %c0_i32_0 = arith.constant 0 : i32
    return %arg0, %c0_i32 : i32, i32
  }
}

module attributes {stable_mosaic.version = 14 : i64} {
  func.func @_pool_body(%arg0: i32, %arg1: memref<1000x128xf32, #tpu.memory_space<vmem>>, %arg2: memref<2x128xf32, #tpu.memory_space<vmem>>, %arg3: memref<1x128xf32, #tpu.memory_space<vmem>>, %arg4: memref<1x128xf32, #tpu.memory_space<vmem>>, %arg5: memref<1000x1xi32, #tpu.memory_space<vmem>>, %arg6: memref<128x64xf32, #tpu.memory_space<vmem>>, %arg7: memref<1x64xf32, #tpu.memory_space<vmem>>, %arg8: memref<64x32xf32, #tpu.memory_space<vmem>>, %arg9: memref<1x32xf32, #tpu.memory_space<vmem>>, %arg10: memref<32x10xf32, #tpu.memory_space<vmem>>, %arg11: memref<1x10xf32, #tpu.memory_space<vmem>>, %arg12: memref<256x10xf32, #tpu.memory_space<vmem>>, %arg13: memref<256x128xf32, #tpu.memory_space<vmem>>, %arg14: memref<256x1xf32, #tpu.memory_space<vmem>>) attributes {dimension_semantics = [#tpu.dimension_semantics<arbitrary>], iteration_bounds = array<i64: 10>, scalar_prefetch = 0 : i64, scratch_operands = 2 : i64, tpu.core_type = #tpu.core_type<tc>, window_params = [{transform_indices = @transform_0, window_bounds = array<i64: 1000, 128>}, {pipeline_mode = #tpu.pipeline_mode<synchronous>, transform_indices = @transform_1, window_bounds = array<i64: 2, 128>}, {pipeline_mode = #tpu.pipeline_mode<synchronous>, transform_indices = @transform_2, window_bounds = array<i64: 1, 128>}, {pipeline_mode = #tpu.pipeline_mode<synchronous>, transform_indices = @transform_3, window_bounds = array<i64: 1, 128>}, {transform_indices = @transform_4, window_bounds = array<i64: 1000, 1>}, {pipeline_mode = #tpu.pipeline_mode<synchronous>, transform_indices = @transform_5, window_bounds = array<i64: 128, 64>}, {pipeline_mode = #tpu.pipeline_mode<synchronous>, transform_indices = @transform_6, window_bounds = array<i64: 1, 64>}, {pipeline_mode = #tpu.pipeline_mode<synchronous>, transform_indices = @transform_7, window_bounds = array<i64: 64, 32>}, {pipeline_mode = #tpu.pipeline_mode<synchronous>, transform_indices = @transform_8, window_bounds = array<i64: 1, 32>}, {pipeline_mode = #tpu.pipeline_mode<synchronous>, transform_indices = @transform_9, window_bounds = array<i64: 32, 10>}, {pipeline_mode = #tpu.pipeline_mode<synchronous>, transform_indices = @transform_10, window_bounds = array<i64: 1, 10>}, {pipeline_mode = #tpu.pipeline_mode<synchronous>, transform_indices = @transform_11, window_bounds = array<i64: 256, 10>}]} {
    %get3A = arith.constant 0 : index
    %get3A_0 = arith.constant 0 : index
    %get3A_1 = vector.load %arg1[%get3A, %get3A_0] : memref<1000x128xf32, #tpu.memory_space<vmem>>, vector<1000x128xf32>
    %get3A_2 = arith.constant 0 : index
    %get3A_3 = arith.constant 0 : index
    %get3A_4 = vector.load %arg3[%get3A_2, %get3A_3] : memref<1x128xf32, #tpu.memory_space<vmem>>, vector<1x128xf32>
    %get3A_5 = arith.constant 0 : index
    %get3A_6 = arith.constant 0 : index
    %get3A_7 = vector.load %arg4[%get3A_5, %get3A_6] : memref<1x128xf32, #tpu.memory_space<vmem>>, vector<1x128xf32>
    %get3A_8 = arith.constant 0 : index
    %get3A_9 = arith.constant 0 : index
    %get3A_10 = vector.load %arg2[%get3A_8, %get3A_9] : memref<2x128xf32, #tpu.memory_space<vmem>>, vector<1x128xf32>
    %mul3A = arith.constant 9.99999974E-5 : f32
    %mul3A_11 = vector.broadcast %mul3A : f32 to vector<1x128xf32>
    %mul3A_12 = arith.mulf %get3A_10, %mul3A_11 : vector<1x128xf32>
    %get3A_13 = arith.constant 1 : index
    %get3A_14 = arith.constant 0 : index
    %get3A_15 = vector.load %arg2[%get3A_13, %get3A_14] : memref<2x128xf32, #tpu.memory_space<vmem>>, vector<1x128xf32>
    %mul3A_16 = arith.constant 9.99999974E-5 : f32
    %mul3A_17 = vector.broadcast %mul3A_16 : f32 to vector<1x128xf32>
    %mul3A_18 = arith.mulf %get3A_15, %mul3A_17 : vector<1x128xf32>
    %mul3A_19 = arith.mulf %mul3A_12, %mul3A_12 : vector<1x128xf32>
    %sub3A = arith.subf %mul3A_18, %mul3A_19 : vector<1x128xf32>
    %sub3A_20 = vector.broadcast %mul3A_12 : vector<1x128xf32> to vector<1000x128xf32>
    %sub3A_21 = arith.subf %get3A_1, %sub3A_20 : vector<1000x128xf32>
    %add3A = arith.constant 9.99999974E-6 : f32
    %add3A_22 = vector.broadcast %add3A : f32 to vector<1x128xf32>
    %add3A_23 = arith.addf %sub3A, %add3A_22 : vector<1x128xf32>
    %sqrt3A = math.sqrt %add3A_23 : vector<1x128xf32>
    %div3A = vector.broadcast %sqrt3A : vector<1x128xf32> to vector<1000x128xf32>
    %div3A_24 = arith.divf %sub3A_21, %div3A : vector<1000x128xf32>
    %mul3A_25 = vector.broadcast %get3A_4 : vector<1x128xf32> to vector<1000x128xf32>
    %mul3A_26 = arith.mulf %div3A_24, %mul3A_25 : vector<1000x128xf32>
    %add3A_27 = vector.broadcast %get3A_7 : vector<1x128xf32> to vector<1000x128xf32>
    %add3A_28 = arith.addf %mul3A_26, %add3A_27 : vector<1000x128xf32>
    %get3A_29 = arith.constant 0 : index
    %get3A_30 = arith.constant 0 : index
    %get3A_31 = vector.load %arg5[%get3A_29, %get3A_30] : memref<1000x1xi32, #tpu.memory_space<vmem>>, vector<1000x1xi32>
    %iota3A = tpu.iota {dimensions = array<i32: 1>} : vector<1x256xi32>
    %eq3A = vector.broadcast %get3A_31 : vector<1000x1xi32> to vector<1000x256xi32>
    %eq3A_32 = vector.broadcast %iota3A : vector<1x256xi32> to vector<1000x256xi32>
    %eq3A_33 = arith.cmpi eq, %eq3A, %eq3A_32 : vector<1000x256xi32>
    %convert_element_type3A = arith.extui %eq3A_33 : vector<1000x256xi1> to vector<1000x256xi32>
    %convert_element_type3A_34 = arith.sitofp %convert_element_type3A : vector<1000x256xi32> to vector<1000x256xf32>
    %eq3A_35 = arith.constant 0 : i32
    %eq3A_36 = arith.cmpi eq, %arg0, %eq3A_35 : i32
    %convert_element_type3A_37 = arith.extui %eq3A_36 : i1 to i32
    %cond3A = arith.constant 0 : i32
    %cond3A_38 = arith.cmpi ne, %convert_element_type3A_37, %cond3A : i32
    scf.if %cond3A_38 {
      %broadcast_in_dim3A_61 = arith.constant 0.000000e+00 : f32
      %broadcast_in_dim3A_62 = vector.broadcast %broadcast_in_dim3A_61 : f32 to vector<256x128xf32>
      %swap3A_63 = arith.constant 0 : index
      %swap3A_64 = arith.constant 0 : index
      %swap3A_65 = vector.load %arg13[%swap3A_63, %swap3A_64] : memref<256x128xf32, #tpu.memory_space<vmem>>, vector<256x128xf32>
      tpu.vector_store %arg13[%swap3A_63, %swap3A_64], %broadcast_in_dim3A_62 {strides = array<i32>} : memref<256x128xf32, #tpu.memory_space<vmem>>, vector<256x128xf32>,
      %broadcast_in_dim3A_66 = arith.constant 0.000000e+00 : f32
      %broadcast_in_dim3A_67 = vector.broadcast %broadcast_in_dim3A_66 : f32 to vector<256x1xf32>
      %swap3A_68 = arith.constant 0 : index
      %swap3A_69 = arith.constant 0 : index
      %swap3A_70 = vector.load %arg14[%swap3A_68, %swap3A_69] : memref<256x1xf32, #tpu.memory_space<vmem>>, vector<256x1xf32>
      tpu.vector_store %arg14[%swap3A_68, %swap3A_69], %broadcast_in_dim3A_67 {strides = array<i32>} : memref<256x1xf32, #tpu.memory_space<vmem>>, vector<256x1xf32>,
    } else {
    }
    %get3A_39 = arith.constant 0 : index
    %get3A_40 = arith.constant 0 : index
    %get3A_41 = vector.load %arg13[%get3A_39, %get3A_40] : memref<256x128xf32, #tpu.memory_space<vmem>>, vector<256x128xf32>
    %dot_general3A = arith.constant dense<0.000000e+00> : vector<256x128xf32>
    %dot_general3A_42 = tpu.matmul %convert_element_type3A_34, %add3A_28, %dot_general3A {dimension_numbers = #tpu.dot_dimension_numbers<[0], [0], [1], [1], [0, 1, 1, 1], [], []>, precision = #tpu.contract_precision<fp32>, transpose_lhs_hint = false} : vector<1000x256xf32>, vector<1000x128xf32>, vector<256x128xf32> -> vector<256x128xf32>
    %add3A_43 = arith.addf %get3A_41, %dot_general3A_42 : vector<256x128xf32>
    %swap3A = arith.constant 0 : index
    %swap3A_44 = arith.constant 0 : index
    %swap3A_45 = vector.load %arg13[%swap3A, %swap3A_44] : memref<256x128xf32, #tpu.memory_space<vmem>>, vector<256x128xf32>
    tpu.vector_store %arg13[%swap3A, %swap3A_44], %add3A_43 {strides = array<i32>} : memref<256x128xf32, #tpu.memory_space<vmem>>, vector<256x128xf32>,
    %get3A_46 = arith.constant 0 : index
    %get3A_47 = arith.constant 0 : index
    %get3A_48 = vector.load %arg14[%get3A_46, %get3A_47] : memref<256x1xf32, #tpu.memory_space<vmem>>, vector<256x1xf32>
    %broadcast_in_dim3A = arith.constant 1.000000e+00 : f32
    %broadcast_in_dim3A_49 = vector.broadcast %broadcast_in_dim3A : f32 to vector<1000x1xf32>
    %dot_general3A_50 = arith.constant dense<0.000000e+00> : vector<256x1xf32>
    %dot_general3A_51 = tpu.matmul %convert_element_type3A_34, %broadcast_in_dim3A_49, %dot_general3A_50 {dimension_numbers = #tpu.dot_dimension_numbers<[0], [0], [1], [1], [0, 1, 1, 1], [], []>, precision = #tpu.contract_precision<fp32>, transpose_lhs_hint = false} : vector<1000x256xf32>, vector<1000x1xf32>, vector<256x1xf32> -> vector<256x1xf32>
    %add3A_52 = arith.addf %get3A_48, %dot_general3A_51 : vector<256x1xf32>
    %swap3A_53 = arith.constant 0 : index
    %swap3A_54 = arith.constant 0 : index
    %swap3A_55 = vector.load %arg14[%swap3A_53, %swap3A_54] : memref<256x1xf32, #tpu.memory_space<vmem>>, vector<256x1xf32>
    tpu.vector_store %arg14[%swap3A_53, %swap3A_54], %add3A_52 {strides = array<i32>} : memref<256x1xf32, #tpu.memory_space<vmem>>, vector<256x1xf32>,
    %eq3A_56 = arith.constant 9 : i32
    %eq3A_57 = arith.cmpi eq, %arg0, %eq3A_56 : i32
    %convert_element_type3A_58 = arith.extui %eq3A_57 : i1 to i32
    %cond3A_59 = arith.constant 0 : i32
    %cond3A_60 = arith.cmpi ne, %convert_element_type3A_58, %cond3A_59 : i32
    scf.if %cond3A_60 {
      %get3A_61 = arith.constant 0 : index
      %get3A_62 = arith.constant 0 : index
      %get3A_63 = vector.load %arg13[%get3A_61, %get3A_62] : memref<256x128xf32, #tpu.memory_space<vmem>>, vector<256x128xf32>
      %get3A_64 = arith.constant 0 : index
      %get3A_65 = arith.constant 0 : index
      %get3A_66 = vector.load %arg14[%get3A_64, %get3A_65] : memref<256x1xf32, #tpu.memory_space<vmem>>, vector<256x1xf32>
      %max3A = arith.constant 1.000000e+00 : f32
      %max3A_67 = vector.broadcast %max3A : f32 to vector<256x1xf32>
      %max3A_68 = arith.maximumf %get3A_66, %max3A_67 : vector<256x1xf32>
      %div3A_69 = vector.broadcast %max3A_68 : vector<256x1xf32> to vector<256x128xf32>
      %div3A_70 = arith.divf %get3A_63, %div3A_69 : vector<256x128xf32>
      %get3A_71 = arith.constant 0 : index
      %get3A_72 = arith.constant 0 : index
      %get3A_73 = vector.load %arg6[%get3A_71, %get3A_72] : memref<128x64xf32, #tpu.memory_space<vmem>>, vector<128x64xf32>
      %dot_general3A_74 = arith.constant dense<0.000000e+00> : vector<256x64xf32>
      %dot_general3A_75 = tpu.matmul %div3A_70, %get3A_73, %dot_general3A_74 {dimension_numbers = #tpu.dot_dimension_numbers<[1], [0], [0], [1], [0, 0, 1, 1], [], []>, transpose_lhs_hint = false} : vector<256x128xf32>, vector<128x64xf32>, vector<256x64xf32> -> vector<256x64xf32>
      %get3A_76 = arith.constant 0 : index
      %get3A_77 = arith.constant 0 : index
      %get3A_78 = vector.load %arg7[%get3A_76, %get3A_77] : memref<1x64xf32, #tpu.memory_space<vmem>>, vector<1x64xf32>
      %add3A_79 = vector.broadcast %get3A_78 : vector<1x64xf32> to vector<256x64xf32>
      %add3A_80 = arith.addf %dot_general3A_75, %add3A_79 : vector<256x64xf32>
      %max3A_81 = arith.constant 0.000000e+00 : f32
      %max3A_82 = vector.broadcast %max3A_81 : f32 to vector<256x64xf32>
      %max3A_83 = arith.maximumf %add3A_80, %max3A_82 : vector<256x64xf32>
      %get3A_84 = arith.constant 0 : index
      %get3A_85 = arith.constant 0 : index
      %get3A_86 = vector.load %arg8[%get3A_84, %get3A_85] : memref<64x32xf32, #tpu.memory_space<vmem>>, vector<64x32xf32>
      %dot_general3A_87 = arith.constant dense<0.000000e+00> : vector<256x32xf32>
      %dot_general3A_88 = tpu.matmul %max3A_83, %get3A_86, %dot_general3A_87 {dimension_numbers = #tpu.dot_dimension_numbers<[1], [0], [0], [1], [0, 0, 1, 1], [], []>, transpose_lhs_hint = false} : vector<256x64xf32>, vector<64x32xf32>, vector<256x32xf32> -> vector<256x32xf32>
      %get3A_89 = arith.constant 0 : index
      %get3A_90 = arith.constant 0 : index
      %get3A_91 = vector.load %arg9[%get3A_89, %get3A_90] : memref<1x32xf32, #tpu.memory_space<vmem>>, vector<1x32xf32>
      %add3A_92 = vector.broadcast %get3A_91 : vector<1x32xf32> to vector<256x32xf32>
      %add3A_93 = arith.addf %dot_general3A_88, %add3A_92 : vector<256x32xf32>
      %max3A_94 = arith.constant 0.000000e+00 : f32
      %max3A_95 = vector.broadcast %max3A_94 : f32 to vector<256x32xf32>
      %max3A_96 = arith.maximumf %add3A_93, %max3A_95 : vector<256x32xf32>
      %get3A_97 = arith.constant 0 : index
      %get3A_98 = arith.constant 0 : index
      %get3A_99 = vector.load %arg10[%get3A_97, %get3A_98] : memref<32x10xf32, #tpu.memory_space<vmem>>, vector<32x10xf32>
      %dot_general3A_100 = arith.constant dense<0.000000e+00> : vector<256x10xf32>
      %dot_general3A_101 = tpu.matmul %max3A_96, %get3A_99, %dot_general3A_100 {dimension_numbers = #tpu.dot_dimension_numbers<[1], [0], [0], [1], [0, 0, 1, 1], [], []>, transpose_lhs_hint = false} : vector<256x32xf32>, vector<32x10xf32>, vector<256x10xf32> -> vector<256x10xf32>
      %get3A_102 = arith.constant 0 : index
      %get3A_103 = arith.constant 0 : index
      %get3A_104 = vector.load %arg11[%get3A_102, %get3A_103] : memref<1x10xf32, #tpu.memory_space<vmem>>, vector<1x10xf32>
      %add3A_105 = vector.broadcast %get3A_104 : vector<1x10xf32> to vector<256x10xf32>
      %add3A_106 = arith.addf %dot_general3A_101, %add3A_105 : vector<256x10xf32>
      %swap3A_107 = arith.constant 0 : index
      %swap3A_108 = arith.constant 0 : index
      %swap3A_109 = vector.load %arg12[%swap3A_107, %swap3A_108] : memref<256x10xf32, #tpu.memory_space<vmem>>, vector<256x10xf32>
      tpu.vector_store %arg12[%swap3A_107, %swap3A_108], %add3A_106 {strides = array<i32>} : memref<256x10xf32, #tpu.memory_space<vmem>>, vector<256x10xf32>,
    } else {
    }
    return
  }
  func.func @transform_0(%arg0: i32) -> (i32, i32) {
    %c0_i32 = arith.constant 0 : i32
    %c0_i32_0 = arith.constant 0 : i32
    return %arg0, %c0_i32 : i32, i32
  }
  func.func @transform_1(%arg0: i32) -> (i32, i32) {
    %c0_i32 = arith.constant 0 : i32
    %c0_i32_0 = arith.constant 0 : i32
    %c0_i32_1 = arith.constant 0 : i32
    return %c0_i32, %c0_i32_0 : i32, i32
  }
  func.func @transform_2(%arg0: i32) -> (i32, i32) {
    %c0_i32 = arith.constant 0 : i32
    %c0_i32_0 = arith.constant 0 : i32
    %c0_i32_1 = arith.constant 0 : i32
    return %c0_i32, %c0_i32_0 : i32, i32
  }
  func.func @transform_3(%arg0: i32) -> (i32, i32) {
    %c0_i32 = arith.constant 0 : i32
    %c0_i32_0 = arith.constant 0 : i32
    %c0_i32_1 = arith.constant 0 : i32
    return %c0_i32, %c0_i32_0 : i32, i32
  }
  func.func @transform_4(%arg0: i32) -> (i32, i32) {
    %c0_i32 = arith.constant 0 : i32
    %c0_i32_0 = arith.constant 0 : i32
    return %arg0, %c0_i32 : i32, i32
  }
  func.func @transform_5(%arg0: i32) -> (i32, i32) {
    %c0_i32 = arith.constant 0 : i32
    %c0_i32_0 = arith.constant 0 : i32
    %c0_i32_1 = arith.constant 0 : i32
    return %c0_i32, %c0_i32_0 : i32, i32
  }
  func.func @transform_6(%arg0: i32) -> (i32, i32) {
    %c0_i32 = arith.constant 0 : i32
    %c0_i32_0 = arith.constant 0 : i32
    %c0_i32_1 = arith.constant 0 : i32
    return %c0_i32, %c0_i32_0 : i32, i32
  }
  func.func @transform_7(%arg0: i32) -> (i32, i32) {
    %c0_i32 = arith.constant 0 : i32
    %c0_i32_0 = arith.constant 0 : i32
    %c0_i32_1 = arith.constant 0 : i32
    return %c0_i32, %c0_i32_0 : i32, i32
  }
  func.func @transform_8(%arg0: i32) -> (i32, i32) {
    %c0_i32 = arith.constant 0 : i32
    %c0_i32_0 = arith.constant 0 : i32
    %c0_i32_1 = arith.constant 0 : i32
    return %c0_i32, %c0_i32_0 : i32, i32
  }
  func.func @transform_9(%arg0: i32) -> (i32, i32) {
    %c0_i32 = arith.constant 0 : i32
    %c0_i32_0 = arith.constant 0 : i32
    %c0_i32_1 = arith.constant 0 : i32
    return %c0_i32, %c0_i32_0 : i32, i32
  }
  func.func @transform_10(%arg0: i32) -> (i32, i32) {
    %c0_i32 = arith.constant 0 : i32
    %c0_i32_0 = arith.constant 0 : i32
    %c0_i32_1 = arith.constant 0 : i32
    return %c0_i32, %c0_i32_0 : i32, i32
  }
  func.func @transform_11(%arg0: i32) -> (i32, i32) {
    %c0_i32 = arith.constant 0 : i32
    %c0_i32_0 = arith.constant 0 : i32
    %c0_i32_1 = arith.constant 0 : i32
    return %c0_i32, %c0_i32_0 : i32, i32
  }
}

</mosaic_0001>

<sc_bundles>
// kernel: kernel.15.cloned.1.call-start
scs
__scs_entry_jumppad:
0x0: {  	(pc) =	sbr.rel $0x88, $3  }
0x1: {  	(tag) =	ssettag $0x0;
	lr =	simm.s32 $0x1  }
0x2: {  	[smem:$0x3F8E] =	sst lr;
	_ =	strace $0xD0000000  }
0x3: {  	_ = 	snop  }
0x4: {  	_ = 	snop  }
0x5: {  	_ = 	snop  }
0x6: {  	_ = 	snop  }
0x7: {  	_ = 	snop  }
__scs_overlays_trampoline_lowered:
0x8: {  	[smem:$0x3F9D] =	sst s0  }
0x9: {  	[smem:$0x3F9E] =	sst s1  }
0xa: {  	[smem:$0x3F9F] =	sst s2  }
0xb: {  	[smem:$0x3FA0] =	sst s3  }
0xc: {  	[smem:$0x3FA1] =	sst s4  }
0xd: {  	[smem:$0x3FA2] =	sst s5  }
0xe: {  	[smem:$0x3FA3] =	sst s6  }
0xf: {  	[smem:$0x3FA4] =	sst s7  }
0x10: {  	[smem:$0x3FA5] =	sst s8  }
0x11: {  	[smem:$0x3FA6] =	sst s9;
	s0 =	simm.s32 @!p0 $0x0  }
0x12: {  	s1 =	sld [smem:$0x3F8C];
	s0 =	simm.s32 @p0 $0x1  }
0x13: {  	[smem:$0x3FA7] =	sst s0;
	s0 =	simm.s32 @!p1 $0x0  }
0x14: {  	s2 =	sld [smem:$0x3F8B];
	s0 =	simm.s32 @p1 $0x1  }
0x15: {  	[smem:$0x3FA8] =	sst s0;
	s0 =	simm.s32 @!p2 $0x0  }
0x16: {  	s3 =	sld [smem:$0x3FDB];
	s0 =	simm.s32 @p2 $0x1  }
0x17: {  	s4 =	simm.s32 $0x1BF5;
	[smem:$0x3FAA] =	sst s0  }
0x18: {  	s0 =	sld [smem:$0x3F8D];
	_ =	swait.ge [sflag:s4], $0x0  }
0x19: {  	s7 =	sld [smem:$0x3F8E]  }
0x1a: {  	s8 =	sadd.s32 $0xFFFFE003, lr  }
0x1b: {  	s9 =	sadd.s32 $0xFFFFFEF7, lr;
	s5 =	simm.s32 $0xFFFFFFFF;
	p2 =	slt.u32 s8, $0xFFFFF086  }
0x1c: {  	p1 =	slt.u32 s9, $0xF7A;
	s5 =	simm.s32 @!p2 $0x0  }
0x1d: {  	s5 =	simm.s32 @p1 $0x1;
	p0 =	seq.s32 s7, s2  }
0x1e: {  	s7 =	smul.u32 @!p0 $0xF7A, s2;
	p2 =	seq.s32 @!p0 s5, $0x0  }
0x1f: {  	s9 =	smul.u32 $0xF7A, s1;
	s8 =	simm.s32 @!p0 $0x1BF5;
	p2 =	por !p2, p0  }
0x20: {  	[sflag:s8] =	ssyncset.s32 @!p0 $0xFFFFF086;
	s6 =	sadd.s32 @!p0 s3, s7;
	s7 =	simm.s32 @!p0 $0x108  }
0x21: {  	s3 =	sadd.s32 s3, s9;
	s6 =	sadd.s32 @!p0 $0x88, s6;
	s7 =	simm.s32 @p2 $0x1082  }
0x22: {  	[simem:s7], [sflag:s8] =	dma.local @!p0 [hbm:s6], $0xF7A  }
0x23: {  	s9 =	sor.u32 $0xD0000000, s2;
	s6 =	simm.s32 $0x108;
	_ =	swait.ge @!p0 [sflag:s8], $0x0  }
0x24: {  	s3 =	sadd.s32 $0x88, s3;
	s6 =	simm.s32 @!p1 $0x1082;
	[sflag:s4] =	ssyncset.s32 $0xFFFFF086  }
0x25: {  	[simem:s6], [sflag:s4] =	dma.local [hbm:s3], $0xF7A  }
0x26: {  	[smem:$0x3F8E] =	sst s1;
	(tag) =	ssettag s2;
	_ =	strace s9  }
0x27: {  	s1 =	sld [smem:$0x3F9E]  }
0x28: {  	s2 =	sld [smem:$0x3F9F]  }
0x29: {  	s4 =	sld [smem:$0x3FA1]  }
0x2a: {  	p0 =	seq.s32 s5, $0x0;
	s5 =	sld [smem:$0x3FA2]  }
0x2b: {  	s6 =	sld [smem:$0x3FA3]  }
0x2c: {  	s7 =	sld [smem:$0x3FA4]  }
0x2d: {  	s3 =	simm.s32 $0x108;
	s8 =	sld [smem:$0x3FA5]  }
0x2e: {  	s3 =	simm.s32 @!p0 $0x1082;
	s9 =	sld [smem:$0x3FA6]  }
0x2f: {  	lr =	sadd.s32 s0, s3;
	s0 =	sld [smem:$0x3F9D]  }
0x30: {  	s3 =	sld [smem:$0x3FA0]  }
0x31: {  	[smem:$0x3FA9] =	sst s10  }
0x32: {  	s10 =	sld [smem:$0x3FA7];
	_ =	sdelay $0x3  }
0x33: {  	p0 =	seq.s32 s10, $0x1;
	s10 =	sld [smem:$0x3FA9];
	_ =	sdelay $0x3  }
0x34: {  	[smem:$0x3FA9] =	sst s10  }
0x35: {  	s10 =	sld [smem:$0x3FA8];
	_ =	sdelay $0x3  }
0x36: {  	p1 =	seq.s32 s10, $0x1;
	s10 =	sld [smem:$0x3FA9];
	_ =	sdelay $0x3  }
0x37: {  	[smem:$0x3FA9] =	sst s10  }
0x38: {  	s10 =	sld [smem:$0x3FAA]  }
0x39: {  	_ = 	snop;
	(pc) =	sbr.ind lr, $3  }
0x3a: {  	_ = 	snop  }
0x3b: {  	_ = 	snop  }
0x3c: {  	p2 =	seq.s32 s10, $0x1;
	s10 =	sld [smem:$0x3FA9]  }
0x3d: {  	_ =	shalt  }
0x3e: {  	_ =	shalt  }
0x3f: {  	_ =	shalt  }
0x40: {  	_ =	shalt  }
0x41: {  	_ =	shalt  }
0x42: {  	_ =	shalt  }
0x43: {  	_ =	shalt  }
0x44: {  	_ =	shalt  }
0x45: {  	_ =	shalt  }
0x46: {  	_ =	shalt  }
0x47: {  	_ =	shalt  }
0x48: {  	_ =	shalt  }
0x49: {  	_ =	shalt  }
0x4a: {  	_ =	shalt  }
0x4b: {  	_ =	shalt  }
0x4c: {  	_ =	shalt  }
0x4d: {  	_ =	shalt  }
0x4e: {  	_ =	shalt  }
0x4f: {  	_ =	shalt  }
0x50: {  	_ =	shalt  }
0x51: {  	_ =	shalt  }
0x52: {  	_ =	shalt  }
0x53: {  	_ =	shalt  }
0x54: {  	_ =	shalt  }
0x55: {  	_ =	shalt  }
0x56: {  	_ =	shalt  }
0x57: {  	_ =	shalt  }
0x58: {  	_ =	shalt  }
0x59: {  	_ =	shalt  }
0x5a: {  	_ =	shalt  }
0x5b: {  	_ =	shalt  }
0x5c: {  	_ =	shalt  }
0x5d: {  	_ =	shalt  }
0x5e: {  	_ =	shalt  }
0x5f: {  	_ =	shalt  }
0x60: {  	_ =	shalt  }
0x61: {  	_ =	shalt  }
0x62: {  	_ =	shalt  }
0x63: {  	_ =	shalt  }
0x64: {  	_ =	shalt  }
0x65: {  	_ =	shalt  }
0x66: {  	_ =	shalt  }
0x67: {  	_ =	shalt  }
0x68: {  	_ =	shalt  }
0x69: {  	_ =	shalt  }
0x6a: {  	_ =	shalt  }
0x6b: {  	_ =	shalt  }
0x6c: {  	_ =	shalt  }
0x6d: {  	_ =	shalt  }
0x6e: {  	_ =	shalt  }
0x6f: {  	_ =	shalt  }
0x70: {  	_ =	shalt  }
0x71: {  	_ =	shalt  }
0x72: {  	_ =	shalt  }
0x73: {  	_ =	shalt  }
0x74: {  	_ =	shalt  }
0x75: {  	_ =	shalt  }
0x76: {  	_ =	shalt  }
0x77: {  	_ =	shalt  }
0x78: {  	_ =	shalt  }
0x79: {  	_ =	shalt  }
0x7a: {  	_ =	shalt  }
0x7b: {  	_ =	shalt  }
0x7c: {  	_ =	shalt  }
0x7d: {  	_ =	shalt  }
0x7e: {  	_ =	shalt  }
0x7f: {  	_ =	shalt  }
0x80: {  	_ =	shalt  }
0x81: {  	_ =	shalt  }
0x82: {  	_ =	shalt  }
0x83: {  	_ =	shalt  }
0x84: {  	_ =	shalt  }
0x85: {  	_ =	shalt  }
0x86: {  	_ =	shalt  }
0x87: {  	_ =	shalt  }
.Lfunc_end0:
.L_simem_size_0:
called_computation_lowered:
.L_overlay_start_0:
0x88: {  	s2 =	sld [smem:$0x3FD9]  }
0x89: {  	s3 =	sld [smem:$0x3FFE];
	_ =	sdelay $0x1  }
0x8a: {  	s1 =	srdreg.scid  }
0x8b: {  	s0 =	sand.u32 $0x1, s1  }
0x8c: {  	s16 =	sshll.u32 s0, $0xA;
	s2 =	sadd.s32 s3, s2  }
0x8d: {  	s2 =	sadd.s32 s2, s16  }
0x8e: {  	[smem:$0x3FB5] =	sst s2  }
0x8f: {  	_ = 	snop  }
0x90: {  	(tm) =	ssettm $0x1  }
0x91: {  	s17 =	sld [smem:$0x3FFB];
	_ =	sdelay $0x3  }
0x92: {  	_ =	strace s17  }
0x93: {  	s2 =	sld [smem:$0x3FFC];
	_ =	sdelay $0x3  }
0x94: {  	_ =	strace s2  }
0x95: {  	s2 =	sld [smem:$0x3FFD];
	_ =	sdelay $0x3  }
0x96: {  	_ =	strace s2  }
0x97: {  	_ =	strace $0x8FFFFFFF  }
0x98: {  	s18 =	sld [smem:$0x3FDB];
	_ =	sdelay $0x1  }
0x99: {  	s19 =	simm.s32 $_scs_section_size  }
0x9a: {  	s4 =	simm.s32 $_size__tile_overlayer_lowered;
	s5 =	simm.s32 $_tile_overlayer_lowered  }
0x9b: {  	s22 =	simm.s32 $0x1BFF;
	s21 =	sshll.u32 s5, $0x1;
	s2 =	sadd.s32 s19, s18  }
0x9c: {  	s6 =	simm.s32 $0x0;
	s20 =	sshll.u32 s4, $0x1;
	s4 =	sadd.s32 s21, s2  }
0x9d: {  	[timem:s6], [sflag:s22] =	dma.local [hbm:s4], s20  }
0x9e: {  	_ =	swait.ge [sflag:s22], s20  }
0x9f: {  	s3 =	ssub.s32 $0x0, s20;
	[sflag:s22] =	ssyncset.done $0x0  }
0xa0: {  	[sflag:s22] =	ssyncadd.s32 s3;
	_ =	sdelay $0x1  }
0xa1: {  	s23 =	simm.s32 $0x1B8B  }
0xa2: {  	_ =	swait.ge [sflag:s23], $0x1  }
0xa3: {  	[sflag:s23] =	ssyncset.done $0x0  }
0xa4: {  	s25 =	simm.s32 $0x1B8E;
	s24 =	sld [smem:$0x3FFE];
	[sflag:s23] =	ssyncadd.s32 $0xFFFFFFFF  }
0xa5: {  	s26 =	simm.s32 $execute0_lowered;
	[smem:$0x3FD2] =	sst s25  }
0xa6: {  	s4 =	sshll.u32 s26, $0x1;
	_ =	strace $0x80000046;
	[dreg:$0x1] =	wrdreg $0xFFFFFFFF  }
0xa7: {  	s28 =	simm.s32 $_size_execute0_lowered;
	s2 =	sadd.s32 s2, s4;
	[dreg:$0x0] =	wrdreg $0x0  }
0xa8: {  	s4 =	sshll.u32 s28, $0x1;
	[dreg:$0x2] =	wrdreg s2  }
0xa9: {  	[dreg:$0x3] =	wrdreg s4  }
0xaa: {  	[dreg:$0x4] =	wrdreg $0xC0  }
0xab: {  	_ =	task [dreg:s6], $0x5FFFF  }
0xac: {  	[dreg:$0x1] =	wrdreg $0xFFFFFFFF  }
0xad: {  	[dreg:$0x0] =	wrdreg $0x60  }
0xae: {  	[dreg:$0x2] =	wrdreg s24  }
0xaf: {  	[dreg:$0x3] =	wrdreg $0x8B000  }
0xb0: {  	[dreg:$0x4] =	wrdreg $0x9  }
0xb1: {  	_ =	task.clear_ibuf [dreg:s6], $0x5FFFF;
	_ =	strace $0x90000046  }
0xb2: {  	s29 =	simm.s32 $0x9;
	_ =	strace $0x80000048  }
0xb3: {  	_ =	swait.ge [sflag:s29], $0x1  }
0xb4: {  	[sflag:s29] =	ssyncadd.s32 $0xFFFFFFFF  }
0xb5: {  	_ =	strace $0x90000048  }
0xb6: {  	_ =	sfence  }
0xb7: {  	s30 =	sld [smem:$0x0];
	_ =	sdelay $0x2  }
0xb8: {  	s31 =	sshll.u32 s1, $0xD;
	s1 =	sshrl.u32 s1, $0x2  }
0xb9: {  	s3 =	sand.u32 $0x4000, s31;
	s1 =	sadd.s32 s1, s30  }
0xba: {  	s0 =	sor.u32 s3, s0;
	s1 =	sshll.u32 s1, $0x11  }
0xbb: {  	s0 =	sor.u32 s1, s0  }
0xbc: {  	s0 =	sadd.s32 $0x8F2B, s0  }
0xbd: {  	[sflag:s0] =	ssyncadd.remote.s32 $0x1  }
0xbe: {  	_ =	sfence.sel $0xFFFF  }
0xbf: {  	[dreg:$0x0] =	wrdreg $0xFFFFFFFF;
	(pc) =	sbr.abs _section_cstart, $3  }
0xc0: {  	[dreg:$0x1] =	wrdreg $0xFFFFFFFF  }
0xc1: {  	_ =	task.clear_ibuf [dreg:s6], $0x2FFFF;
	_ =	strace $0x9FFFFFFF  }
0xc2: {  	(tm) =	ssettm $0x7FFFFFFF  }
0xc3: {  	_ =	shalt  }
tec
execute0_lowered:
.L_overlay_start_1:
0x0: {  	(tag) =	ssettag $0x1  }
0x1: {  	s0 =	rddreg [dreg:$0x0]  }
0x2: {  	s1 =	rddreg [dreg:$0x1];
	s2 =	simm.s32 $0x0  }
0x3: {  	s3 =	srdreg.scid;
	s11 =	stileid.u32;
	s28 =	simm.s32 $0x8200  }
0x4: {  	s29 =	simm.s32 $0x8280;
	s30 =	simm.s32 $0x10;
	s31 =	simm.s32 $0x8300  }
0x5: {  	[smem:$0x7FF] =	sst s2;
	s4 =	sadd.s32 $0x1A800, s0;
	s5 =	sadd.s32 $0x6C00, s0  }
0x6: {  	s3 =	sand.u32 $0x1, s3;
	s6 =	sadd.s32 $0x10A00, s0;
	s8 =	smul.u32 $0x50000, s11  }
0x7: {  	s9 =	sadd.s32 $0x41A00, s0;
	s20 =	sshll.u32 s11, $0x6;
	s14 =	smul.u32 $0x2710, s11  }
0x8: {  	s25 =	smul.u32 $0x2800, s11;
	_ =	strace $0x80000047;
	s7 =	sshll.u32 s3, $0x4  }
0x9: {  	[dreg:$0x3] =	wrdreg s9;
	s18 =	ssub.s32 $0x2, s3;
	s13 =	smul.u32 $0x27100, s3  }
0xa: {  	p0 =	seq.s32 s3, $0x1;
	s3 =	simm.s32 $0x6C200;
	s7 =	sor.u32 s11, s7  }
0xb: {  	s10 =	sshrl.u32 s18, $0x1;
	s8 =	sshrl.u32 s8, $0x2;
	s3 =	simm.s32 @!p0 $0x44200  }
0xc: {  	s7 =	smul.u32 $0x2710, s7;
	s9 =	ssub.s32 s18, s10;
	s19 =	sadd.s32 s8, s1  }
0xd: {  	s8 =	sor.u32 $0x1C03, s20;
	s24 =	sadd.s32 s14, s13;
	s0 =	sadd.s32 s3, s0  }
0xe: {  	s20 =	simm.s32 $0x100;
	s15 =	sadd.s32 $0x80, s24;
	s13 =	smax.u32 s9, $0x1  }
0xf: {  	s14 =	sadd.s32 s0, s25;
	s18 =	sshrl.u32 s19, $0x3;
	s19 =	simm.s32 $0x3  }
0x10: {  	s25 =	simm.s32 $0x1;
	s0 =	simm.s32 $0x0;
	s7 =	sshrl.u32 s7, $0x3  }
0x11: {  	s26 =	sshrl.u32 s15, $0x3;
	s15 =	sadd.s32 $0x100, s24;
	s24 =	simm.s32 $0x4200  }
0x12: {  	s12 =	sadd.s32 s5, s7;
	s21 =	sadd.s32 $0x4E0, s7;
	s7 =	sadd.s32 s6, s7  }
0x13: {  	s16 =	sadd.s32 s26, s6;
	s17 =	sadd.s32 s26, s5;
	[dreg:$0x4] =	wrdreg s12  }
0x14: {  	s26 =	simm.s32 $0x2;
	[dreg:$0x5] =	wrdreg s7;
	s22 =	sadd.s32 s5, s21  }
0x15: {  	s23 =	sadd.s32 s6, s21;
	s21 =	simm.s32 $0x80;
	[dreg:$0x6] =	wrdreg s22  }
0x16: {  	[dreg:$0x7] =	wrdreg s23;
	s22 =	simm.s32 $0x200;
	s23 =	simm.s32 $0x180  }
.LBB2_1:
0x17: {  	s3 =	rddreg [dreg:$0x3]  }
0x18: {  	[spmem:s18], [sflag:s8] =	dma.local [hbm:s3], $0x2800  }
0x19: {  	_ =	swait.ge [sflag:s19], $0x2800  }
0x1a: {  	[sflag:s19] =	ssyncset.done $0x0  }
0x1b: {  	[sflag:s19] =	ssyncadd.s32 $0xFFFFD800  }
0x1c: {  	[bflag:$0x0] =	sbarrier.arrive $0xFFFF  }
0x1d: {  	s7 =	rddreg [dreg:$0x4]  }
0x1e: {  	[tilespmem:s2], [sflag:$0x3] =	stream.linear.gather [hbm4b:s7+s2], $0x80, $0x38;
	[tilespmem:$0x1CB00] =	vst v63  }
0x1f: {  	_ =	swait.ge [sflag:s19], $0x80  }
0x20: {  	[sflag:s19] =	ssyncset.done $0x0  }
0x21: {  	s9 =	rddreg [dreg:$0x5];
	[sflag:s19] =	ssyncadd.s32 $0xFFFFFF80  }
0x22: {  	[tilespmem:s20], [sflag:$0x3] =	stream.linear.gather [hbm4b:s9+s2], $0x80, $0x38;
	[tilespmem:$0x1CB00] =	vst v63  }
0x23: {  	_ =	swait.ge [sflag:s19], $0x80  }
0x24: {  	[sflag:s19] =	ssyncset.done $0x0  }
0x25: {  	[sflag:s19] =	ssyncadd.s32 $0xFFFFFF80  }
0x26: {  	[tilespmem:s22], [sflag:$0x1] =	stream.indirect.gather [hbm4b:s4+s21], $0x80, s2, s21, $0xb8;
	[tilespmem:$0x1CB00] =	vst v63  }
0x27: {  	s10 =	sadd.s32 $0x0, s17  }
0x28: {  	[tilespmem:s21], [sflag:$0x3] =	stream.linear.gather [hbm4b:s10+s2], $0x80, $0x38;
	[tilespmem:$0x1CB00] =	vst v63  }
0x29: {  	_ =	swait.ge [sflag:s19], $0x80  }
0x2a: {  	[sflag:s19] =	ssyncset.done $0x0  }
0x2b: {  	s11 =	sadd.s32 $0x0, s16;
	[sflag:s19] =	ssyncadd.s32 $0xFFFFFF80  }
0x2c: {  	[tilespmem:s23], [sflag:$0x3] =	stream.linear.gather [hbm4b:s11+s2], $0x80, $0x38;
	[tilespmem:$0x1CB00] =	vst v63  }
0x2d: {  	_ =	swait.ge [sflag:s19], $0x80  }
0x2e: {  	[sflag:s19] =	ssyncset.done $0x0  }
0x2f: {  	[sflag:s19] =	ssyncadd.s32 $0xFFFFFF80  }
0x30: {  	[tilespmem:s24], [sflag:$0x2] =	stream.indirect.gather [hbm4b:s4+s21], $0x80, s21, s21, $0xb8;
	[tilespmem:$0x1CB00] =	vst v63  }
0x31: {  	_ =	swait.ge [sflag:s25], $0x4000  }
0x32: {  	[sflag:s25] =	ssyncset.done $0x0  }
0x33: {  	[sflag:s25] =	ssyncadd.s32 $0xFFFFC000  }
0x34: {  	[spmem:s1] =	stream.indirect.scatter.add.f32 [tilespmem:s22], [sflag:$0x3], $0x80, s20, s21, $0xb8;
	[tilespmem:$0x1CB00] =	vst v63  }
0x35: {  	_ =	swait.ge [sflag:s19], $0x4000  }
0x36: {  	s12 =	sshrl.u32 s15, $0x3;
	[sflag:s19] =	ssyncset.done $0x0  }
0x37: {  	s7 =	sadd.s32 s5, s12;
	[sflag:s19] =	ssyncadd.s32 $0xFFFFC000  }
0x38: {  	[tilespmem:s2], [sflag:$0x3] =	stream.linear.gather [hbm4b:s7+s2], $0x80, $0x38;
	[tilespmem:$0x1CB00] =	vst v63  }
0x39: {  	_ =	swait.ge [sflag:s19], $0x80  }
0x3a: {  	[sflag:s19] =	ssyncset.done $0x0  }
0x3b: {  	s3 =	sadd.s32 s6, s12;
	[sflag:s19] =	ssyncadd.s32 $0xFFFFFF80  }
0x3c: {  	[tilespmem:s20], [sflag:$0x3] =	stream.linear.gather [hbm4b:s3+s2], $0x80, $0x38;
	[tilespmem:$0x1CB00] =	vst v63  }
0x3d: {  	_ =	swait.ge [sflag:s19], $0x80  }
0x3e: {  	[sflag:s19] =	ssyncset.done $0x0  }
0x3f: {  	[sflag:s19] =	ssyncadd.s32 $0xFFFFFF80  }
0x40: {  	[tilespmem:s22], [sflag:$0x1] =	stream.indirect.gather [hbm4b:s4+s21], $0x80, s2, s21, $0xb8;
	[tilespmem:$0x1CB00] =	vst v63  }
0x41: {  	_ =	swait.ge [sflag:s26], $0x4000  }
0x42: {  	[sflag:s26] =	ssyncset.done $0x0  }
0x43: {  	[sflag:s26] =	ssyncadd.s32 $0xFFFFC000  }
0x44: {  	[spmem:s1] =	stream.indirect.scatter.add.f32 [tilespmem:s24], [sflag:$0x3], $0x80, s23, s21, $0xb8;
	[tilespmem:$0x1CB00] =	vst v63  }
0x45: {  	s9 =	simm.s32 $0x40;
	_ =	swait.ge [sflag:s19], $0x4000  }
0x46: {  	s7 =	simm.s32 $0x20;
	s3 =	sadd.s32 $0x100, s15;
	[sflag:s19] =	ssyncset.done $0x0  }
.LBB2_2:
0x47: {  	s11 =	sadd.s32 s7, s17  }
0x48: {  	[sflag:s19] =	ssyncadd.s32 $0xFFFFC000;
	s12 =	smov.u32 s9;
	s10 =	sadd.s32 $0x20, s9  }
0x49: {  	[tilespmem:s21], [sflag:$0x3] =	stream.linear.gather [hbm4b:s11+s2], $0x80, $0x38;
	[tilespmem:$0x1CB00] =	vst v63  }
0x4a: {  	p0 =	sne.s32 s9, $0x4C0;
	_ =	swait.ge [sflag:s19], $0x80  }
0x4b: {  	[sflag:s19] =	ssyncset.done $0x0  }
0x4c: {  	s9 =	sadd.s32 s7, s16;
	s7 =	smov.u32 s12;
	[sflag:s19] =	ssyncadd.s32 $0xFFFFFF80  }
0x4d: {  	[tilespmem:s23], [sflag:$0x3] =	stream.linear.gather [hbm4b:s9+s2], $0x80, $0x38;
	[tilespmem:$0x1CB00] =	vst v63  }
0x4e: {  	_ =	swait.ge [sflag:s19], $0x80  }
0x4f: {  	[sflag:s19] =	ssyncset.done $0x0  }
0x50: {  	[sflag:s19] =	ssyncadd.s32 $0xFFFFFF80  }
0x51: {  	[tilespmem:s24], [sflag:$0x2] =	stream.indirect.gather [hbm4b:s4+s21], $0x80, s21, s21, $0xb8;
	[tilespmem:$0x1CB00] =	vst v63  }
0x52: {  	_ =	swait.ge [sflag:s25], $0x4000  }
0x53: {  	[sflag:s25] =	ssyncset.done $0x0  }
0x54: {  	[sflag:s25] =	ssyncadd.s32 $0xFFFFC000  }
0x55: {  	[spmem:s1] =	stream.indirect.scatter.add.f32 [tilespmem:s22], [sflag:$0x3], $0x80, s20, s21, $0xb8;
	[tilespmem:$0x1CB00] =	vst v63  }
0x56: {  	_ =	swait.ge [sflag:s19], $0x4000  }
0x57: {  	s9 =	sshrl.u32 s3, $0x3;
	[sflag:s19] =	ssyncset.done $0x0  }
0x58: {  	s11 =	sadd.s32 s5, s9;
	[sflag:s19] =	ssyncadd.s32 $0xFFFFC000  }
0x59: {  	[tilespmem:s2], [sflag:$0x3] =	stream.linear.gather [hbm4b:s11+s2], $0x80, $0x38;
	[tilespmem:$0x1CB00] =	vst v63  }
0x5a: {  	_ =	swait.ge [sflag:s19], $0x80  }
0x5b: {  	[sflag:s19] =	ssyncset.done $0x0  }
0x5c: {  	s9 =	sadd.s32 s6, s9;
	[sflag:s19] =	ssyncadd.s32 $0xFFFFFF80  }
0x5d: {  	[tilespmem:s20], [sflag:$0x3] =	stream.linear.gather [hbm4b:s9+s2], $0x80, $0x38;
	[tilespmem:$0x1CB00] =	vst v63  }
0x5e: {  	_ =	swait.ge [sflag:s19], $0x80  }
0x5f: {  	[sflag:s19] =	ssyncset.done $0x0  }
0x60: {  	[sflag:s19] =	ssyncadd.s32 $0xFFFFFF80  }
0x61: {  	[tilespmem:s22], [sflag:$0x1] =	stream.indirect.gather [hbm4b:s4+s21], $0x80, s2, s21, $0xb8;
	[tilespmem:$0x1CB00] =	vst v63  }
0x62: {  	_ =	swait.ge [sflag:s26], $0x4000  }
.Ltmp0:
0x63: {  	[sflag:s26] =	ssyncset.done $0x0;
	(pc) =	sbr.rel @p0 .LBB2_2-.Ltmp0, $4  }
0x64: {  	[sflag:s26] =	ssyncadd.s32 $0xFFFFC000  }
0x65: {  	[spmem:s1] =	stream.indirect.scatter.add.f32 [tilespmem:s24], [sflag:$0x3], $0x80, s23, s21, $0xb8;
	[tilespmem:$0x1CB00] =	vst v63  }
0x66: {  	_ =	swait.ge [sflag:s19], $0x4000  }
0x67: {  	s3 =	sadd.s32 $0x100, s3;
	s9 =	smov.u32 s10;
	[sflag:s19] =	ssyncset.done $0x0  }
0x68: {  	s9 =	sadd.s32 s7, s17;
	[sflag:s19] =	ssyncadd.s32 $0xFFFFC000  }
0x69: {  	[tilespmem:s21], [sflag:$0x3] =	stream.linear.gather [hbm4b:s9+s2], $0x80, $0x38;
	[tilespmem:$0x1CB00] =	vst v63  }
0x6a: {  	_ =	swait.ge [sflag:s19], $0x80  }
0x6b: {  	[sflag:s19] =	ssyncset.done $0x0  }
0x6c: {  	s9 =	sadd.s32 s7, s16;
	[sflag:s19] =	ssyncadd.s32 $0xFFFFFF80  }
0x6d: {  	[tilespmem:s23], [sflag:$0x3] =	stream.linear.gather [hbm4b:s9+s2], $0x80, $0x38;
	[tilespmem:$0x1CB00] =	vst v63  }
0x6e: {  	_ =	swait.ge [sflag:s19], $0x80  }
0x6f: {  	[sflag:s19] =	ssyncset.done $0x0  }
0x70: {  	[sflag:s19] =	ssyncadd.s32 $0xFFFFFF80  }
0x71: {  	[tilespmem:s24], [sflag:$0x2] =	stream.indirect.gather [hbm4b:s4+s21], $0x80, s21, s21, $0xb8;
	[tilespmem:$0x1CB00] =	vst v63  }
0x72: {  	_ =	swait.ge [sflag:s25], $0x4000  }
0x73: {  	[sflag:s25] =	ssyncset.done $0x0  }
0x74: {  	[sflag:s25] =	ssyncadd.s32 $0xFFFFC000  }
0x75: {  	[spmem:s1] =	stream.indirect.scatter.add.f32 [tilespmem:s22], [sflag:$0x3], $0x80, s20, s21, $0xb8;
	[tilespmem:$0x1CB00] =	vst v63  }
0x76: {  	_ =	swait.ge [sflag:s19], $0x4000  }
0x77: {  	s3 =	sshrl.u32 s3, $0x3;
	[sflag:s19] =	ssyncset.done $0x0  }
0x78: {  	s10 =	sadd.s32 s5, s3;
	[sflag:s19] =	ssyncadd.s32 $0xFFFFC000  }
0x79: {  	[tilespmem:s2], [sflag:$0x3] =	stream.linear.gather [hbm4b:s10+s2], $0x80, $0x38;
	[tilespmem:$0x1CB00] =	vst v63  }
0x7a: {  	_ =	swait.ge [sflag:s19], $0x80  }
0x7b: {  	[sflag:s19] =	ssyncset.done $0x0  }
0x7c: {  	s3 =	sadd.s32 s6, s3;
	[sflag:s19] =	ssyncadd.s32 $0xFFFFFF80  }
0x7d: {  	[tilespmem:s20], [sflag:$0x3] =	stream.linear.gather [hbm4b:s3+s2], $0x80, $0x38;
	[tilespmem:$0x1CB00] =	vst v63  }
0x7e: {  	_ =	swait.ge [sflag:s19], $0x80  }
0x7f: {  	[sflag:s19] =	ssyncset.done $0x0  }
0x80: {  	[sflag:s19] =	ssyncadd.s32 $0xFFFFFF80  }
0x81: {  	[tilespmem:s22], [sflag:$0x1] =	stream.indirect.gather [hbm4b:s4+s21], $0x80, s2, s21, $0xb8;
	[tilespmem:$0x1CB00] =	vst v63  }
0x82: {  	_ =	swait.ge [sflag:s26], $0x4000  }
0x83: {  	[sflag:s26] =	ssyncset.done $0x0  }
0x84: {  	[sflag:s26] =	ssyncadd.s32 $0xFFFFC000  }
0x85: {  	[spmem:s1] =	stream.indirect.scatter.add.f32 [tilespmem:s24], [sflag:$0x3], $0x80, s23, s21, $0xb8;
	[tilespmem:$0x1CB00] =	vst v63  }
0x86: {  	_ =	swait.ge [sflag:s19], $0x4000  }
0x87: {  	[sflag:s19] =	ssyncset.done $0x0  }
0x88: {  	[sflag:s19] =	ssyncadd.s32 $0xFFFFC000  }
0x89: {  	_ =	swait.ge [sflag:s25], $0x4000  }
0x8a: {  	[sflag:s25] =	ssyncset.done $0x0  }
0x8b: {  	s11 =	rddreg [dreg:$0x6];
	[sflag:s25] =	ssyncadd.s32 $0xFFFFC000  }
0x8c: {  	[tilespmem:s28], [sflag:$0x3] =	stream.linear.gather [hbm4b:s11+s2], $0x10, $0x38;
	[tilespmem:$0x1CB00] =	vst v63  }
0x8d: {  	_ =	swait.ge [sflag:s19], $0x10  }
0x8e: {  	[sflag:s19] =	ssyncset.done $0x0  }
0x8f: {  	s12 =	rddreg [dreg:$0x7];
	[sflag:s19] =	ssyncadd.s32 $0xFFFFFFF0  }
0x90: {  	[tilespmem:s29], [sflag:$0x3] =	stream.linear.gather [hbm4b:s12+s2], $0x10, $0x38;
	[tilespmem:$0x1CB00] =	vst v63  }
0x91: {  	_ =	swait.ge [sflag:s19], $0x10  }
0x92: {  	[sflag:s19] =	ssyncset.done $0x0  }
0x93: {  	[sflag:s19] =	ssyncadd.s32 $0xFFFFFFF0  }
0x94: {  	[tilespmem:s31], [sflag:$0x1] =	stream.indirect.gather [hbm4b:s4+s30], $0x80, s28, s30, $0xb8;
	[tilespmem:$0x1CB00] =	vst v63  }
0x95: {  	_ =	swait.ge [sflag:s25], $0x800  }
0x96: {  	[sflag:s25] =	ssyncset.done $0x0  }
0x97: {  	[sflag:s25] =	ssyncadd.s32 $0xFFFFF800  }
0x98: {  	[spmem:s1] =	stream.indirect.scatter.add.f32 [tilespmem:s31], [sflag:$0x3], $0x80, s29, s30, $0xb8;
	[tilespmem:$0x1CB00] =	vst v63  }
0x99: {  	_ =	swait.ge [sflag:s19], $0x800  }
0x9a: {  	s0 =	sadd.s32 $0x1, s0;
	[sflag:s19] =	ssyncset.done $0x0  }
0x9b: {  	p0 =	sne.s32 s0, s13;
	[sflag:s19] =	ssyncadd.s32 $0xFFFFF800  }
.Ltmp1:
0x9c: {  	[bflag:$0x0] =	sbarrier.arrive $0xFFFF;
	(pc) =	sbr.rel @p0 .LBB2_1-.Ltmp1, $4  }
0x9d: {  	[hbm:s14], [sflag:s8] =	dma.local [spmem:s18], $0x2800  }
0x9e: {  	_ =	swait.ge [sflag:s19], $0x2800  }
0x9f: {  	[sflag:s19] =	ssyncset.done $0x0  }
0xa0: {  	[sflag:s19] =	ssyncadd.s32 $0xFFFFD800  }
0xa1: {  	_ =	sfence.sel $0x180000  }
0xa2: {  	[bflag:$0x0] =	sbarrier.arrive $0xFFFF  }
0xa3: {  	_ =	strace $0x90000047  }
0xa4: {  	s0 =	stileid.u32;
	[bflag:$0x2] =	sbarrier.arrive $0xFFFF  }
0xa5: {  	p0 =	sne.s32 s0, $0x0;
	s0 =	rddreg [dreg:$0x2]  }
0xa6: {  	s0 =	sadd.s32 @!p0 $0x100000, s0  }
0xa7: {  	[sflag:s0] =	ssyncadd.tile.s32 @!p0 $0x1;
	_ =	shalt  }
.Lfunc_end2:
_tile_overlayer_lowered:
.L_overlay_start_2:
0xa8: {  	(tag) =	ssettag $0x2  }
0xa9: {  	s0 =	rddreg [dreg:$0x0];
	s2 =	stileid.u32  }
0xaa: {  	s1 =	rddreg [dreg:$0x1];
	p0 =	sne.s32 s2, $0x0  }
0xab: {  	s3 =	rddreg [dreg:$0x2];
	[bflag:$0x3] =	sbarrier.arrive $0xFFFF;
	s2 =	simm.s32 @!p0 $0x1C03  }
0xac: {  	[timem:s3], [sflag:s2] =	dma.local @!p0 [hbm:s0], s1  }
0xad: {  	s0 =	simm.s32 @!p0 $0x3  }
0xae: {  	_ =	swait.ge @!p0 [sflag:s0], s1  }
0xaf: {  	s1 =	ssub.s32 @!p0 $0x0, s1;
	[sflag:s0] =	ssyncset.done @!p0 $0x0  }
0xb0: {  	[sflag:s0] =	ssyncadd.s32 @!p0 s1  }
0xb1: {  	[bflag:$0x3] =	sbarrier.arrive $0xFFFF  }
0xb2: {  	_ =	shalt  }

// kernel: kernel.18.cloned.1.call-start
scs
__scs_entry_jumppad:
0x0: {  	(pc) =	sbr.rel $0x88, $3  }
0x1: {  	(tag) =	ssettag $0x0;
	lr =	simm.s32 $0x1  }
0x2: {  	[smem:$0x3F8E] =	sst lr;
	_ =	strace $0xD0000000  }
0x3: {  	_ = 	snop  }
0x4: {  	_ = 	snop  }
0x5: {  	_ = 	snop  }
0x6: {  	_ = 	snop  }
0x7: {  	_ = 	snop  }
__scs_overlays_trampoline_lowered:
0x8: {  	[smem:$0x3F9D] =	sst s0  }
0x9: {  	[smem:$0x3F9E] =	sst s1  }
0xa: {  	[smem:$0x3F9F] =	sst s2  }
0xb: {  	[smem:$0x3FA0] =	sst s3  }
0xc: {  	[smem:$0x3FA1] =	sst s4  }
0xd: {  	[smem:$0x3FA2] =	sst s5  }
0xe: {  	[smem:$0x3FA3] =	sst s6  }
0xf: {  	[smem:$0x3FA4] =	sst s7  }
0x10: {  	[smem:$0x3FA5] =	sst s8  }
0x11: {  	[smem:$0x3FA6] =	sst s9;
	s0 =	simm.s32 @!p0 $0x0  }
0x12: {  	s1 =	sld [smem:$0x3F8C];
	s0 =	simm.s32 @p0 $0x1  }
0x13: {  	[smem:$0x3FA7] =	sst s0;
	s0 =	simm.s32 @!p1 $0x0  }
0x14: {  	s2 =	sld [smem:$0x3F8B];
	s0 =	simm.s32 @p1 $0x1  }
0x15: {  	[smem:$0x3FA8] =	sst s0;
	s0 =	simm.s32 @!p2 $0x0  }
0x16: {  	s3 =	sld [smem:$0x3FDB];
	s0 =	simm.s32 @p2 $0x1  }
0x17: {  	s4 =	simm.s32 $0x1BF5;
	[smem:$0x3FAA] =	sst s0  }
0x18: {  	s0 =	sld [smem:$0x3F8D];
	_ =	swait.ge [sflag:s4], $0x0  }
0x19: {  	s7 =	sld [smem:$0x3F8E]  }
0x1a: {  	s8 =	sadd.s32 $0xFFFFE003, lr  }
0x1b: {  	s9 =	sadd.s32 $0xFFFFFEF7, lr;
	s5 =	simm.s32 $0xFFFFFFFF;
	p2 =	slt.u32 s8, $0xFFFFF086  }
0x1c: {  	p1 =	slt.u32 s9, $0xF7A;
	s5 =	simm.s32 @!p2 $0x0  }
0x1d: {  	s5 =	simm.s32 @p1 $0x1;
	p0 =	seq.s32 s7, s2  }
0x1e: {  	s7 =	smul.u32 @!p0 $0xF7A, s2;
	p2 =	seq.s32 @!p0 s5, $0x0  }
0x1f: {  	s9 =	smul.u32 $0xF7A, s1;
	s8 =	simm.s32 @!p0 $0x1BF5;
	p2 =	por !p2, p0  }
0x20: {  	[sflag:s8] =	ssyncset.s32 @!p0 $0xFFFFF086;
	s6 =	sadd.s32 @!p0 s3, s7;
	s7 =	simm.s32 @!p0 $0x108  }
0x21: {  	s3 =	sadd.s32 s3, s9;
	s6 =	sadd.s32 @!p0 $0x88, s6;
	s7 =	simm.s32 @p2 $0x1082  }
0x22: {  	[simem:s7], [sflag:s8] =	dma.local @!p0 [hbm:s6], $0xF7A  }
0x23: {  	s9 =	sor.u32 $0xD0000000, s2;
	s6 =	simm.s32 $0x108;
	_ =	swait.ge @!p0 [sflag:s8], $0x0  }
0x24: {  	s3 =	sadd.s32 $0x88, s3;
	s6 =	simm.s32 @!p1 $0x1082;
	[sflag:s4] =	ssyncset.s32 $0xFFFFF086  }
0x25: {  	[simem:s6], [sflag:s4] =	dma.local [hbm:s3], $0xF7A  }
0x26: {  	[smem:$0x3F8E] =	sst s1;
	(tag) =	ssettag s2;
	_ =	strace s9  }
0x27: {  	s1 =	sld [smem:$0x3F9E]  }
0x28: {  	s2 =	sld [smem:$0x3F9F]  }
0x29: {  	s4 =	sld [smem:$0x3FA1]  }
0x2a: {  	p0 =	seq.s32 s5, $0x0;
	s5 =	sld [smem:$0x3FA2]  }
0x2b: {  	s6 =	sld [smem:$0x3FA3]  }
0x2c: {  	s7 =	sld [smem:$0x3FA4]  }
0x2d: {  	s3 =	simm.s32 $0x108;
	s8 =	sld [smem:$0x3FA5]  }
0x2e: {  	s3 =	simm.s32 @!p0 $0x1082;
	s9 =	sld [smem:$0x3FA6]  }
0x2f: {  	lr =	sadd.s32 s0, s3;
	s0 =	sld [smem:$0x3F9D]  }
0x30: {  	s3 =	sld [smem:$0x3FA0]  }
0x31: {  	[smem:$0x3FA9] =	sst s10  }
0x32: {  	s10 =	sld [smem:$0x3FA7];
	_ =	sdelay $0x3  }
0x33: {  	p0 =	seq.s32 s10, $0x1;
	s10 =	sld [smem:$0x3FA9];
	_ =	sdelay $0x3  }
0x34: {  	[smem:$0x3FA9] =	sst s10  }
0x35: {  	s10 =	sld [smem:$0x3FA8];
	_ =	sdelay $0x3  }
0x36: {  	p1 =	seq.s32 s10, $0x1;
	s10 =	sld [smem:$0x3FA9];
	_ =	sdelay $0x3  }
0x37: {  	[smem:$0x3FA9] =	sst s10  }
0x38: {  	s10 =	sld [smem:$0x3FAA]  }
0x39: {  	_ = 	snop;
	(pc) =	sbr.ind lr, $3  }
0x3a: {  	_ = 	snop  }
0x3b: {  	_ = 	snop  }
0x3c: {  	p2 =	seq.s32 s10, $0x1;
	s10 =	sld [smem:$0x3FA9]  }
0x3d: {  	_ =	shalt  }
0x3e: {  	_ =	shalt  }
0x3f: {  	_ =	shalt  }
0x40: {  	_ =	shalt  }
0x41: {  	_ =	shalt  }
0x42: {  	_ =	shalt  }
0x43: {  	_ =	shalt  }
0x44: {  	_ =	shalt  }
0x45: {  	_ =	shalt  }
0x46: {  	_ =	shalt  }
0x47: {  	_ =	shalt  }
0x48: {  	_ =	shalt  }
0x49: {  	_ =	shalt  }
0x4a: {  	_ =	shalt  }
0x4b: {  	_ =	shalt  }
0x4c: {  	_ =	shalt  }
0x4d: {  	_ =	shalt  }
0x4e: {  	_ =	shalt  }
0x4f: {  	_ =	shalt  }
0x50: {  	_ =	shalt  }
0x51: {  	_ =	shalt  }
0x52: {  	_ =	shalt  }
0x53: {  	_ =	shalt  }
0x54: {  	_ =	shalt  }
0x55: {  	_ =	shalt  }
0x56: {  	_ =	shalt  }
0x57: {  	_ =	shalt  }
0x58: {  	_ =	shalt  }
0x59: {  	_ =	shalt  }
0x5a: {  	_ =	shalt  }
0x5b: {  	_ =	shalt  }
0x5c: {  	_ =	shalt  }
0x5d: {  	_ =	shalt  }
0x5e: {  	_ =	shalt  }
0x5f: {  	_ =	shalt  }
0x60: {  	_ =	shalt  }
0x61: {  	_ =	shalt  }
0x62: {  	_ =	shalt  }
0x63: {  	_ =	shalt  }
0x64: {  	_ =	shalt  }
0x65: {  	_ =	shalt  }
0x66: {  	_ =	shalt  }
0x67: {  	_ =	shalt  }
0x68: {  	_ =	shalt  }
0x69: {  	_ =	shalt  }
0x6a: {  	_ =	shalt  }
0x6b: {  	_ =	shalt  }
0x6c: {  	_ =	shalt  }
0x6d: {  	_ =	shalt  }
0x6e: {  	_ =	shalt  }
0x6f: {  	_ =	shalt  }
0x70: {  	_ =	shalt  }
0x71: {  	_ =	shalt  }
0x72: {  	_ =	shalt  }
0x73: {  	_ =	shalt  }
0x74: {  	_ =	shalt  }
0x75: {  	_ =	shalt  }
0x76: {  	_ =	shalt  }
0x77: {  	_ =	shalt  }
0x78: {  	_ =	shalt  }
0x79: {  	_ =	shalt  }
0x7a: {  	_ =	shalt  }
0x7b: {  	_ =	shalt  }
0x7c: {  	_ =	shalt  }
0x7d: {  	_ =	shalt  }
0x7e: {  	_ =	shalt  }
0x7f: {  	_ =	shalt  }
0x80: {  	_ =	shalt  }
0x81: {  	_ =	shalt  }
0x82: {  	_ =	shalt  }
0x83: {  	_ =	shalt  }
0x84: {  	_ =	shalt  }
0x85: {  	_ =	shalt  }
0x86: {  	_ =	shalt  }
0x87: {  	_ =	shalt  }
.Lfunc_end0:
.L_simem_size_0:
called_computation.1_lowered:
.L_overlay_start_0:
0x88: {  	s2 =	sld [smem:$0x3FD9]  }
0x89: {  	s3 =	sld [smem:$0x3FFE];
	_ =	sdelay $0x1  }
0x8a: {  	s1 =	srdreg.scid  }
0x8b: {  	s0 =	sand.u32 $0x1, s1  }
0x8c: {  	s16 =	sshll.u32 s0, $0xA;
	s2 =	sadd.s32 s3, s2  }
0x8d: {  	s2 =	sadd.s32 s2, s16  }
0x8e: {  	[smem:$0x3FB5] =	sst s2  }
0x8f: {  	_ = 	snop  }
0x90: {  	(tm) =	ssettm $0x1  }
0x91: {  	s17 =	sld [smem:$0x3FFB];
	_ =	sdelay $0x3  }
0x92: {  	_ =	strace s17  }
0x93: {  	s2 =	sld [smem:$0x3FFC];
	_ =	sdelay $0x3  }
0x94: {  	_ =	strace s2  }
0x95: {  	s2 =	sld [smem:$0x3FFD];
	_ =	sdelay $0x3  }
0x96: {  	_ =	strace s2  }
0x97: {  	_ =	strace $0x8FFFFFFF  }
0x98: {  	s18 =	sld [smem:$0x3FDB];
	_ =	sdelay $0x1  }
0x99: {  	s19 =	simm.s32 $_scs_section_size  }
0x9a: {  	s4 =	simm.s32 $_size__tile_overlayer_lowered;
	s5 =	simm.s32 $_tile_overlayer_lowered  }
0x9b: {  	s22 =	simm.s32 $0x1BFF;
	s21 =	sshll.u32 s5, $0x1;
	s2 =	sadd.s32 s19, s18  }
0x9c: {  	s6 =	simm.s32 $0x0;
	s20 =	sshll.u32 s4, $0x1;
	s4 =	sadd.s32 s21, s2  }
0x9d: {  	[timem:s6], [sflag:s22] =	dma.local [hbm:s4], s20  }
0x9e: {  	_ =	swait.ge [sflag:s22], s20  }
0x9f: {  	s3 =	ssub.s32 $0x0, s20;
	[sflag:s22] =	ssyncset.done $0x0  }
0xa0: {  	[sflag:s22] =	ssyncadd.s32 s3;
	_ =	sdelay $0x1  }
0xa1: {  	s23 =	simm.s32 $0x1B8B  }
0xa2: {  	_ =	swait.ge [sflag:s23], $0x1  }
0xa3: {  	[sflag:s23] =	ssyncset.done $0x0  }
0xa4: {  	s25 =	simm.s32 $0x1B8E;
	s24 =	sld [smem:$0x3FFE];
	[sflag:s23] =	ssyncadd.s32 $0xFFFFFFFF  }
0xa5: {  	s26 =	simm.s32 $execute0_lowered;
	[smem:$0x3FD2] =	sst s25  }
0xa6: {  	s4 =	sshll.u32 s26, $0x1;
	_ =	strace $0x80000049;
	[dreg:$0x1] =	wrdreg $0xFFFFFFFF  }
0xa7: {  	s28 =	simm.s32 $_size_execute0_lowered;
	s2 =	sadd.s32 s2, s4;
	[dreg:$0x0] =	wrdreg $0x0  }
0xa8: {  	s4 =	sshll.u32 s28, $0x1;
	[dreg:$0x2] =	wrdreg s2  }
0xa9: {  	[dreg:$0x3] =	wrdreg s4  }
0xaa: {  	[dreg:$0x4] =	wrdreg $0xC0  }
0xab: {  	_ =	task [dreg:s6], $0x5FFFF  }
0xac: {  	[dreg:$0x1] =	wrdreg $0xFFFFFFFF  }
0xad: {  	[dreg:$0x0] =	wrdreg $0x60  }
0xae: {  	[dreg:$0x2] =	wrdreg s24  }
0xaf: {  	[dreg:$0x3] =	wrdreg $0x8B000  }
0xb0: {  	[dreg:$0x4] =	wrdreg $0x9  }
0xb1: {  	_ =	task.clear_ibuf [dreg:s6], $0x5FFFF;
	_ =	strace $0x90000049  }
0xb2: {  	s29 =	simm.s32 $0x9;
	_ =	strace $0x8000004B  }
0xb3: {  	_ =	swait.ge [sflag:s29], $0x1  }
0xb4: {  	[sflag:s29] =	ssyncadd.s32 $0xFFFFFFFF  }
0xb5: {  	_ =	strace $0x9000004B  }
0xb6: {  	_ =	sfence  }
0xb7: {  	s30 =	sld [smem:$0x0];
	_ =	sdelay $0x2  }
0xb8: {  	s31 =	sshll.u32 s1, $0xD;
	s1 =	sshrl.u32 s1, $0x2  }
0xb9: {  	s3 =	sand.u32 $0x4000, s31;
	s1 =	sadd.s32 s1, s30  }
0xba: {  	s0 =	sor.u32 s3, s0;
	s1 =	sshll.u32 s1, $0x11  }
0xbb: {  	s0 =	sor.u32 s1, s0  }
0xbc: {  	s0 =	sadd.s32 $0x8F2B, s0  }
0xbd: {  	[sflag:s0] =	ssyncadd.remote.s32 $0x1  }
0xbe: {  	_ =	sfence.sel $0xFFFF  }
0xbf: {  	[dreg:$0x0] =	wrdreg $0xFFFFFFFF;
	(pc) =	sbr.abs _section_cstart, $3  }
0xc0: {  	[dreg:$0x1] =	wrdreg $0xFFFFFFFF  }
0xc1: {  	_ =	task.clear_ibuf [dreg:s6], $0x2FFFF;
	_ =	strace $0x9FFFFFFF  }
0xc2: {  	(tm) =	ssettm $0x7FFFFFFF  }
0xc3: {  	_ =	shalt  }
tec
execute0_lowered:
.L_overlay_start_1:
0x0: {  	(tag) =	ssettag $0x1  }
0x1: {  	s0 =	rddreg [dreg:$0x0]  }
0x2: {  	s1 =	rddreg [dreg:$0x1];
	s2 =	simm.s32 $0x0  }
0x3: {  	s3 =	srdreg.scid;
	s11 =	stileid.u32;
	s28 =	simm.s32 $0x8200  }
0x4: {  	s29 =	simm.s32 $0x8280;
	s30 =	simm.s32 $0x10;
	s31 =	simm.s32 $0x8300  }
0x5: {  	[smem:$0x7FF] =	sst s2;
	s4 =	sadd.s32 $0x1A800, s0;
	s5 =	sadd.s32 $0x6C00, s0  }
0x6: {  	s3 =	sand.u32 $0x1, s3;
	s6 =	sadd.s32 $0x10A00, s0;
	s8 =	smul.u32 $0x50000, s11  }
0x7: {  	s9 =	sadd.s32 $0x41A00, s0;
	s20 =	sshll.u32 s11, $0x6;
	s14 =	smul.u32 $0x2710, s11  }
0x8: {  	s25 =	smul.u32 $0x2800, s11;
	_ =	strace $0x8000004A;
	s7 =	sshll.u32 s3, $0x4  }
0x9: {  	[dreg:$0x3] =	wrdreg s9;
	s18 =	ssub.s32 $0x2, s3;
	s13 =	smul.u32 $0x27100, s3  }
0xa: {  	p0 =	seq.s32 s3, $0x1;
	s3 =	simm.s32 $0x6C200;
	s7 =	sor.u32 s11, s7  }
0xb: {  	s10 =	sshrl.u32 s18, $0x1;
	s8 =	sshrl.u32 s8, $0x2;
	s3 =	simm.s32 @!p0 $0x44200  }
0xc: {  	s7 =	smul.u32 $0x2710, s7;
	s9 =	ssub.s32 s18, s10;
	s19 =	sadd.s32 s8, s1  }
0xd: {  	s8 =	sor.u32 $0x1C03, s20;
	s24 =	sadd.s32 s14, s13;
	s0 =	sadd.s32 s3, s0  }
0xe: {  	s20 =	simm.s32 $0x100;
	s15 =	sadd.s32 $0x80, s24;
	s13 =	smax.u32 s9, $0x1  }
0xf: {  	s14 =	sadd.s32 s0, s25;
	s18 =	sshrl.u32 s19, $0x3;
	s19 =	simm.s32 $0x3  }
0x10: {  	s25 =	simm.s32 $0x1;
	s0 =	simm.s32 $0x0;
	s7 =	sshrl.u32 s7, $0x3  }
0x11: {  	s26 =	sshrl.u32 s15, $0x3;
	s15 =	sadd.s32 $0x100, s24;
	s24 =	simm.s32 $0x4200  }
0x12: {  	s12 =	sadd.s32 s5, s7;
	s21 =	sadd.s32 $0x4E0, s7;
	s7 =	sadd.s32 s6, s7  }
0x13: {  	s16 =	sadd.s32 s26, s6;
	s17 =	sadd.s32 s26, s5;
	[dreg:$0x4] =	wrdreg s12  }
0x14: {  	s26 =	simm.s32 $0x2;
	[dreg:$0x5] =	wrdreg s7;
	s22 =	sadd.s32 s5, s21  }
0x15: {  	s23 =	sadd.s32 s6, s21;
	s21 =	simm.s32 $0x80;
	[dreg:$0x6] =	wrdreg s22  }
0x16: {  	[dreg:$0x7] =	wrdreg s23;
	s22 =	simm.s32 $0x200;
	s23 =	simm.s32 $0x180  }
.LBB2_1:
0x17: {  	s3 =	rddreg [dreg:$0x3]  }
0x18: {  	[spmem:s18], [sflag:s8] =	dma.local [hbm:s3], $0x2800  }
0x19: {  	_ =	swait.ge [sflag:s19], $0x2800  }
0x1a: {  	[sflag:s19] =	ssyncset.done $0x0  }
0x1b: {  	[sflag:s19] =	ssyncadd.s32 $0xFFFFD800  }
0x1c: {  	[bflag:$0x0] =	sbarrier.arrive $0xFFFF  }
0x1d: {  	s7 =	rddreg [dreg:$0x4]  }
0x1e: {  	[tilespmem:s2], [sflag:$0x3] =	stream.linear.gather [hbm4b:s7+s2], $0x80, $0x38;
	[tilespmem:$0x1CB00] =	vst v63  }
0x1f: {  	_ =	swait.ge [sflag:s19], $0x80  }
0x20: {  	[sflag:s19] =	ssyncset.done $0x0  }
0x21: {  	s9 =	rddreg [dreg:$0x5];
	[sflag:s19] =	ssyncadd.s32 $0xFFFFFF80  }
0x22: {  	[tilespmem:s20], [sflag:$0x3] =	stream.linear.gather [hbm4b:s9+s2], $0x80, $0x38;
	[tilespmem:$0x1CB00] =	vst v63  }
0x23: {  	_ =	swait.ge [sflag:s19], $0x80  }
0x24: {  	[sflag:s19] =	ssyncset.done $0x0  }
0x25: {  	[sflag:s19] =	ssyncadd.s32 $0xFFFFFF80  }
0x26: {  	[tilespmem:s22], [sflag:$0x1] =	stream.indirect.gather [hbm4b:s4+s21], $0x80, s2, s21, $0xb8;
	[tilespmem:$0x1CB00] =	vst v63  }
0x27: {  	s10 =	sadd.s32 $0x0, s17  }
0x28: {  	[tilespmem:s21], [sflag:$0x3] =	stream.linear.gather [hbm4b:s10+s2], $0x80, $0x38;
	[tilespmem:$0x1CB00] =	vst v63  }
0x29: {  	_ =	swait.ge [sflag:s19], $0x80  }
0x2a: {  	[sflag:s19] =	ssyncset.done $0x0  }
0x2b: {  	s11 =	sadd.s32 $0x0, s16;
	[sflag:s19] =	ssyncadd.s32 $0xFFFFFF80  }
0x2c: {  	[tilespmem:s23], [sflag:$0x3] =	stream.linear.gather [hbm4b:s11+s2], $0x80, $0x38;
	[tilespmem:$0x1CB00] =	vst v63  }
0x2d: {  	_ =	swait.ge [sflag:s19], $0x80  }
0x2e: {  	[sflag:s19] =	ssyncset.done $0x0  }
0x2f: {  	[sflag:s19] =	ssyncadd.s32 $0xFFFFFF80  }
0x30: {  	[tilespmem:s24], [sflag:$0x2] =	stream.indirect.gather [hbm4b:s4+s21], $0x80, s21, s21, $0xb8;
	[tilespmem:$0x1CB00] =	vst v63  }
0x31: {  	_ =	swait.ge [sflag:s25], $0x4000  }
0x32: {  	[sflag:s25] =	ssyncset.done $0x0  }
0x33: {  	[sflag:s25] =	ssyncadd.s32 $0xFFFFC000  }
0x34: {  	[spmem:s1] =	stream.indirect.scatter.add.f32 [tilespmem:s22], [sflag:$0x3], $0x80, s20, s21, $0xb8;
	[tilespmem:$0x1CB00] =	vst v63  }
0x35: {  	_ =	swait.ge [sflag:s19], $0x4000  }
0x36: {  	s12 =	sshrl.u32 s15, $0x3;
	[sflag:s19] =	ssyncset.done $0x0  }
0x37: {  	s7 =	sadd.s32 s5, s12;
	[sflag:s19] =	ssyncadd.s32 $0xFFFFC000  }
0x38: {  	[tilespmem:s2], [sflag:$0x3] =	stream.linear.gather [hbm4b:s7+s2], $0x80, $0x38;
	[tilespmem:$0x1CB00] =	vst v63  }
0x39: {  	_ =	swait.ge [sflag:s19], $0x80  }
0x3a: {  	[sflag:s19] =	ssyncset.done $0x0  }
0x3b: {  	s3 =	sadd.s32 s6, s12;
	[sflag:s19] =	ssyncadd.s32 $0xFFFFFF80  }
0x3c: {  	[tilespmem:s20], [sflag:$0x3] =	stream.linear.gather [hbm4b:s3+s2], $0x80, $0x38;
	[tilespmem:$0x1CB00] =	vst v63  }
0x3d: {  	_ =	swait.ge [sflag:s19], $0x80  }
0x3e: {  	[sflag:s19] =	ssyncset.done $0x0  }
0x3f: {  	[sflag:s19] =	ssyncadd.s32 $0xFFFFFF80  }
0x40: {  	[tilespmem:s22], [sflag:$0x1] =	stream.indirect.gather [hbm4b:s4+s21], $0x80, s2, s21, $0xb8;
	[tilespmem:$0x1CB00] =	vst v63  }
0x41: {  	_ =	swait.ge [sflag:s26], $0x4000  }
0x42: {  	[sflag:s26] =	ssyncset.done $0x0  }
0x43: {  	[sflag:s26] =	ssyncadd.s32 $0xFFFFC000  }
0x44: {  	[spmem:s1] =	stream.indirect.scatter.add.f32 [tilespmem:s24], [sflag:$0x3], $0x80, s23, s21, $0xb8;
	[tilespmem:$0x1CB00] =	vst v63  }
0x45: {  	s9 =	simm.s32 $0x40;
	_ =	swait.ge [sflag:s19], $0x4000  }
0x46: {  	s7 =	simm.s32 $0x20;
	s3 =	sadd.s32 $0x100, s15;
	[sflag:s19] =	ssyncset.done $0x0  }
.LBB2_2:
0x47: {  	s11 =	sadd.s32 s7, s17  }
0x48: {  	[sflag:s19] =	ssyncadd.s32 $0xFFFFC000;
	s12 =	smov.u32 s9;
	s10 =	sadd.s32 $0x20, s9  }
0x49: {  	[tilespmem:s21], [sflag:$0x3] =	stream.linear.gather [hbm4b:s11+s2], $0x80, $0x38;
	[tilespmem:$0x1CB00] =	vst v63  }
0x4a: {  	p0 =	sne.s32 s9, $0x4C0;
	_ =	swait.ge [sflag:s19], $0x80  }
0x4b: {  	[sflag:s19] =	ssyncset.done $0x0  }
0x4c: {  	s9 =	sadd.s32 s7, s16;
	s7 =	smov.u32 s12;
	[sflag:s19] =	ssyncadd.s32 $0xFFFFFF80  }
0x4d: {  	[tilespmem:s23], [sflag:$0x3] =	stream.linear.gather [hbm4b:s9+s2], $0x80, $0x38;
	[tilespmem:$0x1CB00] =	vst v63  }
0x4e: {  	_ =	swait.ge [sflag:s19], $0x80  }
0x4f: {  	[sflag:s19] =	ssyncset.done $0x0  }
0x50: {  	[sflag:s19] =	ssyncadd.s32 $0xFFFFFF80  }
0x51: {  	[tilespmem:s24], [sflag:$0x2] =	stream.indirect.gather [hbm4b:s4+s21], $0x80, s21, s21, $0xb8;
	[tilespmem:$0x1CB00] =	vst v63  }
0x52: {  	_ =	swait.ge [sflag:s25], $0x4000  }
0x53: {  	[sflag:s25] =	ssyncset.done $0x0  }
0x54: {  	[sflag:s25] =	ssyncadd.s32 $0xFFFFC000  }
0x55: {  	[spmem:s1] =	stream.indirect.scatter.add.f32 [tilespmem:s22], [sflag:$0x3], $0x80, s20, s21, $0xb8;
	[tilespmem:$0x1CB00] =	vst v63  }
0x56: {  	_ =	swait.ge [sflag:s19], $0x4000  }
0x57: {  	s9 =	sshrl.u32 s3, $0x3;
	[sflag:s19] =	ssyncset.done $0x0  }
0x58: {  	s11 =	sadd.s32 s5, s9;
	[sflag:s19] =	ssyncadd.s32 $0xFFFFC000  }
0x59: {  	[tilespmem:s2], [sflag:$0x3] =	stream.linear.gather [hbm4b:s11+s2], $0x80, $0x38;
	[tilespmem:$0x1CB00] =	vst v63  }
0x5a: {  	_ =	swait.ge [sflag:s19], $0x80  }
0x5b: {  	[sflag:s19] =	ssyncset.done $0x0  }
0x5c: {  	s9 =	sadd.s32 s6, s9;
	[sflag:s19] =	ssyncadd.s32 $0xFFFFFF80  }
0x5d: {  	[tilespmem:s20], [sflag:$0x3] =	stream.linear.gather [hbm4b:s9+s2], $0x80, $0x38;
	[tilespmem:$0x1CB00] =	vst v63  }
0x5e: {  	_ =	swait.ge [sflag:s19], $0x80  }
0x5f: {  	[sflag:s19] =	ssyncset.done $0x0  }
0x60: {  	[sflag:s19] =	ssyncadd.s32 $0xFFFFFF80  }
0x61: {  	[tilespmem:s22], [sflag:$0x1] =	stream.indirect.gather [hbm4b:s4+s21], $0x80, s2, s21, $0xb8;
	[tilespmem:$0x1CB00] =	vst v63  }
0x62: {  	_ =	swait.ge [sflag:s26], $0x4000  }
.Ltmp0:
0x63: {  	[sflag:s26] =	ssyncset.done $0x0;
	(pc) =	sbr.rel @p0 .LBB2_2-.Ltmp0, $4  }
0x64: {  	[sflag:s26] =	ssyncadd.s32 $0xFFFFC000  }
0x65: {  	[spmem:s1] =	stream.indirect.scatter.add.f32 [tilespmem:s24], [sflag:$0x3], $0x80, s23, s21, $0xb8;
	[tilespmem:$0x1CB00] =	vst v63  }
0x66: {  	_ =	swait.ge [sflag:s19], $0x4000  }
0x67: {  	s3 =	sadd.s32 $0x100, s3;
	s9 =	smov.u32 s10;
	[sflag:s19] =	ssyncset.done $0x0  }
0x68: {  	s9 =	sadd.s32 s7, s17;
	[sflag:s19] =	ssyncadd.s32 $0xFFFFC000  }
0x69: {  	[tilespmem:s21], [sflag:$0x3] =	stream.linear.gather [hbm4b:s9+s2], $0x80, $0x38;
	[tilespmem:$0x1CB00] =	vst v63  }
0x6a: {  	_ =	swait.ge [sflag:s19], $0x80  }
0x6b: {  	[sflag:s19] =	ssyncset.done $0x0  }
0x6c: {  	s9 =	sadd.s32 s7, s16;
	[sflag:s19] =	ssyncadd.s32 $0xFFFFFF80  }
0x6d: {  	[tilespmem:s23], [sflag:$0x3] =	stream.linear.gather [hbm4b:s9+s2], $0x80, $0x38;
	[tilespmem:$0x1CB00] =	vst v63  }
0x6e: {  	_ =	swait.ge [sflag:s19], $0x80  }
0x6f: {  	[sflag:s19] =	ssyncset.done $0x0  }
0x70: {  	[sflag:s19] =	ssyncadd.s32 $0xFFFFFF80  }
0x71: {  	[tilespmem:s24], [sflag:$0x2] =	stream.indirect.gather [hbm4b:s4+s21], $0x80, s21, s21, $0xb8;
	[tilespmem:$0x1CB00] =	vst v63  }
0x72: {  	_ =	swait.ge [sflag:s25], $0x4000  }
0x73: {  	[sflag:s25] =	ssyncset.done $0x0  }
0x74: {  	[sflag:s25] =	ssyncadd.s32 $0xFFFFC000  }
0x75: {  	[spmem:s1] =	stream.indirect.scatter.add.f32 [tilespmem:s22], [sflag:$0x3], $0x80, s20, s21, $0xb8;
	[tilespmem:$0x1CB00] =	vst v63  }
0x76: {  	_ =	swait.ge [sflag:s19], $0x4000  }
0x77: {  	s3 =	sshrl.u32 s3, $0x3;
	[sflag:s19] =	ssyncset.done $0x0  }
0x78: {  	s10 =	sadd.s32 s5, s3;
	[sflag:s19] =	ssyncadd.s32 $0xFFFFC000  }
0x79: {  	[tilespmem:s2], [sflag:$0x3] =	stream.linear.gather [hbm4b:s10+s2], $0x80, $0x38;
	[tilespmem:$0x1CB00] =	vst v63  }
0x7a: {  	_ =	swait.ge [sflag:s19], $0x80  }
0x7b: {  	[sflag:s19] =	ssyncset.done $0x0  }
0x7c: {  	s3 =	sadd.s32 s6, s3;
	[sflag:s19] =	ssyncadd.s32 $0xFFFFFF80  }
0x7d: {  	[tilespmem:s20], [sflag:$0x3] =	stream.linear.gather [hbm4b:s3+s2], $0x80, $0x38;
	[tilespmem:$0x1CB00] =	vst v63  }
0x7e: {  	_ =	swait.ge [sflag:s19], $0x80  }
0x7f: {  	[sflag:s19] =	ssyncset.done $0x0  }
0x80: {  	[sflag:s19] =	ssyncadd.s32 $0xFFFFFF80  }
0x81: {  	[tilespmem:s22], [sflag:$0x1] =	stream.indirect.gather [hbm4b:s4+s21], $0x80, s2, s21, $0xb8;
	[tilespmem:$0x1CB00] =	vst v63  }
0x82: {  	_ =	swait.ge [sflag:s26], $0x4000  }
0x83: {  	[sflag:s26] =	ssyncset.done $0x0  }
0x84: {  	[sflag:s26] =	ssyncadd.s32 $0xFFFFC000  }
0x85: {  	[spmem:s1] =	stream.indirect.scatter.add.f32 [tilespmem:s24], [sflag:$0x3], $0x80, s23, s21, $0xb8;
	[tilespmem:$0x1CB00] =	vst v63  }
0x86: {  	_ =	swait.ge [sflag:s19], $0x4000  }
0x87: {  	[sflag:s19] =	ssyncset.done $0x0  }
0x88: {  	[sflag:s19] =	ssyncadd.s32 $0xFFFFC000  }
0x89: {  	_ =	swait.ge [sflag:s25], $0x4000  }
0x8a: {  	[sflag:s25] =	ssyncset.done $0x0  }
0x8b: {  	s11 =	rddreg [dreg:$0x6];
	[sflag:s25] =	ssyncadd.s32 $0xFFFFC000  }
0x8c: {  	[tilespmem:s28], [sflag:$0x3] =	stream.linear.gather [hbm4b:s11+s2], $0x10, $0x38;
	[tilespmem:$0x1CB00] =	vst v63  }
0x8d: {  	_ =	swait.ge [sflag:s19], $0x10  }
0x8e: {  	[sflag:s19] =	ssyncset.done $0x0  }
0x8f: {  	s12 =	rddreg [dreg:$0x7];
	[sflag:s19] =	ssyncadd.s32 $0xFFFFFFF0  }
0x90: {  	[tilespmem:s29], [sflag:$0x3] =	stream.linear.gather [hbm4b:s12+s2], $0x10, $0x38;
	[tilespmem:$0x1CB00] =	vst v63  }
0x91: {  	_ =	swait.ge [sflag:s19], $0x10  }
0x92: {  	[sflag:s19] =	ssyncset.done $0x0  }
0x93: {  	[sflag:s19] =	ssyncadd.s32 $0xFFFFFFF0  }
0x94: {  	[tilespmem:s31], [sflag:$0x1] =	stream.indirect.gather [hbm4b:s4+s30], $0x80, s28, s30, $0xb8;
	[tilespmem:$0x1CB00] =	vst v63  }
0x95: {  	_ =	swait.ge [sflag:s25], $0x800  }
0x96: {  	[sflag:s25] =	ssyncset.done $0x0  }
0x97: {  	[sflag:s25] =	ssyncadd.s32 $0xFFFFF800  }
0x98: {  	[spmem:s1] =	stream.indirect.scatter.add.f32 [tilespmem:s31], [sflag:$0x3], $0x80, s29, s30, $0xb8;
	[tilespmem:$0x1CB00] =	vst v63  }
0x99: {  	_ =	swait.ge [sflag:s19], $0x800  }
0x9a: {  	s0 =	sadd.s32 $0x1, s0;
	[sflag:s19] =	ssyncset.done $0x0  }
0x9b: {  	p0 =	sne.s32 s0, s13;
	[sflag:s19] =	ssyncadd.s32 $0xFFFFF800  }
.Ltmp1:
0x9c: {  	[bflag:$0x0] =	sbarrier.arrive $0xFFFF;
	(pc) =	sbr.rel @p0 .LBB2_1-.Ltmp1, $4  }
0x9d: {  	[hbm:s14], [sflag:s8] =	dma.local [spmem:s18], $0x2800  }
0x9e: {  	_ =	swait.ge [sflag:s19], $0x2800  }
0x9f: {  	[sflag:s19] =	ssyncset.done $0x0  }
0xa0: {  	[sflag:s19] =	ssyncadd.s32 $0xFFFFD800  }
0xa1: {  	_ =	sfence.sel $0x180000  }
0xa2: {  	[bflag:$0x0] =	sbarrier.arrive $0xFFFF  }
0xa3: {  	_ =	strace $0x9000004A  }
0xa4: {  	s0 =	stileid.u32;
	[bflag:$0x2] =	sbarrier.arrive $0xFFFF  }
0xa5: {  	p0 =	sne.s32 s0, $0x0;
	s0 =	rddreg [dreg:$0x2]  }
0xa6: {  	s0 =	sadd.s32 @!p0 $0x100000, s0  }
0xa7: {  	[sflag:s0] =	ssyncadd.tile.s32 @!p0 $0x1;
	_ =	shalt  }
.Lfunc_end2:
_tile_overlayer_lowered:
.L_overlay_start_2:
0xa8: {  	(tag) =	ssettag $0x2  }
0xa9: {  	s0 =	rddreg [dreg:$0x0];
	s2 =	stileid.u32  }
0xaa: {  	s1 =	rddreg [dreg:$0x1];
	p0 =	sne.s32 s2, $0x0  }
0xab: {  	s3 =	rddreg [dreg:$0x2];
	[bflag:$0x3] =	sbarrier.arrive $0xFFFF;
	s2 =	simm.s32 @!p0 $0x1C03  }
0xac: {  	[timem:s3], [sflag:s2] =	dma.local @!p0 [hbm:s0], s1  }
0xad: {  	s0 =	simm.s32 @!p0 $0x3  }
0xae: {  	_ =	swait.ge @!p0 [sflag:s0], s1  }
0xaf: {  	s1 =	ssub.s32 @!p0 $0x0, s1;
	[sflag:s0] =	ssyncset.done @!p0 $0x0  }
0xb0: {  	[sflag:s0] =	ssyncadd.s32 @!p0 s1  }
0xb1: {  	[bflag:$0x3] =	sbarrier.arrive $0xFFFF  }
0xb2: {  	_ =	shalt  }

// kernel: kernel.21.cloned.1.call-start
scs
__scs_entry_jumppad:
0x0: {  	(pc) =	sbr.rel $0x88, $3  }
0x1: {  	(tag) =	ssettag $0x0;
	lr =	simm.s32 $0x1  }
0x2: {  	[smem:$0x3F8E] =	sst lr;
	_ =	strace $0xD0000000  }
0x3: {  	_ = 	snop  }
0x4: {  	_ = 	snop  }
0x5: {  	_ = 	snop  }
0x6: {  	_ = 	snop  }
0x7: {  	_ = 	snop  }
__scs_overlays_trampoline_lowered:
0x8: {  	[smem:$0x3F9D] =	sst s0  }
0x9: {  	[smem:$0x3F9E] =	sst s1  }
0xa: {  	[smem:$0x3F9F] =	sst s2  }
0xb: {  	[smem:$0x3FA0] =	sst s3  }
0xc: {  	[smem:$0x3FA1] =	sst s4  }
0xd: {  	[smem:$0x3FA2] =	sst s5  }
0xe: {  	[smem:$0x3FA3] =	sst s6  }
0xf: {  	[smem:$0x3FA4] =	sst s7  }
0x10: {  	[smem:$0x3FA5] =	sst s8  }
0x11: {  	[smem:$0x3FA6] =	sst s9;
	s0 =	simm.s32 @!p0 $0x0  }
0x12: {  	s1 =	sld [smem:$0x3F8C];
	s0 =	simm.s32 @p0 $0x1  }
0x13: {  	[smem:$0x3FA7] =	sst s0;
	s0 =	simm.s32 @!p1 $0x0  }
0x14: {  	s2 =	sld [smem:$0x3F8B];
	s0 =	simm.s32 @p1 $0x1  }
0x15: {  	[smem:$0x3FA8] =	sst s0;
	s0 =	simm.s32 @!p2 $0x0  }
0x16: {  	s3 =	sld [smem:$0x3FDB];
	s0 =	simm.s32 @p2 $0x1  }
0x17: {  	s4 =	simm.s32 $0x1BF5;
	[smem:$0x3FAA] =	sst s0  }
0x18: {  	s0 =	sld [smem:$0x3F8D];
	_ =	swait.ge [sflag:s4], $0x0  }
0x19: {  	s7 =	sld [smem:$0x3F8E]  }
0x1a: {  	s8 =	sadd.s32 $0xFFFFE003, lr  }
0x1b: {  	s9 =	sadd.s32 $0xFFFFFEF7, lr;
	s5 =	simm.s32 $0xFFFFFFFF;
	p2 =	slt.u32 s8, $0xFFFFF086  }
0x1c: {  	p1 =	slt.u32 s9, $0xF7A;
	s5 =	simm.s32 @!p2 $0x0  }
0x1d: {  	s5 =	simm.s32 @p1 $0x1;
	p0 =	seq.s32 s7, s2  }
0x1e: {  	s7 =	smul.u32 @!p0 $0xF7A, s2;
	p2 =	seq.s32 @!p0 s5, $0x0  }
0x1f: {  	s9 =	smul.u32 $0xF7A, s1;
	s8 =	simm.s32 @!p0 $0x1BF5;
	p2 =	por !p2, p0  }
0x20: {  	[sflag:s8] =	ssyncset.s32 @!p0 $0xFFFFF086;
	s6 =	sadd.s32 @!p0 s3, s7;
	s7 =	simm.s32 @!p0 $0x108  }
0x21: {  	s3 =	sadd.s32 s3, s9;
	s6 =	sadd.s32 @!p0 $0x88, s6;
	s7 =	simm.s32 @p2 $0x1082  }
0x22: {  	[simem:s7], [sflag:s8] =	dma.local @!p0 [hbm:s6], $0xF7A  }
0x23: {  	s9 =	sor.u32 $0xD0000000, s2;
	s6 =	simm.s32 $0x108;
	_ =	swait.ge @!p0 [sflag:s8], $0x0  }
0x24: {  	s3 =	sadd.s32 $0x88, s3;
	s6 =	simm.s32 @!p1 $0x1082;
	[sflag:s4] =	ssyncset.s32 $0xFFFFF086  }
0x25: {  	[simem:s6], [sflag:s4] =	dma.local [hbm:s3], $0xF7A  }
0x26: {  	[smem:$0x3F8E] =	sst s1;
	(tag) =	ssettag s2;
	_ =	strace s9  }
0x27: {  	s1 =	sld [smem:$0x3F9E]  }
0x28: {  	s2 =	sld [smem:$0x3F9F]  }
0x29: {  	s4 =	sld [smem:$0x3FA1]  }
0x2a: {  	p0 =	seq.s32 s5, $0x0;
	s5 =	sld [smem:$0x3FA2]  }
0x2b: {  	s6 =	sld [smem:$0x3FA3]  }
0x2c: {  	s7 =	sld [smem:$0x3FA4]  }
0x2d: {  	s3 =	simm.s32 $0x108;
	s8 =	sld [smem:$0x3FA5]  }
0x2e: {  	s3 =	simm.s32 @!p0 $0x1082;
	s9 =	sld [smem:$0x3FA6]  }
0x2f: {  	lr =	sadd.s32 s0, s3;
	s0 =	sld [smem:$0x3F9D]  }
0x30: {  	s3 =	sld [smem:$0x3FA0]  }
0x31: {  	[smem:$0x3FA9] =	sst s10  }
0x32: {  	s10 =	sld [smem:$0x3FA7];
	_ =	sdelay $0x3  }
0x33: {  	p0 =	seq.s32 s10, $0x1;
	s10 =	sld [smem:$0x3FA9];
	_ =	sdelay $0x3  }
0x34: {  	[smem:$0x3FA9] =	sst s10  }
0x35: {  	s10 =	sld [smem:$0x3FA8];
	_ =	sdelay $0x3  }
0x36: {  	p1 =	seq.s32 s10, $0x1;
	s10 =	sld [smem:$0x3FA9];
	_ =	sdelay $0x3  }
0x37: {  	[smem:$0x3FA9] =	sst s10  }
0x38: {  	s10 =	sld [smem:$0x3FAA]  }
0x39: {  	_ = 	snop;
	(pc) =	sbr.ind lr, $3  }
0x3a: {  	_ = 	snop  }
0x3b: {  	_ = 	snop  }
0x3c: {  	p2 =	seq.s32 s10, $0x1;
	s10 =	sld [smem:$0x3FA9]  }
0x3d: {  	_ =	shalt  }
0x3e: {  	_ =	shalt  }
0x3f: {  	_ =	shalt  }
0x40: {  	_ =	shalt  }
0x41: {  	_ =	shalt  }
0x42: {  	_ =	shalt  }
0x43: {  	_ =	shalt  }
0x44: {  	_ =	shalt  }
0x45: {  	_ =	shalt  }
0x46: {  	_ =	shalt  }
0x47: {  	_ =	shalt  }
0x48: {  	_ =	shalt  }
0x49: {  	_ =	shalt  }
0x4a: {  	_ =	shalt  }
0x4b: {  	_ =	shalt  }
0x4c: {  	_ =	shalt  }
0x4d: {  	_ =	shalt  }
0x4e: {  	_ =	shalt  }
0x4f: {  	_ =	shalt  }
0x50: {  	_ =	shalt  }
0x51: {  	_ =	shalt  }
0x52: {  	_ =	shalt  }
0x53: {  	_ =	shalt  }
0x54: {  	_ =	shalt  }
0x55: {  	_ =	shalt  }
0x56: {  	_ =	shalt  }
0x57: {  	_ =	shalt  }
0x58: {  	_ =	shalt  }
0x59: {  	_ =	shalt  }
0x5a: {  	_ =	shalt  }
0x5b: {  	_ =	shalt  }
0x5c: {  	_ =	shalt  }
0x5d: {  	_ =	shalt  }
0x5e: {  	_ =	shalt  }
0x5f: {  	_ =	shalt  }
0x60: {  	_ =	shalt  }
0x61: {  	_ =	shalt  }
0x62: {  	_ =	shalt  }
0x63: {  	_ =	shalt  }
0x64: {  	_ =	shalt  }
0x65: {  	_ =	shalt  }
0x66: {  	_ =	shalt  }
0x67: {  	_ =	shalt  }
0x68: {  	_ =	shalt  }
0x69: {  	_ =	shalt  }
0x6a: {  	_ =	shalt  }
0x6b: {  	_ =	shalt  }
0x6c: {  	_ =	shalt  }
0x6d: {  	_ =	shalt  }
0x6e: {  	_ =	shalt  }
0x6f: {  	_ =	shalt  }
0x70: {  	_ =	shalt  }
0x71: {  	_ =	shalt  }
0x72: {  	_ =	shalt  }
0x73: {  	_ =	shalt  }
0x74: {  	_ =	shalt  }
0x75: {  	_ =	shalt  }
0x76: {  	_ =	shalt  }
0x77: {  	_ =	shalt  }
0x78: {  	_ =	shalt  }
0x79: {  	_ =	shalt  }
0x7a: {  	_ =	shalt  }
0x7b: {  	_ =	shalt  }
0x7c: {  	_ =	shalt  }
0x7d: {  	_ =	shalt  }
0x7e: {  	_ =	shalt  }
0x7f: {  	_ =	shalt  }
0x80: {  	_ =	shalt  }
0x81: {  	_ =	shalt  }
0x82: {  	_ =	shalt  }
0x83: {  	_ =	shalt  }
0x84: {  	_ =	shalt  }
0x85: {  	_ =	shalt  }
0x86: {  	_ =	shalt  }
0x87: {  	_ =	shalt  }
.Lfunc_end0:
.L_simem_size_0:
called_computation.2_lowered:
.L_overlay_start_0:
0x88: {  	s2 =	sld [smem:$0x3FD9]  }
0x89: {  	s3 =	sld [smem:$0x3FFE];
	_ =	sdelay $0x1  }
0x8a: {  	s1 =	srdreg.scid  }
0x8b: {  	s0 =	sand.u32 $0x1, s1  }
0x8c: {  	s16 =	sshll.u32 s0, $0xA;
	s2 =	sadd.s32 s3, s2  }
0x8d: {  	s2 =	sadd.s32 s2, s16  }
0x8e: {  	[smem:$0x3FB5] =	sst s2  }
0x8f: {  	_ = 	snop  }
0x90: {  	(tm) =	ssettm $0x1  }
0x91: {  	s17 =	sld [smem:$0x3FFB];
	_ =	sdelay $0x3  }
0x92: {  	_ =	strace s17  }
0x93: {  	s2 =	sld [smem:$0x3FFC];
	_ =	sdelay $0x3  }
0x94: {  	_ =	strace s2  }
0x95: {  	s2 =	sld [smem:$0x3FFD];
	_ =	sdelay $0x3  }
0x96: {  	_ =	strace s2  }
0x97: {  	_ =	strace $0x8FFFFFFF  }
0x98: {  	s18 =	sld [smem:$0x3FDB];
	_ =	sdelay $0x1  }
0x99: {  	s19 =	simm.s32 $_scs_section_size  }
0x9a: {  	s4 =	simm.s32 $_size__tile_overlayer_lowered;
	s5 =	simm.s32 $_tile_overlayer_lowered  }
0x9b: {  	s22 =	simm.s32 $0x1BFF;
	s21 =	sshll.u32 s5, $0x1;
	s2 =	sadd.s32 s19, s18  }
0x9c: {  	s6 =	simm.s32 $0x0;
	s20 =	sshll.u32 s4, $0x1;
	s4 =	sadd.s32 s21, s2  }
0x9d: {  	[timem:s6], [sflag:s22] =	dma.local [hbm:s4], s20  }
0x9e: {  	_ =	swait.ge [sflag:s22], s20  }
0x9f: {  	s3 =	ssub.s32 $0x0, s20;
	[sflag:s22] =	ssyncset.done $0x0  }
0xa0: {  	[sflag:s22] =	ssyncadd.s32 s3;
	_ =	sdelay $0x1  }
0xa1: {  	s23 =	simm.s32 $0x1B8B  }
0xa2: {  	_ =	swait.ge [sflag:s23], $0x1  }
0xa3: {  	[sflag:s23] =	ssyncset.done $0x0  }
0xa4: {  	s25 =	simm.s32 $0x1B8E;
	s24 =	sld [smem:$0x3FFE];
	[sflag:s23] =	ssyncadd.s32 $0xFFFFFFFF  }
0xa5: {  	s26 =	simm.s32 $execute0_lowered;
	[smem:$0x3FD2] =	sst s25  }
0xa6: {  	s4 =	sshll.u32 s26, $0x1;
	_ =	strace $0x8000004C;
	[dreg:$0x1] =	wrdreg $0xFFFFFFFF  }
0xa7: {  	s28 =	simm.s32 $_size_execute0_lowered;
	s2 =	sadd.s32 s2, s4;
	[dreg:$0x0] =	wrdreg $0x0  }
0xa8: {  	s4 =	sshll.u32 s28, $0x1;
	[dreg:$0x2] =	wrdreg s2  }
0xa9: {  	[dreg:$0x3] =	wrdreg s4  }
0xaa: {  	[dreg:$0x4] =	wrdreg $0xC0  }
0xab: {  	_ =	task [dreg:s6], $0x5FFFF  }
0xac: {  	[dreg:$0x1] =	wrdreg $0xFFFFFFFF  }
0xad: {  	[dreg:$0x0] =	wrdreg $0x60  }
0xae: {  	[dreg:$0x2] =	wrdreg s24  }
0xaf: {  	[dreg:$0x3] =	wrdreg $0x8B000  }
0xb0: {  	[dreg:$0x4] =	wrdreg $0x9  }
0xb1: {  	_ =	task.clear_ibuf [dreg:s6], $0x5FFFF;
	_ =	strace $0x9000004C  }
0xb2: {  	s29 =	simm.s32 $0x9;
	_ =	strace $0x8000004E  }
0xb3: {  	_ =	swait.ge [sflag:s29], $0x1  }
0xb4: {  	[sflag:s29] =	ssyncadd.s32 $0xFFFFFFFF  }
0xb5: {  	_ =	strace $0x9000004E  }
0xb6: {  	_ =	sfence  }
0xb7: {  	s30 =	sld [smem:$0x0];
	_ =	sdelay $0x2  }
0xb8: {  	s31 =	sshll.u32 s1, $0xD;
	s1 =	sshrl.u32 s1, $0x2  }
0xb9: {  	s3 =	sand.u32 $0x4000, s31;
	s1 =	sadd.s32 s1, s30  }
0xba: {  	s0 =	sor.u32 s3, s0;
	s1 =	sshll.u32 s1, $0x11  }
0xbb: {  	s0 =	sor.u32 s1, s0  }
0xbc: {  	s0 =	sadd.s32 $0x8F2B, s0  }
0xbd: {  	[sflag:s0] =	ssyncadd.remote.s32 $0x1  }
0xbe: {  	_ =	sfence.sel $0xFFFF  }
0xbf: {  	[dreg:$0x0] =	wrdreg $0xFFFFFFFF;
	(pc) =	sbr.abs _section_cstart, $3  }
0xc0: {  	[dreg:$0x1] =	wrdreg $0xFFFFFFFF  }
0xc1: {  	_ =	task.clear_ibuf [dreg:s6], $0x2FFFF;
	_ =	strace $0x9FFFFFFF  }
0xc2: {  	(tm) =	ssettm $0x7FFFFFFF  }
0xc3: {  	_ =	shalt  }
tec
execute0_lowered:
.L_overlay_start_1:
0x0: {  	(tag) =	ssettag $0x1  }
0x1: {  	s0 =	rddreg [dreg:$0x0]  }
0x2: {  	s1 =	rddreg [dreg:$0x1];
	s2 =	simm.s32 $0x0  }
0x3: {  	s3 =	srdreg.scid;
	s11 =	stileid.u32;
	s28 =	simm.s32 $0x8200  }
0x4: {  	s29 =	simm.s32 $0x8280;
	s30 =	simm.s32 $0x10;
	s31 =	simm.s32 $0x8300  }
0x5: {  	[smem:$0x7FF] =	sst s2;
	s4 =	sadd.s32 $0x1A800, s0;
	s5 =	sadd.s32 $0x6C00, s0  }
0x6: {  	s3 =	sand.u32 $0x1, s3;
	s6 =	sadd.s32 $0x10A00, s0;
	s8 =	smul.u32 $0x50000, s11  }
0x7: {  	s9 =	sadd.s32 $0x41A00, s0;
	s20 =	sshll.u32 s11, $0x6;
	s14 =	smul.u32 $0x2710, s11  }
0x8: {  	s25 =	smul.u32 $0x2800, s11;
	_ =	strace $0x8000004D;
	s7 =	sshll.u32 s3, $0x4  }
0x9: {  	[dreg:$0x3] =	wrdreg s9;
	s18 =	ssub.s32 $0x2, s3;
	s13 =	smul.u32 $0x27100, s3  }
0xa: {  	p0 =	seq.s32 s3, $0x1;
	s3 =	simm.s32 $0x6C200;
	s7 =	sor.u32 s11, s7  }
0xb: {  	s10 =	sshrl.u32 s18, $0x1;
	s8 =	sshrl.u32 s8, $0x2;
	s3 =	simm.s32 @!p0 $0x44200  }
0xc: {  	s7 =	smul.u32 $0x2710, s7;
	s9 =	ssub.s32 s18, s10;
	s19 =	sadd.s32 s8, s1  }
0xd: {  	s8 =	sor.u32 $0x1C03, s20;
	s24 =	sadd.s32 s14, s13;
	s0 =	sadd.s32 s3, s0  }
0xe: {  	s20 =	simm.s32 $0x100;
	s15 =	sadd.s32 $0x80, s24;
	s13 =	smax.u32 s9, $0x1  }
0xf: {  	s14 =	sadd.s32 s0, s25;
	s18 =	sshrl.u32 s19, $0x3;
	s19 =	simm.s32 $0x3  }
0x10: {  	s25 =	simm.s32 $0x1;
	s0 =	simm.s32 $0x0;
	s7 =	sshrl.u32 s7, $0x3  }
0x11: {  	s26 =	sshrl.u32 s15, $0x3;
	s15 =	sadd.s32 $0x100, s24;
	s24 =	simm.s32 $0x4200  }
0x12: {  	s12 =	sadd.s32 s5, s7;
	s21 =	sadd.s32 $0x4E0, s7;
	s7 =	sadd.s32 s6, s7  }
0x13: {  	s16 =	sadd.s32 s26, s6;
	s17 =	sadd.s32 s26, s5;
	[dreg:$0x4] =	wrdreg s12  }
0x14: {  	s26 =	simm.s32 $0x2;
	[dreg:$0x5] =	wrdreg s7;
	s22 =	sadd.s32 s5, s21  }
0x15: {  	s23 =	sadd.s32 s6, s21;
	s21 =	simm.s32 $0x80;
	[dreg:$0x6] =	wrdreg s22  }
0x16: {  	[dreg:$0x7] =	wrdreg s23;
	s22 =	simm.s32 $0x200;
	s23 =	simm.s32 $0x180  }
.LBB2_1:
0x17: {  	s3 =	rddreg [dreg:$0x3]  }
0x18: {  	[spmem:s18], [sflag:s8] =	dma.local [hbm:s3], $0x2800  }
0x19: {  	_ =	swait.ge [sflag:s19], $0x2800  }
0x1a: {  	[sflag:s19] =	ssyncset.done $0x0  }
0x1b: {  	[sflag:s19] =	ssyncadd.s32 $0xFFFFD800  }
0x1c: {  	[bflag:$0x0] =	sbarrier.arrive $0xFFFF  }
0x1d: {  	s7 =	rddreg [dreg:$0x4]  }
0x1e: {  	[tilespmem:s2], [sflag:$0x3] =	stream.linear.gather [hbm4b:s7+s2], $0x80, $0x38;
	[tilespmem:$0x1CB00] =	vst v63  }
0x1f: {  	_ =	swait.ge [sflag:s19], $0x80  }
0x20: {  	[sflag:s19] =	ssyncset.done $0x0  }
0x21: {  	s9 =	rddreg [dreg:$0x5];
	[sflag:s19] =	ssyncadd.s32 $0xFFFFFF80  }
0x22: {  	[tilespmem:s20], [sflag:$0x3] =	stream.linear.gather [hbm4b:s9+s2], $0x80, $0x38;
	[tilespmem:$0x1CB00] =	vst v63  }
0x23: {  	_ =	swait.ge [sflag:s19], $0x80  }
0x24: {  	[sflag:s19] =	ssyncset.done $0x0  }
0x25: {  	[sflag:s19] =	ssyncadd.s32 $0xFFFFFF80  }
0x26: {  	[tilespmem:s22], [sflag:$0x1] =	stream.indirect.gather [hbm4b:s4+s21], $0x80, s2, s21, $0xb8;
	[tilespmem:$0x1CB00] =	vst v63  }
0x27: {  	s10 =	sadd.s32 $0x0, s17  }
0x28: {  	[tilespmem:s21], [sflag:$0x3] =	stream.linear.gather [hbm4b:s10+s2], $0x80, $0x38;
	[tilespmem:$0x1CB00] =	vst v63  }
0x29: {  	_ =	swait.ge [sflag:s19], $0x80  }
0x2a: {  	[sflag:s19] =	ssyncset.done $0x0  }
0x2b: {  	s11 =	sadd.s32 $0x0, s16;
	[sflag:s19] =	ssyncadd.s32 $0xFFFFFF80  }
0x2c: {  	[tilespmem:s23], [sflag:$0x3] =	stream.linear.gather [hbm4b:s11+s2], $0x80, $0x38;
	[tilespmem:$0x1CB00] =	vst v63  }
0x2d: {  	_ =	swait.ge [sflag:s19], $0x80  }
0x2e: {  	[sflag:s19] =	ssyncset.done $0x0  }
0x2f: {  	[sflag:s19] =	ssyncadd.s32 $0xFFFFFF80  }
0x30: {  	[tilespmem:s24], [sflag:$0x2] =	stream.indirect.gather [hbm4b:s4+s21], $0x80, s21, s21, $0xb8;
	[tilespmem:$0x1CB00] =	vst v63  }
0x31: {  	_ =	swait.ge [sflag:s25], $0x4000  }
0x32: {  	[sflag:s25] =	ssyncset.done $0x0  }
0x33: {  	[sflag:s25] =	ssyncadd.s32 $0xFFFFC000  }
0x34: {  	[spmem:s1] =	stream.indirect.scatter.add.f32 [tilespmem:s22], [sflag:$0x3], $0x80, s20, s21, $0xb8;
	[tilespmem:$0x1CB00] =	vst v63  }
0x35: {  	_ =	swait.ge [sflag:s19], $0x4000  }
0x36: {  	s12 =	sshrl.u32 s15, $0x3;
	[sflag:s19] =	ssyncset.done $0x0  }
0x37: {  	s7 =	sadd.s32 s5, s12;
	[sflag:s19] =	ssyncadd.s32 $0xFFFFC000  }
0x38: {  	[tilespmem:s2], [sflag:$0x3] =	stream.linear.gather [hbm4b:s7+s2], $0x80, $0x38;
	[tilespmem:$0x1CB00] =	vst v63  }
0x39: {  	_ =	swait.ge [sflag:s19], $0x80  }
0x3a: {  	[sflag:s19] =	ssyncset.done $0x0  }
0x3b: {  	s3 =	sadd.s32 s6, s12;
	[sflag:s19] =	ssyncadd.s32 $0xFFFFFF80  }
0x3c: {  	[tilespmem:s20], [sflag:$0x3] =	stream.linear.gather [hbm4b:s3+s2], $0x80, $0x38;
	[tilespmem:$0x1CB00] =	vst v63  }
0x3d: {  	_ =	swait.ge [sflag:s19], $0x80  }
0x3e: {  	[sflag:s19] =	ssyncset.done $0x0  }
0x3f: {  	[sflag:s19] =	ssyncadd.s32 $0xFFFFFF80  }
0x40: {  	[tilespmem:s22], [sflag:$0x1] =	stream.indirect.gather [hbm4b:s4+s21], $0x80, s2, s21, $0xb8;
	[tilespmem:$0x1CB00] =	vst v63  }
0x41: {  	_ =	swait.ge [sflag:s26], $0x4000  }
0x42: {  	[sflag:s26] =	ssyncset.done $0x0  }
0x43: {  	[sflag:s26] =	ssyncadd.s32 $0xFFFFC000  }
0x44: {  	[spmem:s1] =	stream.indirect.scatter.add.f32 [tilespmem:s24], [sflag:$0x3], $0x80, s23, s21, $0xb8;
	[tilespmem:$0x1CB00] =	vst v63  }
0x45: {  	s9 =	simm.s32 $0x40;
	_ =	swait.ge [sflag:s19], $0x4000  }
0x46: {  	s7 =	simm.s32 $0x20;
	s3 =	sadd.s32 $0x100, s15;
	[sflag:s19] =	ssyncset.done $0x0  }
.LBB2_2:
0x47: {  	s11 =	sadd.s32 s7, s17  }
0x48: {  	[sflag:s19] =	ssyncadd.s32 $0xFFFFC000;
	s12 =	smov.u32 s9;
	s10 =	sadd.s32 $0x20, s9  }
0x49: {  	[tilespmem:s21], [sflag:$0x3] =	stream.linear.gather [hbm4b:s11+s2], $0x80, $0x38;
	[tilespmem:$0x1CB00] =	vst v63  }
0x4a: {  	p0 =	sne.s32 s9, $0x4C0;
	_ =	swait.ge [sflag:s19], $0x80  }
0x4b: {  	[sflag:s19] =	ssyncset.done $0x0  }
0x4c: {  	s9 =	sadd.s32 s7, s16;
	s7 =	smov.u32 s12;
	[sflag:s19] =	ssyncadd.s32 $0xFFFFFF80  }
0x4d: {  	[tilespmem:s23], [sflag:$0x3] =	stream.linear.gather [hbm4b:s9+s2], $0x80, $0x38;
	[tilespmem:$0x1CB00] =	vst v63  }
0x4e: {  	_ =	swait.ge [sflag:s19], $0x80  }
0x4f: {  	[sflag:s19] =	ssyncset.done $0x0  }
0x50: {  	[sflag:s19] =	ssyncadd.s32 $0xFFFFFF80  }
0x51: {  	[tilespmem:s24], [sflag:$0x2] =	stream.indirect.gather [hbm4b:s4+s21], $0x80, s21, s21, $0xb8;
	[tilespmem:$0x1CB00] =	vst v63  }
0x52: {  	_ =	swait.ge [sflag:s25], $0x4000  }
0x53: {  	[sflag:s25] =	ssyncset.done $0x0  }
0x54: {  	[sflag:s25] =	ssyncadd.s32 $0xFFFFC000  }
0x55: {  	[spmem:s1] =	stream.indirect.scatter.add.f32 [tilespmem:s22], [sflag:$0x3], $0x80, s20, s21, $0xb8;
	[tilespmem:$0x1CB00] =	vst v63  }
0x56: {  	_ =	swait.ge [sflag:s19], $0x4000  }
0x57: {  	s9 =	sshrl.u32 s3, $0x3;
	[sflag:s19] =	ssyncset.done $0x0  }
0x58: {  	s11 =	sadd.s32 s5, s9;
	[sflag:s19] =	ssyncadd.s32 $0xFFFFC000  }
0x59: {  	[tilespmem:s2], [sflag:$0x3] =	stream.linear.gather [hbm4b:s11+s2], $0x80, $0x38;
	[tilespmem:$0x1CB00] =	vst v63  }
0x5a: {  	_ =	swait.ge [sflag:s19], $0x80  }
0x5b: {  	[sflag:s19] =	ssyncset.done $0x0  }
0x5c: {  	s9 =	sadd.s32 s6, s9;
	[sflag:s19] =	ssyncadd.s32 $0xFFFFFF80  }
0x5d: {  	[tilespmem:s20], [sflag:$0x3] =	stream.linear.gather [hbm4b:s9+s2], $0x80, $0x38;
	[tilespmem:$0x1CB00] =	vst v63  }
0x5e: {  	_ =	swait.ge [sflag:s19], $0x80  }
0x5f: {  	[sflag:s19] =	ssyncset.done $0x0  }
0x60: {  	[sflag:s19] =	ssyncadd.s32 $0xFFFFFF80  }
0x61: {  	[tilespmem:s22], [sflag:$0x1] =	stream.indirect.gather [hbm4b:s4+s21], $0x80, s2, s21, $0xb8;
	[tilespmem:$0x1CB00] =	vst v63  }
0x62: {  	_ =	swait.ge [sflag:s26], $0x4000  }
.Ltmp0:
0x63: {  	[sflag:s26] =	ssyncset.done $0x0;
	(pc) =	sbr.rel @p0 .LBB2_2-.Ltmp0, $4  }
0x64: {  	[sflag:s26] =	ssyncadd.s32 $0xFFFFC000  }
0x65: {  	[spmem:s1] =	stream.indirect.scatter.add.f32 [tilespmem:s24], [sflag:$0x3], $0x80, s23, s21, $0xb8;
	[tilespmem:$0x1CB00] =	vst v63  }
0x66: {  	_ =	swait.ge [sflag:s19], $0x4000  }
0x67: {  	s3 =	sadd.s32 $0x100, s3;
	s9 =	smov.u32 s10;
	[sflag:s19] =	ssyncset.done $0x0  }
0x68: {  	s9 =	sadd.s32 s7, s17;
	[sflag:s19] =	ssyncadd.s32 $0xFFFFC000  }
0x69: {  	[tilespmem:s21], [sflag:$0x3] =	stream.linear.gather [hbm4b:s9+s2], $0x80, $0x38;
	[tilespmem:$0x1CB00] =	vst v63  }
0x6a: {  	_ =	swait.ge [sflag:s19], $0x80  }
0x6b: {  	[sflag:s19] =	ssyncset.done $0x0  }
0x6c: {  	s9 =	sadd.s32 s7, s16;
	[sflag:s19] =	ssyncadd.s32 $0xFFFFFF80  }
0x6d: {  	[tilespmem:s23], [sflag:$0x3] =	stream.linear.gather [hbm4b:s9+s2], $0x80, $0x38;
	[tilespmem:$0x1CB00] =	vst v63  }
0x6e: {  	_ =	swait.ge [sflag:s19], $0x80  }
0x6f: {  	[sflag:s19] =	ssyncset.done $0x0  }
0x70: {  	[sflag:s19] =	ssyncadd.s32 $0xFFFFFF80  }
0x71: {  	[tilespmem:s24], [sflag:$0x2] =	stream.indirect.gather [hbm4b:s4+s21], $0x80, s21, s21, $0xb8;
	[tilespmem:$0x1CB00] =	vst v63  }
0x72: {  	_ =	swait.ge [sflag:s25], $0x4000  }
0x73: {  	[sflag:s25] =	ssyncset.done $0x0  }
0x74: {  	[sflag:s25] =	ssyncadd.s32 $0xFFFFC000  }
0x75: {  	[spmem:s1] =	stream.indirect.scatter.add.f32 [tilespmem:s22], [sflag:$0x3], $0x80, s20, s21, $0xb8;
	[tilespmem:$0x1CB00] =	vst v63  }
0x76: {  	_ =	swait.ge [sflag:s19], $0x4000  }
0x77: {  	s3 =	sshrl.u32 s3, $0x3;
	[sflag:s19] =	ssyncset.done $0x0  }
0x78: {  	s10 =	sadd.s32 s5, s3;
	[sflag:s19] =	ssyncadd.s32 $0xFFFFC000  }
0x79: {  	[tilespmem:s2], [sflag:$0x3] =	stream.linear.gather [hbm4b:s10+s2], $0x80, $0x38;
	[tilespmem:$0x1CB00] =	vst v63  }
0x7a: {  	_ =	swait.ge [sflag:s19], $0x80  }
0x7b: {  	[sflag:s19] =	ssyncset.done $0x0  }
0x7c: {  	s3 =	sadd.s32 s6, s3;
	[sflag:s19] =	ssyncadd.s32 $0xFFFFFF80  }
0x7d: {  	[tilespmem:s20], [sflag:$0x3] =	stream.linear.gather [hbm4b:s3+s2], $0x80, $0x38;
	[tilespmem:$0x1CB00] =	vst v63  }
0x7e: {  	_ =	swait.ge [sflag:s19], $0x80  }
0x7f: {  	[sflag:s19] =	ssyncset.done $0x0  }
0x80: {  	[sflag:s19] =	ssyncadd.s32 $0xFFFFFF80  }
0x81: {  	[tilespmem:s22], [sflag:$0x1] =	stream.indirect.gather [hbm4b:s4+s21], $0x80, s2, s21, $0xb8;
	[tilespmem:$0x1CB00] =	vst v63  }
0x82: {  	_ =	swait.ge [sflag:s26], $0x4000  }
0x83: {  	[sflag:s26] =	ssyncset.done $0x0  }
0x84: {  	[sflag:s26] =	ssyncadd.s32 $0xFFFFC000  }
0x85: {  	[spmem:s1] =	stream.indirect.scatter.add.f32 [tilespmem:s24], [sflag:$0x3], $0x80, s23, s21, $0xb8;
	[tilespmem:$0x1CB00] =	vst v63  }
0x86: {  	_ =	swait.ge [sflag:s19], $0x4000  }
0x87: {  	[sflag:s19] =	ssyncset.done $0x0  }
0x88: {  	[sflag:s19] =	ssyncadd.s32 $0xFFFFC000  }
0x89: {  	_ =	swait.ge [sflag:s25], $0x4000  }
0x8a: {  	[sflag:s25] =	ssyncset.done $0x0  }
0x8b: {  	s11 =	rddreg [dreg:$0x6];
	[sflag:s25] =	ssyncadd.s32 $0xFFFFC000  }
0x8c: {  	[tilespmem:s28], [sflag:$0x3] =	stream.linear.gather [hbm4b:s11+s2], $0x10, $0x38;
	[tilespmem:$0x1CB00] =	vst v63  }
0x8d: {  	_ =	swait.ge [sflag:s19], $0x10  }
0x8e: {  	[sflag:s19] =	ssyncset.done $0x0  }
0x8f: {  	s12 =	rddreg [dreg:$0x7];
	[sflag:s19] =	ssyncadd.s32 $0xFFFFFFF0  }
0x90: {  	[tilespmem:s29], [sflag:$0x3] =	stream.linear.gather [hbm4b:s12+s2], $0x10, $0x38;
	[tilespmem:$0x1CB00] =	vst v63  }
0x91: {  	_ =	swait.ge [sflag:s19], $0x10  }
0x92: {  	[sflag:s19] =	ssyncset.done $0x0  }
0x93: {  	[sflag:s19] =	ssyncadd.s32 $0xFFFFFFF0  }
0x94: {  	[tilespmem:s31], [sflag:$0x1] =	stream.indirect.gather [hbm4b:s4+s30], $0x80, s28, s30, $0xb8;
	[tilespmem:$0x1CB00] =	vst v63  }
0x95: {  	_ =	swait.ge [sflag:s25], $0x800  }
0x96: {  	[sflag:s25] =	ssyncset.done $0x0  }
0x97: {  	[sflag:s25] =	ssyncadd.s32 $0xFFFFF800  }
0x98: {  	[spmem:s1] =	stream.indirect.scatter.add.f32 [tilespmem:s31], [sflag:$0x3], $0x80, s29, s30, $0xb8;
	[tilespmem:$0x1CB00] =	vst v63  }
0x99: {  	_ =	swait.ge [sflag:s19], $0x800  }
0x9a: {  	s0 =	sadd.s32 $0x1, s0;
	[sflag:s19] =	ssyncset.done $0x0  }
0x9b: {  	p0 =	sne.s32 s0, s13;
	[sflag:s19] =	ssyncadd.s32 $0xFFFFF800  }
.Ltmp1:
0x9c: {  	[bflag:$0x0] =	sbarrier.arrive $0xFFFF;
	(pc) =	sbr.rel @p0 .LBB2_1-.Ltmp1, $4  }
0x9d: {  	[hbm:s14], [sflag:s8] =	dma.local [spmem:s18], $0x2800  }
0x9e: {  	_ =	swait.ge [sflag:s19], $0x2800  }
0x9f: {  	[sflag:s19] =	ssyncset.done $0x0  }
0xa0: {  	[sflag:s19] =	ssyncadd.s32 $0xFFFFD800  }
0xa1: {  	_ =	sfence.sel $0x180000  }
0xa2: {  	[bflag:$0x0] =	sbarrier.arrive $0xFFFF  }
0xa3: {  	_ =	strace $0x9000004D  }
0xa4: {  	s0 =	stileid.u32;
	[bflag:$0x2] =	sbarrier.arrive $0xFFFF  }
0xa5: {  	p0 =	sne.s32 s0, $0x0;
	s0 =	rddreg [dreg:$0x2]  }
0xa6: {  	s0 =	sadd.s32 @!p0 $0x100000, s0  }
0xa7: {  	[sflag:s0] =	ssyncadd.tile.s32 @!p0 $0x1;
	_ =	shalt  }
.Lfunc_end2:
_tile_overlayer_lowered:
.L_overlay_start_2:
0xa8: {  	(tag) =	ssettag $0x2  }
0xa9: {  	s0 =	rddreg [dreg:$0x0];
	s2 =	stileid.u32  }
0xaa: {  	s1 =	rddreg [dreg:$0x1];
	p0 =	sne.s32 s2, $0x0  }
0xab: {  	s3 =	rddreg [dreg:$0x2];
	[bflag:$0x3] =	sbarrier.arrive $0xFFFF;
	s2 =	simm.s32 @!p0 $0x1C03  }
0xac: {  	[timem:s3], [sflag:s2] =	dma.local @!p0 [hbm:s0], s1  }
0xad: {  	s0 =	simm.s32 @!p0 $0x3  }
0xae: {  	_ =	swait.ge @!p0 [sflag:s0], s1  }
0xaf: {  	s1 =	ssub.s32 @!p0 $0x0, s1;
	[sflag:s0] =	ssyncset.done @!p0 $0x0  }
0xb0: {  	[sflag:s0] =	ssyncadd.s32 @!p0 s1  }
0xb1: {  	[bflag:$0x3] =	sbarrier.arrive $0xFFFF  }
0xb2: {  	_ =	shalt  }

</sc_bundles>
